<compile_context>
chip_gen: v7x
topology: tpu7x:2x2x1
jax: 0.10.2.dev20260603
libtpu: 0.0.44.dev20260713+nightly
codegen_flags: <defaults>
</compile_context>

<pallas_src>
import functools

import jax
import jax.numpy as jnp
from jax import lax
from jax.experimental import pallas as pl
from jax.experimental.pallas import tpu as pltpu
from jax.experimental.pallas import tpu_sc as plsc

NC, NS = 2, 16
NW = NC * NS
CWP = 128
PADR = 16

_MESH = plsc.VectorSubcoreMesh(
    core_axis_name="c", subcore_axis_name="s", num_cores=NC, num_subcores=NS)


def _make_deg_kernel(N, CH):
    NP = N + PADR

    @functools.partial(
        pl.kernel, mesh=_MESH,
        out_type=jax.ShapeDtypeStruct((NC * 2 * NP,), jnp.float32),
        scratch_types=[
            pltpu.VMEM((CH, CWP), jnp.int32),
            pltpu.VMEM((CH, CWP), jnp.int32),
            pltpu.VMEM((CWP,), jnp.float32),
            pltpu.VMEM((NP,), jnp.float32),
            pltpu.VMEM_SHARED((NP,), jnp.float32),
            pltpu.VMEM_SHARED((NP,), jnp.float32),
            pltpu.SemaphoreType.DMA,
        ])
    def deg_kernel(src_hbm, dst_hbm, z_hbm, out_hbm,
                   src_v, dst_v, ones_v, tmp_v, acc_o, acc_i, sem):
        c = lax.axis_index("c")
        s = lax.axis_index("s")
        wid = c * NS + s
        pltpu.sync_copy(src_hbm.at[wid], src_v)
        pltpu.sync_copy(dst_hbm.at[wid], dst_v)
        for i in range(CWP // 16):
            ones_v[pl.ds(i * 16, 16)] = jnp.full((16,), 1.0, jnp.float32)

        @pl.when(s == 0)
        def _():
            pltpu.sync_copy(z_hbm, acc_o)

        @pl.when(s == 1)
        def _():
            pltpu.sync_copy(z_hbm, acc_i)

        plsc.subcore_barrier()

        LAG = 4

        def body(j, carry):
            @pl.when(j >= LAG)
            def _():
                pltpu.make_async_copy(
                    ones_v, acc_o.at[src_v.at[0]], sem).wait()
                pltpu.make_async_copy(
                    ones_v, acc_i.at[dst_v.at[0]], sem).wait()

            pltpu.async_copy(ones_v, acc_o.at[src_v.at[j]], sem, add=True)
            pltpu.async_copy(ones_v, acc_i.at[dst_v.at[j]], sem, add=True)
            return carry

        lax.fori_loop(0, CH, body, 0)
        for _ in range(LAG):
            pltpu.make_async_copy(ones_v, acc_o.at[src_v.at[0]], sem).wait()
            pltpu.make_async_copy(ones_v, acc_i.at[dst_v.at[0]], sem).wait()
        plsc.subcore_barrier()

        @pl.when(s == 0)
        def _():
            pltpu.sync_copy(acc_o, tmp_v)
            pltpu.sync_copy(
                tmp_v, out_hbm.at[pl.ds(pl.multiple_of(c * 2 * NP, 8), NP)])

        @pl.when(s == 1)
        def _():
            pltpu.sync_copy(acc_i, tmp_v)
            pltpu.sync_copy(
                tmp_v,
                out_hbm.at[pl.ds(pl.multiple_of(c * 2 * NP + NP, 8), NP)])

    return deg_kernel


def _make_agg_kernel(N, D, CH, B=None):
    NP = N + PADR

    PH = (CH + 1) // 2
    if B is None:
        out_type = jax.ShapeDtypeStruct((NC, N, D), jnp.float32)
        extra_scr = []
    else:
        BPW = B // NS
        KC = BPW // CWP
        out_type = (jax.ShapeDtypeStruct((2, NC, B, D), jnp.float32),
                    jax.ShapeDtypeStruct((NS, 2 * KC, CWP), jnp.float32))
        extra_scr = [pltpu.VMEM((2 * KC, CWP), jnp.float32),
                     pltpu.SemaphoreType.DMA]

    @functools.partial(
        pl.kernel, mesh=_MESH,
        out_type=out_type,
        scratch_types=[
            pltpu.VMEM((PH, CWP), jnp.int32),
            pltpu.VMEM((PH, CWP), jnp.int32),
            pltpu.VMEM((2, CWP, D), jnp.float32),
            pltpu.VMEM((16, D), jnp.float32),
            pltpu.VMEM_SHARED((NP, D), jnp.float32),
            pltpu.SemaphoreType.DMA,
            pltpu.SemaphoreType.DMA,
        ] + extra_scr)
    def agg_kernel(h_hbm, src_hbm, dst_hbm, *rest):
        if B is None:
            (out_hbm, src_v, dst_v, rows_v, zb_v, acc, gsem, ssem) = rest
        else:
            (b_hbm, nd_hbm, e_hbm, ndo_hbm,
             src_v, dst_v, rows_v, zb_v, acc, gsem, ssem, ndb_v,
             ndsem) = rest
        c = lax.axis_index("c")
        s = lax.axis_index("s")
        wid = c * NS + s

        def zrow(i, carry):
            for jj in range(D // 16):
                zb_v[i, pl.ds(jj * 16, 16)] = jnp.zeros((16,), jnp.float32)
            return carry

        lax.fori_loop(0, 16, zrow, 0)

        rpt = (NP // NS) & ~7
        last = NP - (NS - 1) * rpt
        nz = rpt // 16 + jnp.where(s == NS - 1, (last - rpt) // 16, 0)

        def zcopy(i, carry):
            r0 = pl.multiple_of(s * rpt + i * 16, 8)
            pltpu.sync_copy(zb_v, acc.at[pl.ds(r0, 16)])
            return carry

        lax.fori_loop(0, nz, zcopy, 0)
        plsc.subcore_barrier()

        def phase(base, nj):
            pltpu.sync_copy(src_hbm.at[wid].at[pl.ds(base, nj)],
                            src_v.at[pl.ds(0, nj)])
            pltpu.sync_copy(dst_hbm.at[wid].at[pl.ds(base, nj)],
                            dst_v.at[pl.ds(0, nj)])
            pltpu.async_copy(h_hbm.at[src_v.at[0]], rows_v.at[0], gsem)

            def body(j, carry):
                cur = lax.rem(j, 2)

                @pl.when(j >= 1)
                def _():
                    pltpu.make_async_copy(
                        rows_v.at[1 - cur], acc.at[dst_v.at[0]], ssem).wait()

                @pl.when(j + 1 < nj)
                def _():
                    pltpu.async_copy(
                        h_hbm.at[src_v.at[j + 1]], rows_v.at[1 - cur], gsem)

                pltpu.make_async_copy(
                    h_hbm.at[src_v.at[j]], rows_v.at[cur], gsem).wait()
                pltpu.async_copy(rows_v.at[cur], acc.at[dst_v.at[j]], ssem,
                                 add=True)
                return carry

            lax.fori_loop(0, nj, body, 0)
            pltpu.make_async_copy(
                rows_v.at[0], acc.at[dst_v.at[0]], ssem).wait()

        phase(0, PH)
        phase(PH, CH - PH)
        plsc.subcore_barrier()

        if B is None:
            wpt = (N // NS) & ~7
            wlast = N - (NS - 1) * wpt
            row0 = pl.multiple_of(s * wpt, 8)

            @pl.when(s < NS - 1)
            def _():
                pltpu.sync_copy(acc.at[pl.ds(row0, wpt)],
                                out_hbm.at[c].at[pl.ds(row0, wpt)])

            @pl.when(s == NS - 1)
            def _():
                pltpu.sync_copy(acc.at[pl.ds((NS - 1) * wpt, wlast)],
                                out_hbm.at[c].at[pl.ds((NS - 1) * wpt, wlast)])
        else:
            chunks = [(h, k) for h in range(2) for k in range(KC)]
            for i, (h, k) in enumerate(chunks):
                q = i % 2
                off = s * BPW + k * CWP
                if i >= 2:
                    @pl.when(c == 0)
                    def _():
                        pltpu.make_async_copy(
                            nd_hbm.at[src_v.at[q]], ndb_v.at[0],
                            ndsem).wait()

                pltpu.sync_copy(
                    b_hbm.at[pl.ds(pl.multiple_of(h * B + off, 8), CWP)],
                    src_v.at[q])
                pltpu.async_copy(
                    acc.at[src_v.at[q]], rows_v.at[q], gsem).wait()

                @pl.when(c == 0)
                def _():
                    pltpu.async_copy(nd_hbm.at[src_v.at[q]],
                                     ndb_v.at[h * KC + k], ndsem)

                if i >= 2:
                    pltpu.make_async_copy(
                        rows_v.at[q],
                        e_hbm.at[0].at[c].at[pl.ds(0, CWP)], ssem).wait()
                pltpu.async_copy(
                    rows_v.at[q],
                    e_hbm.at[h].at[c].at[pl.ds(pl.multiple_of(off, 8), CWP)],
                    ssem)
            for q in (0, 1):
                pltpu.make_async_copy(
                    rows_v.at[q],
                    e_hbm.at[0].at[c].at[pl.ds(0, CWP)], ssem).wait()

            @pl.when(c == 0)
            def _():
                pltpu.make_async_copy(
                    nd_hbm.at[src_v.at[0]], ndb_v.at[0], ndsem).wait()
                pltpu.make_async_copy(
                    nd_hbm.at[src_v.at[0]], ndb_v.at[0], ndsem).wait()
                pltpu.sync_copy(ndb_v, ndo_hbm.at[s])

    return agg_kernel


def _make_take_kernel(N, D, B):
    BPW = B // NW

    @functools.partial(
        pl.kernel, mesh=_MESH,
        out_type=jax.ShapeDtypeStruct((2, B, D), jnp.float32),
        scratch_types=[
            pltpu.VMEM((BPW,), jnp.int32),
            pltpu.VMEM((BPW, D), jnp.float32),
            pltpu.SemaphoreType.DMA,
        ])
    def take_kernel(v_hbm, b_hbm, out_hbm, bidx_v, rows_v, sem):
        c = lax.axis_index("c")
        s = lax.axis_index("s")
        wid = c * NS + s
        for h in range(2):
            pltpu.sync_copy(
                b_hbm.at[pl.ds(pl.multiple_of(h * B + wid * BPW, 8), BPW)],
                bidx_v)
            pltpu.async_copy(v_hbm.at[bidx_v], rows_v, sem).wait()
            pltpu.sync_copy(
                rows_v,
                out_hbm.at[h].at[pl.ds(pl.multiple_of(wid * BPW, 8), BPW)])

    return take_kernel


def _leaky(x):
    return jnp.where(x > 0, x, 0.01 * x)


def _bn(v, g, bt):
    mu = jnp.mean(v, axis=0, keepdims=True)
    var = jnp.mean((v - mu) ** 2, axis=0, keepdims=True)
    return g * (v - mu) / jnp.sqrt(var + 1e-5) + bt


def _tc1_body(x_ref, dp_ref, w1_ref, h1_ref, nsnd_ref):
    N = x_ref.shape[0]
    d = dp_ref[...]
    deg_o = d[:, 0:1] + d[:, 2:3]
    deg_i = d[:, 1:2] + d[:, 3:4]
    ns = lax.rsqrt(jnp.maximum(deg_o, 1.0))
    nd = lax.rsqrt(jnp.maximum(deg_i, 1.0))
    h1_ref[pl.ds(0, N), :] = jnp.dot(x_ref[...] * ns, w1_ref[...],
                                     preferred_element_type=jnp.float32)
    h1_ref[pl.ds(N, PADR), :] = jnp.zeros((PADR, h1_ref.shape[1]),
                                          jnp.float32)
    nsnd_ref[...] = jnp.concatenate([ns, nd], axis=1)


def _tc2_body(p_ref, nsnd_ref, b1_ref, g1_ref, bt1_ref, w2_ref, h2_ref):
    N = p_ref.shape[1]
    ns = nsnd_ref[:, 0:1]
    nd = nsnd_ref[:, 1:2]
    v = (p_ref[0] + p_ref[1]) * nd + b1_ref[...]
    v = _leaky(_bn(v, g1_ref[...], bt1_ref[...]))
    h2_ref[pl.ds(0, N), :] = jnp.dot(v * ns, w2_ref[...],
                                     preferred_element_type=jnp.float32)
    h2_ref[pl.ds(N, PADR), :] = jnp.zeros((PADR, h2_ref.shape[1]),
                                          jnp.float32)


def _tc3_body(p_ref, nsnd_ref, b2_ref, v2_ref):
    nd = nsnd_ref[:, 1:2]
    v2_ref[...] = jnp.maximum((p_ref[0] + p_ref[1]) * nd + b2_ref[...], 0.0)


def _tc4_body(e_ref, ndg_ref, b2_ref, f1w_ref, f1b_ref, g2_ref, bt2_ref,
              f2w_ref, f2b_ref, f3w_ref, f3b_ref, out_ref):
    vs = []
    for h in range(2):
        v = ((e_ref[h, 0] + e_ref[h, 1]) * ndg_ref[h][:, None]
             + b2_ref[...])
        vs.append(jnp.maximum(v, 0.0))
    emb = vs[0] - vs[1]
    t = jnp.dot(emb, f1w_ref[...],
                preferred_element_type=jnp.float32) + f1b_ref[...]
    t = _leaky(_bn(t, g2_ref[...], bt2_ref[...]))
    t = _leaky(jnp.dot(t, f2w_ref[...],
                       preferred_element_type=jnp.float32) + f2b_ref[...])
    out_ref[...] = jnp.dot(t, f3w_ref[...],
                           preferred_element_type=jnp.float32) + f3b_ref[...]


def kernel(x, edge_index, batch, W1, b1, W2, b2, g1, bt1, g2, bt2,
           fc1_w, fc1_b, fc2_w, fc2_b, fc3_w, fc3_b):
    N, D = x.shape
    E = edge_index.shape[1]
    B = batch.shape[1]
    H1 = W1.shape[1]
    H2 = fc1_w.shape[0]
    NP = N + PADR
    EPT = E // NW
    CH = -(-EPT // CWP)
    PADE = CH * CWP - EPT
    assert E == NW * EPT and B % NW == 0

    pad = (jnp.arange(PADE, dtype=jnp.int32) % PADR) + N
    padw = jnp.broadcast_to(pad, (NW, PADE))
    src_r = jnp.concatenate(
        [edge_index[0].reshape(NW, EPT), padw], axis=1).reshape(NW, CH, CWP)
    dst_r = jnp.concatenate(
        [edge_index[1].reshape(NW, EPT), padw], axis=1).reshape(NW, CH, CWP)
    zN = jnp.zeros((NP,), jnp.float32)

    deg = _make_deg_kernel(N, CH)(src_r, dst_r, zN).reshape(NC, 2, NP)
    dp = jnp.transpose(deg[:, :, :N], (2, 0, 1)).reshape(N, 2 * NC)

    h1, nsnd = pl.pallas_call(
        _tc1_body,
        out_shape=(jax.ShapeDtypeStruct((NP, H1), jnp.float32),
                   jax.ShapeDtypeStruct((N, 2), jnp.float32)),
    )(x, dp, W1)

    agg = _make_agg_kernel(N, H1, CH)
    p1 = agg(h1, src_r, dst_r)

    h2 = pl.pallas_call(
        _tc2_body,
        out_shape=jax.ShapeDtypeStruct((NP, H1), jnp.float32),
    )(p1, nsnd, b1.reshape(1, H1), g1.reshape(1, H1), bt1.reshape(1, H1), W2)

    ndcol = nsnd[:, 1]
    e01, ndo = _make_agg_kernel(N, H1, CH, B=B)(
        h2, src_r, dst_r, batch.reshape(2 * B), ndcol)
    KC = B // NS // CWP
    ndg = jnp.transpose(ndo.reshape(NS, 2, KC, CWP),
                        (1, 0, 2, 3)).reshape(2, B)

    out = pl.pallas_call(
        _tc4_body,
        out_shape=jax.ShapeDtypeStruct((B, 1), jnp.float32),
    )(e01, ndg, b2.reshape(1, H1), fc1_w.T, fc1_b.reshape(1, H2),
      g2.reshape(1, H2), bt2.reshape(1, H2), fc2_w.T, fc2_b.reshape(1, H2),
      fc3_w.T, fc3_b.reshape(1, 1))
    return out

# --- scband reference (transcript-rebuilt; emitter-appended) ---
"""Pipeline reference for scband-model-37563783971389 (READ-ONLY COPY).

The authoritative reference and input builder live on the scoring server;
editing this copy changes nothing except your own understanding.
"""

import jax, jax.numpy as jnp
import numpy as np

N = 10000
E = 320000
D = 128
H1 = 128
H2 = 64
B = 4096


def _leaky(x):
    return jnp.where(x > 0, x, 0.01 * x)


def _batchnorm(x, gamma, beta, eps=1e-5):
    mu = jnp.mean(x, axis=0, keepdims=True)
    var = jnp.var(x, axis=0, keepdims=True)
    return gamma * (x - mu) / jnp.sqrt(var + eps) + beta


def _graph_conv(x, src, dst, W, b, n_nodes):
    # DGL GraphConv with norm='both': D^{-1/2} A D^{-1/2} X W + b
    deg_out = jnp.zeros((n_nodes,), jnp.float32).at[src].add(1.0)
    deg_in = jnp.zeros((n_nodes,), jnp.float32).at[dst].add(1.0)
    ns = jnp.power(jnp.clip(deg_out, 1.0, None), -0.5)
    nd = jnp.power(jnp.clip(deg_in, 1.0, None), -0.5)
    h = (x * ns[:, None]) @ W
    agg = jnp.zeros((n_nodes, W.shape[1]), x.dtype).at[dst].add(h[src])
    return agg * nd[:, None] + b


def setup_inputs(seed: int = 0):
    key = jax.random.key(seed)
    ks = jax.random.split(key, 8)
    x = jax.random.normal(ks[0], (N, D), dtype=jnp.float32)
    edge_index = jax.random.randint(ks[1], (2, E), 0, N, dtype=jnp.int32)
    batch = jax.random.randint(ks[2], (2, B), 0, N, dtype=jnp.int32)

    def lin(k, fi, fo):
        bound = 1.0 / np.sqrt(fi)
        kw, kb = jax.random.split(k)
        W = jax.random.uniform(kw, (fo, fi), jnp.float32, -bound, bound)
        b = jax.random.uniform(kb, (fo,), jnp.float32, -bound, bound)
        return W, b

    W1, b1 = lin(ks[3], D, H1)
    W1 = W1.T
    W2, b2 = lin(ks[4], H1, H1)
    W2 = W2.T
    fc1_w, fc1_b = lin(ks[5], H1, H2)
    fc2_w, fc2_b = lin(ks[6], H2, H2)
    fc3_w, fc3_b = lin(ks[7], H2, 1)
    return {
        "x": x, "edge_index": edge_index, "batch": batch,
        "W1": W1, "b1": b1, "W2": W2, "b2": b2,
        "g1": jnp.ones((H1,), jnp.float32), "bt1": jnp.zeros((H1,), jnp.float32),
        "g2": jnp.ones((H2,), jnp.float32), "bt2": jnp.zeros((H2,), jnp.float32),
        "fc1_w": fc1_w, "fc1_b": fc1_b,
        "fc2_w": fc2_w, "fc2_b": fc2_b,
        "fc3_w": fc3_w, "fc3_b": fc3_b,
    }


def reference(x, edge_index, batch, W1, b1, W2, b2, g1, bt1, g2, bt2,
              fc1_w, fc1_b, fc2_w, fc2_b, fc3_w, fc3_b):
    src, dst = edge_index[0], edge_index[1]
    n = x.shape[0]
    v = _graph_conv(x, src, dst, W1, b1, n)
    v = _batchnorm(v, g1, bt1)
    v = _leaky(v)
    v = _graph_conv(v, src, dst, W2, b2, n)
    v = jax.nn.relu(v)
    emb = v[batch[0]] - v[batch[1]]
    emb = emb @ fc1_w.T + fc1_b
    emb = _batchnorm(emb, g2, bt2)
    emb = _leaky(emb)
    emb = _leaky(emb @ fc2_w.T + fc2_b)
    emb = emb @ fc3_w.T + fc3_b
    return emb

if __name__ == "__main__":
    import jax
    _d = setup_inputs()
    print(jax.jit(kernel)(*tuple(_d.values())))

</pallas_src>

<mosaic_0001>
#map = affine_map<(d0, d1) -> (0, 0, 0)>
#map1 = affine_map<(d0, d1) -> (0)>
module attributes {stable_mosaic.version = 14 : i64} {
  func.func @deg_kernel(%arg0: i32, %arg1: i32, %arg2: memref<32x79x128xi32, #tpu.memory_space<hbm>>, %arg3: memref<32x79x128xi32, #tpu.memory_space<hbm>>, %arg4: memref<10016xf32, #tpu.memory_space<hbm>>, %arg5: memref<40064xf32, #tpu.memory_space<hbm>>, %arg6: memref<79x128xi32, #tpu.memory_space<vmem>>, %arg7: memref<79x128xi32, #tpu.memory_space<vmem>>, %arg8: memref<128xf32, #tpu.memory_space<vmem>>, %arg9: memref<10016xf32, #tpu.memory_space<vmem>>, %arg10: memref<10016xf32, #tpu.memory_space<vmem_shared>>, %arg11: memref<10016xf32, #tpu.memory_space<vmem_shared>>, %arg12: memref<!tpu.dma_semaphore, #tpu.memory_space<semaphore_mem>>) attributes {dimension_semantics = [#tpu.dimension_semantics<core_parallel>, #tpu.dimension_semantics<subcore_parallel>], iteration_bounds = array<i64: 2, 16>, scalar_prefetch = 0 : i64, scratch_operands = 7 : i64, tpu.core_type = #tpu.core_type<sc_vector_subcore>, window_params = [{transform_indices = #map}, {transform_indices = #map}, {transform_indices = #map1}, {transform_indices = #map1}]} {
    %mul3A = arith.constant 16 : i32
    %mul3A_0 = arith.muli %arg0, %mul3A : i32
    %add3A = arith.addi %mul3A_0, %arg1 : i32
    "tpu.region"() ({
      %run_scoped3A = tpu.sem_alloc : memref<!tpu.dma_semaphore, #tpu.memory_space<semaphore_mem>>
      %dma_start3A = arith.constant 0 : i32
      %dma_start3A_117 = arith.constant 0 : i32
      %dma_start3A_118 = tpu.memref_slice %arg2[%add3A, %dma_start3A, %dma_start3A_117] : memref<32x79x128xi32, #tpu.memory_space<hbm>> -> memref<1x79x128xi32, #tpu.memory_space<hbm>>
      %dma_start3A_119 = tpu.memref_squeeze %dma_start3A_118 : memref<1x79x128xi32, #tpu.memory_space<hbm>> -> memref<79x128xi32, #tpu.memory_space<hbm>>
      %dma_start3A_120 = arith.constant 0 : i32
      %dma_start3A_121 = arith.constant 0 : i32
      %dma_start3A_122 = tpu.memref_slice %arg2[%add3A, %dma_start3A_120, %dma_start3A_121] : memref<32x79x128xi32, #tpu.memory_space<hbm>> -> memref<1x79x128xi32, #tpu.memory_space<hbm>>
      %dma_start3A_123 = tpu.memref_squeeze %dma_start3A_122 : memref<1x79x128xi32, #tpu.memory_space<hbm>> -> memref<79x128xi32, #tpu.memory_space<hbm>>
      tpu.enqueue_dma source(%dma_start3A_123 : memref<79x128xi32, #tpu.memory_space<hbm>>) target(%arg6 : memref<79x128xi32, #tpu.memory_space<vmem>>) target_semaphore(%run_scoped3A : memref<!tpu.dma_semaphore, #tpu.memory_space<semaphore_mem>>)
      %dma_wait3A_124 = arith.constant 0 : i32
      %dma_wait3A_125 = arith.constant 0 : i32
      %dma_wait3A_126 = tpu.memref_slice %arg2[%add3A, %dma_wait3A_124, %dma_wait3A_125] : memref<32x79x128xi32, #tpu.memory_space<hbm>> -> memref<1x79x128xi32, #tpu.memory_space<hbm>>
      %dma_wait3A_127 = tpu.memref_squeeze %dma_wait3A_126 : memref<1x79x128xi32, #tpu.memory_space<hbm>> -> memref<79x128xi32, #tpu.memory_space<hbm>>
      %dma_wait3A_128 = arith.constant 0 : i32
      %dma_wait3A_129 = arith.constant 0 : i32
      %dma_wait3A_130 = tpu.memref_slice %arg2[%add3A, %dma_wait3A_128, %dma_wait3A_129] : memref<32x79x128xi32, #tpu.memory_space<hbm>> -> memref<1x79x128xi32, #tpu.memory_space<hbm>>
      %dma_wait3A_131 = tpu.memref_squeeze %dma_wait3A_130 : memref<1x79x128xi32, #tpu.memory_space<hbm>> -> memref<79x128xi32, #tpu.memory_space<hbm>>
      tpu.wait_dma2 semaphore(%run_scoped3A : memref<!tpu.dma_semaphore, #tpu.memory_space<semaphore_mem>>) src(%dma_wait3A_131 : memref<79x128xi32, #tpu.memory_space<hbm>>) dst(%arg6 : memref<79x128xi32, #tpu.memory_space<vmem>>)
      tpu.yield
    }) : () -> ()
    "tpu.region"() ({
      %run_scoped3A = tpu.sem_alloc : memref<!tpu.dma_semaphore, #tpu.memory_space<semaphore_mem>>
      %dma_start3A = arith.constant 0 : i32
      %dma_start3A_117 = arith.constant 0 : i32
      %dma_start3A_118 = tpu.memref_slice %arg3[%add3A, %dma_start3A, %dma_start3A_117] : memref<32x79x128xi32, #tpu.memory_space<hbm>> -> memref<1x79x128xi32, #tpu.memory_space<hbm>>
      %dma_start3A_119 = tpu.memref_squeeze %dma_start3A_118 : memref<1x79x128xi32, #tpu.memory_space<hbm>> -> memref<79x128xi32, #tpu.memory_space<hbm>>
      %dma_start3A_120 = arith.constant 0 : i32
      %dma_start3A_121 = arith.constant 0 : i32
      %dma_start3A_122 = tpu.memref_slice %arg3[%add3A, %dma_start3A_120, %dma_start3A_121] : memref<32x79x128xi32, #tpu.memory_space<hbm>> -> memref<1x79x128xi32, #tpu.memory_space<hbm>>
      %dma_start3A_123 = tpu.memref_squeeze %dma_start3A_122 : memref<1x79x128xi32, #tpu.memory_space<hbm>> -> memref<79x128xi32, #tpu.memory_space<hbm>>
      tpu.enqueue_dma source(%dma_start3A_123 : memref<79x128xi32, #tpu.memory_space<hbm>>) target(%arg7 : memref<79x128xi32, #tpu.memory_space<vmem>>) target_semaphore(%run_scoped3A : memref<!tpu.dma_semaphore, #tpu.memory_space<semaphore_mem>>)
      %dma_wait3A_124 = arith.constant 0 : i32
      %dma_wait3A_125 = arith.constant 0 : i32
      %dma_wait3A_126 = tpu.memref_slice %arg3[%add3A, %dma_wait3A_124, %dma_wait3A_125] : memref<32x79x128xi32, #tpu.memory_space<hbm>> -> memref<1x79x128xi32, #tpu.memory_space<hbm>>
      %dma_wait3A_127 = tpu.memref_squeeze %dma_wait3A_126 : memref<1x79x128xi32, #tpu.memory_space<hbm>> -> memref<79x128xi32, #tpu.memory_space<hbm>>
      %dma_wait3A_128 = arith.constant 0 : i32
      %dma_wait3A_129 = arith.constant 0 : i32
      %dma_wait3A_130 = tpu.memref_slice %arg3[%add3A, %dma_wait3A_128, %dma_wait3A_129] : memref<32x79x128xi32, #tpu.memory_space<hbm>> -> memref<1x79x128xi32, #tpu.memory_space<hbm>>
      %dma_wait3A_131 = tpu.memref_squeeze %dma_wait3A_130 : memref<1x79x128xi32, #tpu.memory_space<hbm>> -> memref<79x128xi32, #tpu.memory_space<hbm>>
      tpu.wait_dma2 semaphore(%run_scoped3A : memref<!tpu.dma_semaphore, #tpu.memory_space<semaphore_mem>>) src(%dma_wait3A_131 : memref<79x128xi32, #tpu.memory_space<hbm>>) dst(%arg7 : memref<79x128xi32, #tpu.memory_space<vmem>>)
      tpu.yield
    }) : () -> ()
    %broadcast_in_dim3A = arith.constant 1.000000e+00 : f32
    %broadcast_in_dim3A_1 = vector.broadcast %broadcast_in_dim3A : f32 to vector<16xf32>
    %swap3A = arith.constant 0 : index
    %swap3A_2 = tpu.vector_load %arg8[%swap3A] {strides = array<i32>} : memref<128xf32, #tpu.memory_space<vmem>>, vector<16xf32>,
    %swap3A_3 = vector.shape_cast %swap3A_2 : vector<16xf32> to vector<16xf32>
    %swap3A_4 = vector.shape_cast %broadcast_in_dim3A_1 : vector<16xf32> to vector<16xf32>
    tpu.vector_store %arg8[%swap3A], %swap3A_4 {strides = array<i32>} : memref<128xf32, #tpu.memory_space<vmem>>, vector<16xf32>,
    %broadcast_in_dim3A_5 = arith.constant 1.000000e+00 : f32
    %broadcast_in_dim3A_6 = vector.broadcast %broadcast_in_dim3A_5 : f32 to vector<16xf32>
    %swap3A_7 = arith.constant 16 : index
    %swap3A_8 = tpu.vector_load %arg8[%swap3A_7] {strides = array<i32>} : memref<128xf32, #tpu.memory_space<vmem>>, vector<16xf32>,
    %swap3A_9 = vector.shape_cast %swap3A_8 : vector<16xf32> to vector<16xf32>
    %swap3A_10 = vector.shape_cast %broadcast_in_dim3A_6 : vector<16xf32> to vector<16xf32>
    tpu.vector_store %arg8[%swap3A_7], %swap3A_10 {strides = array<i32>} : memref<128xf32, #tpu.memory_space<vmem>>, vector<16xf32>,
    %broadcast_in_dim3A_11 = arith.constant 1.000000e+00 : f32
    %broadcast_in_dim3A_12 = vector.broadcast %broadcast_in_dim3A_11 : f32 to vector<16xf32>
    %swap3A_13 = arith.constant 32 : index
    %swap3A_14 = tpu.vector_load %arg8[%swap3A_13] {strides = array<i32>} : memref<128xf32, #tpu.memory_space<vmem>>, vector<16xf32>,
    %swap3A_15 = vector.shape_cast %swap3A_14 : vector<16xf32> to vector<16xf32>
    %swap3A_16 = vector.shape_cast %broadcast_in_dim3A_12 : vector<16xf32> to vector<16xf32>
    tpu.vector_store %arg8[%swap3A_13], %swap3A_16 {strides = array<i32>} : memref<128xf32, #tpu.memory_space<vmem>>, vector<16xf32>,
    %broadcast_in_dim3A_17 = arith.constant 1.000000e+00 : f32
    %broadcast_in_dim3A_18 = vector.broadcast %broadcast_in_dim3A_17 : f32 to vector<16xf32>
    %swap3A_19 = arith.constant 48 : index
    %swap3A_20 = tpu.vector_load %arg8[%swap3A_19] {strides = array<i32>} : memref<128xf32, #tpu.memory_space<vmem>>, vector<16xf32>,
    %swap3A_21 = vector.shape_cast %swap3A_20 : vector<16xf32> to vector<16xf32>
    %swap3A_22 = vector.shape_cast %broadcast_in_dim3A_18 : vector<16xf32> to vector<16xf32>
    tpu.vector_store %arg8[%swap3A_19], %swap3A_22 {strides = array<i32>} : memref<128xf32, #tpu.memory_space<vmem>>, vector<16xf32>,
    %broadcast_in_dim3A_23 = arith.constant 1.000000e+00 : f32
    %broadcast_in_dim3A_24 = vector.broadcast %broadcast_in_dim3A_23 : f32 to vector<16xf32>
    %swap3A_25 = arith.constant 64 : index
    %swap3A_26 = tpu.vector_load %arg8[%swap3A_25] {strides = array<i32>} : memref<128xf32, #tpu.memory_space<vmem>>, vector<16xf32>,
    %swap3A_27 = vector.shape_cast %swap3A_26 : vector<16xf32> to vector<16xf32>
    %swap3A_28 = vector.shape_cast %broadcast_in_dim3A_24 : vector<16xf32> to vector<16xf32>
    tpu.vector_store %arg8[%swap3A_25], %swap3A_28 {strides = array<i32>} : memref<128xf32, #tpu.memory_space<vmem>>, vector<16xf32>,
    %broadcast_in_dim3A_29 = arith.constant 1.000000e+00 : f32
    %broadcast_in_dim3A_30 = vector.broadcast %broadcast_in_dim3A_29 : f32 to vector<16xf32>
    %swap3A_31 = arith.constant 80 : index
    %swap3A_32 = tpu.vector_load %arg8[%swap3A_31] {strides = array<i32>} : memref<128xf32, #tpu.memory_space<vmem>>, vector<16xf32>,
    %swap3A_33 = vector.shape_cast %swap3A_32 : vector<16xf32> to vector<16xf32>
    %swap3A_34 = vector.shape_cast %broadcast_in_dim3A_30 : vector<16xf32> to vector<16xf32>
    tpu.vector_store %arg8[%swap3A_31], %swap3A_34 {strides = array<i32>} : memref<128xf32, #tpu.memory_space<vmem>>, vector<16xf32>,
    %broadcast_in_dim3A_35 = arith.constant 1.000000e+00 : f32
    %broadcast_in_dim3A_36 = vector.broadcast %broadcast_in_dim3A_35 : f32 to vector<16xf32>
    %swap3A_37 = arith.constant 96 : index
    %swap3A_38 = tpu.vector_load %arg8[%swap3A_37] {strides = array<i32>} : memref<128xf32, #tpu.memory_space<vmem>>, vector<16xf32>,
    %swap3A_39 = vector.shape_cast %swap3A_38 : vector<16xf32> to vector<16xf32>
    %swap3A_40 = vector.shape_cast %broadcast_in_dim3A_36 : vector<16xf32> to vector<16xf32>
    tpu.vector_store %arg8[%swap3A_37], %swap3A_40 {strides = array<i32>} : memref<128xf32, #tpu.memory_space<vmem>>, vector<16xf32>,
    %broadcast_in_dim3A_41 = arith.constant 1.000000e+00 : f32
    %broadcast_in_dim3A_42 = vector.broadcast %broadcast_in_dim3A_41 : f32 to vector<16xf32>
    %swap3A_43 = arith.constant 112 : index
    %swap3A_44 = tpu.vector_load %arg8[%swap3A_43] {strides = array<i32>} : memref<128xf32, #tpu.memory_space<vmem>>, vector<16xf32>,
    %swap3A_45 = vector.shape_cast %swap3A_44 : vector<16xf32> to vector<16xf32>
    %swap3A_46 = vector.shape_cast %broadcast_in_dim3A_42 : vector<16xf32> to vector<16xf32>
    tpu.vector_store %arg8[%swap3A_43], %swap3A_46 {strides = array<i32>} : memref<128xf32, #tpu.memory_space<vmem>>, vector<16xf32>,
    %eq3A = arith.constant 0 : i32
    %eq3A_47 = arith.cmpi eq, %arg1, %eq3A : i32
    %convert_element_type3A = arith.extui %eq3A_47 : i1 to i32
    %cond3A = arith.constant 0 : i32
    %cond3A_48 = arith.cmpi ne, %convert_element_type3A, %cond3A : i32
    scf.if %cond3A_48 {
      "tpu.region"() ({
        %run_scoped3A = tpu.sem_alloc : memref<!tpu.dma_semaphore, #tpu.memory_space<semaphore_mem>>
        tpu.enqueue_dma source(%arg4 : memref<10016xf32, #tpu.memory_space<hbm>>) target(%arg10 : memref<10016xf32, #tpu.memory_space<vmem_shared>>) target_semaphore(%run_scoped3A : memref<!tpu.dma_semaphore, #tpu.memory_space<semaphore_mem>>)
        tpu.wait_dma2 semaphore(%run_scoped3A : memref<!tpu.dma_semaphore, #tpu.memory_space<semaphore_mem>>) src(%arg4 : memref<10016xf32, #tpu.memory_space<hbm>>) dst(%arg10 : memref<10016xf32, #tpu.memory_space<vmem_shared>>)
        tpu.yield
      }) : () -> ()
    } else {
    }
    %eq3A_49 = arith.constant 1 : i32
    %eq3A_50 = arith.cmpi eq, %arg1, %eq3A_49 : i32
    %convert_element_type3A_51 = arith.extui %eq3A_50 : i1 to i32
    %cond3A_52 = arith.constant 0 : i32
    %cond3A_53 = arith.cmpi ne, %convert_element_type3A_51, %cond3A_52 : i32
    scf.if %cond3A_53 {
      "tpu.region"() ({
        %run_scoped3A = tpu.sem_alloc : memref<!tpu.dma_semaphore, #tpu.memory_space<semaphore_mem>>
        tpu.enqueue_dma source(%arg4 : memref<10016xf32, #tpu.memory_space<hbm>>) target(%arg11 : memref<10016xf32, #tpu.memory_space<vmem_shared>>) target_semaphore(%run_scoped3A : memref<!tpu.dma_semaphore, #tpu.memory_space<semaphore_mem>>)
        tpu.wait_dma2 semaphore(%run_scoped3A : memref<!tpu.dma_semaphore, #tpu.memory_space<semaphore_mem>>) src(%arg4 : memref<10016xf32, #tpu.memory_space<hbm>>) dst(%arg11 : memref<10016xf32, #tpu.memory_space<vmem_shared>>)
        tpu.yield
      }) : () -> ()
    } else {
    }
    %barrier3A = arith.constant 0 : index
    tpu.barrier barrier_id(%barrier3A)
    %scan3A = arith.constant 0 : i32
    %scan3A_54 = arith.constant 0 : i32
    %scan3A_55 = arith.constant 79 : i32
    %scan3A_56 = arith.addi %scan3A_54, %scan3A_55 : i32
    %scan3A_57 = arith.constant 1 : i32
    scf.for %scan3A_117 = %scan3A_54 to %scan3A_56 step %scan3A_57  : i32 {
      %ge3A = arith.constant 4 : i32
      %ge3A_118 = arith.cmpi sge, %scan3A_117, %ge3A : i32
      %convert_element_type3A_119 = arith.extui %ge3A_118 : i1 to i32
      %cond3A_120 = arith.constant 0 : i32
      %cond3A_121 = arith.cmpi ne, %convert_element_type3A_119, %cond3A_120 : i32
      scf.if %cond3A_121 {
        %dma_wait3A_131 = arith.constant 0 : i32
        %dma_wait3A_132 = arith.constant 0 : i32
        %dma_wait3A_133 = tpu.memref_slice %arg6[%dma_wait3A_131, %dma_wait3A_132] : memref<79x128xi32, #tpu.memory_space<vmem>> -> memref<1x128xi32, #tpu.memory_space<vmem>>
        %dma_wait3A_134 = tpu.memref_squeeze %dma_wait3A_133 : memref<1x128xi32, #tpu.memory_space<vmem>> -> memref<128xi32, #tpu.memory_space<vmem>>
        %dma_wait3A_135 = arith.constant 0 : i32
        %dma_wait3A_136 = tpu.memref_slice %arg10[%dma_wait3A_135] : memref<10016xf32, #tpu.memory_space<vmem_shared>> -> memref<10016xf32, #tpu.memory_space<vmem_shared>>
        tpu.wait_indirect_dma semaphore(%arg12 : memref<!tpu.dma_semaphore, #tpu.memory_space<semaphore_mem>>) src(%arg8 : memref<128xf32, #tpu.memory_space<vmem>>) dst(%dma_wait3A_136 : memref<10016xf32, #tpu.memory_space<vmem_shared>>)
        %dma_wait3A_137 = arith.constant 0 : i32
        %dma_wait3A_138 = arith.constant 0 : i32
        %dma_wait3A_139 = tpu.memref_slice %arg7[%dma_wait3A_137, %dma_wait3A_138] : memref<79x128xi32, #tpu.memory_space<vmem>> -> memref<1x128xi32, #tpu.memory_space<vmem>>
        %dma_wait3A_140 = tpu.memref_squeeze %dma_wait3A_139 : memref<1x128xi32, #tpu.memory_space<vmem>> -> memref<128xi32, #tpu.memory_space<vmem>>
        %dma_wait3A_141 = arith.constant 0 : i32
        %dma_wait3A_142 = tpu.memref_slice %arg11[%dma_wait3A_141] : memref<10016xf32, #tpu.memory_space<vmem_shared>> -> memref<10016xf32, #tpu.memory_space<vmem_shared>>
        tpu.wait_indirect_dma semaphore(%arg12 : memref<!tpu.dma_semaphore, #tpu.memory_space<semaphore_mem>>) src(%arg8 : memref<128xf32, #tpu.memory_space<vmem>>) dst(%dma_wait3A_142 : memref<10016xf32, #tpu.memory_space<vmem_shared>>)
      } else {
      }
      %dma_start3A = arith.constant 0 : i32
      %dma_start3A_122 = tpu.memref_slice %arg6[%scan3A_117, %dma_start3A] : memref<79x128xi32, #tpu.memory_space<vmem>> -> memref<1x128xi32, #tpu.memory_space<vmem>>
      %dma_start3A_123 = tpu.memref_squeeze %dma_start3A_122 : memref<1x128xi32, #tpu.memory_space<vmem>> -> memref<128xi32, #tpu.memory_space<vmem>>
      %dma_start3A_124 = arith.constant 0 : i32
      %dma_start3A_125 = tpu.memref_slice %arg10[%dma_start3A_124] : memref<10016xf32, #tpu.memory_space<vmem_shared>> -> memref<10016xf32, #tpu.memory_space<vmem_shared>>
      tpu.enqueue_indirect_dma source(%arg8 : memref<128xf32, #tpu.memory_space<vmem>>) target(%dma_start3A_125 : memref<10016xf32, #tpu.memory_space<vmem_shared>>) offsets(%dma_start3A_123 : memref<128xi32, #tpu.memory_space<vmem>>) semaphore(%arg12 : memref<!tpu.dma_semaphore, #tpu.memory_space<semaphore_mem>>) {add = true}
      %dma_start3A_126 = arith.constant 0 : i32
      %dma_start3A_127 = tpu.memref_slice %arg7[%scan3A_117, %dma_start3A_126] : memref<79x128xi32, #tpu.memory_space<vmem>> -> memref<1x128xi32, #tpu.memory_space<vmem>>
      %dma_start3A_128 = tpu.memref_squeeze %dma_start3A_127 : memref<1x128xi32, #tpu.memory_space<vmem>> -> memref<128xi32, #tpu.memory_space<vmem>>
      %dma_start3A_129 = arith.constant 0 : i32
      %dma_start3A_130 = tpu.memref_slice %arg11[%dma_start3A_129] : memref<10016xf32, #tpu.memory_space<vmem_shared>> -> memref<10016xf32, #tpu.memory_space<vmem_shared>>
      tpu.enqueue_indirect_dma source(%arg8 : memref<128xf32, #tpu.memory_space<vmem>>) target(%dma_start3A_130 : memref<10016xf32, #tpu.memory_space<vmem_shared>>) offsets(%dma_start3A_128 : memref<128xi32, #tpu.memory_space<vmem>>) semaphore(%arg12 : memref<!tpu.dma_semaphore, #tpu.memory_space<semaphore_mem>>) {add = true}
    }
    %scan3A_58 = arith.constant 79 : i32
    %dma_wait3A = arith.constant 0 : i32
    %dma_wait3A_59 = arith.constant 0 : i32
    %dma_wait3A_60 = tpu.memref_slice %arg6[%dma_wait3A, %dma_wait3A_59] : memref<79x128xi32, #tpu.memory_space<vmem>> -> memref<1x128xi32, #tpu.memory_space<vmem>>
    %dma_wait3A_61 = tpu.memref_squeeze %dma_wait3A_60 : memref<1x128xi32, #tpu.memory_space<vmem>> -> memref<128xi32, #tpu.memory_space<vmem>>
    %dma_wait3A_62 = arith.constant 0 : i32
    %dma_wait3A_63 = tpu.memref_slice %arg10[%dma_wait3A_62] : memref<10016xf32, #tpu.memory_space<vmem_shared>> -> memref<10016xf32, #tpu.memory_space<vmem_shared>>
    tpu.wait_indirect_dma semaphore(%arg12 : memref<!tpu.dma_semaphore, #tpu.memory_space<semaphore_mem>>) src(%arg8 : memref<128xf32, #tpu.memory_space<vmem>>) dst(%dma_wait3A_63 : memref<10016xf32, #tpu.memory_space<vmem_shared>>)
    %dma_wait3A_64 = arith.constant 0 : i32
    %dma_wait3A_65 = arith.constant 0 : i32
    %dma_wait3A_66 = tpu.memref_slice %arg7[%dma_wait3A_64, %dma_wait3A_65] : memref<79x128xi32, #tpu.memory_space<vmem>> -> memref<1x128xi32, #tpu.memory_space<vmem>>
    %dma_wait3A_67 = tpu.memref_squeeze %dma_wait3A_66 : memref<1x128xi32, #tpu.memory_space<vmem>> -> memref<128xi32, #tpu.memory_space<vmem>>
    %dma_wait3A_68 = arith.constant 0 : i32
    %dma_wait3A_69 = tpu.memref_slice %arg11[%dma_wait3A_68] : memref<10016xf32, #tpu.memory_space<vmem_shared>> -> memref<10016xf32, #tpu.memory_space<vmem_shared>>
    tpu.wait_indirect_dma semaphore(%arg12 : memref<!tpu.dma_semaphore, #tpu.memory_space<semaphore_mem>>) src(%arg8 : memref<128xf32, #tpu.memory_space<vmem>>) dst(%dma_wait3A_69 : memref<10016xf32, #tpu.memory_space<vmem_shared>>)
    %dma_wait3A_70 = arith.constant 0 : i32
    %dma_wait3A_71 = arith.constant 0 : i32
    %dma_wait3A_72 = tpu.memref_slice %arg6[%dma_wait3A_70, %dma_wait3A_71] : memref<79x128xi32, #tpu.memory_space<vmem>> -> memref<1x128xi32, #tpu.memory_space<vmem>>
    %dma_wait3A_73 = tpu.memref_squeeze %dma_wait3A_72 : memref<1x128xi32, #tpu.memory_space<vmem>> -> memref<128xi32, #tpu.memory_space<vmem>>
    %dma_wait3A_74 = arith.constant 0 : i32
    %dma_wait3A_75 = tpu.memref_slice %arg10[%dma_wait3A_74] : memref<10016xf32, #tpu.memory_space<vmem_shared>> -> memref<10016xf32, #tpu.memory_space<vmem_shared>>
    tpu.wait_indirect_dma semaphore(%arg12 : memref<!tpu.dma_semaphore, #tpu.memory_space<semaphore_mem>>) src(%arg8 : memref<128xf32, #tpu.memory_space<vmem>>) dst(%dma_wait3A_75 : memref<10016xf32, #tpu.memory_space<vmem_shared>>)
    %dma_wait3A_76 = arith.constant 0 : i32
    %dma_wait3A_77 = arith.constant 0 : i32
    %dma_wait3A_78 = tpu.memref_slice %arg7[%dma_wait3A_76, %dma_wait3A_77] : memref<79x128xi32, #tpu.memory_space<vmem>> -> memref<1x128xi32, #tpu.memory_space<vmem>>
    %dma_wait3A_79 = tpu.memref_squeeze %dma_wait3A_78 : memref<1x128xi32, #tpu.memory_space<vmem>> -> memref<128xi32, #tpu.memory_space<vmem>>
    %dma_wait3A_80 = arith.constant 0 : i32
    %dma_wait3A_81 = tpu.memref_slice %arg11[%dma_wait3A_80] : memref<10016xf32, #tpu.memory_space<vmem_shared>> -> memref<10016xf32, #tpu.memory_space<vmem_shared>>
    tpu.wait_indirect_dma semaphore(%arg12 : memref<!tpu.dma_semaphore, #tpu.memory_space<semaphore_mem>>) src(%arg8 : memref<128xf32, #tpu.memory_space<vmem>>) dst(%dma_wait3A_81 : memref<10016xf32, #tpu.memory_space<vmem_shared>>)
    %dma_wait3A_82 = arith.constant 0 : i32
    %dma_wait3A_83 = arith.constant 0 : i32
    %dma_wait3A_84 = tpu.memref_slice %arg6[%dma_wait3A_82, %dma_wait3A_83] : memref<79x128xi32, #tpu.memory_space<vmem>> -> memref<1x128xi32, #tpu.memory_space<vmem>>
    %dma_wait3A_85 = tpu.memref_squeeze %dma_wait3A_84 : memref<1x128xi32, #tpu.memory_space<vmem>> -> memref<128xi32, #tpu.memory_space<vmem>>
    %dma_wait3A_86 = arith.constant 0 : i32
    %dma_wait3A_87 = tpu.memref_slice %arg10[%dma_wait3A_86] : memref<10016xf32, #tpu.memory_space<vmem_shared>> -> memref<10016xf32, #tpu.memory_space<vmem_shared>>
    tpu.wait_indirect_dma semaphore(%arg12 : memref<!tpu.dma_semaphore, #tpu.memory_space<semaphore_mem>>) src(%arg8 : memref<128xf32, #tpu.memory_space<vmem>>) dst(%dma_wait3A_87 : memref<10016xf32, #tpu.memory_space<vmem_shared>>)
    %dma_wait3A_88 = arith.constant 0 : i32
    %dma_wait3A_89 = arith.constant 0 : i32
    %dma_wait3A_90 = tpu.memref_slice %arg7[%dma_wait3A_88, %dma_wait3A_89] : memref<79x128xi32, #tpu.memory_space<vmem>> -> memref<1x128xi32, #tpu.memory_space<vmem>>
    %dma_wait3A_91 = tpu.memref_squeeze %dma_wait3A_90 : memref<1x128xi32, #tpu.memory_space<vmem>> -> memref<128xi32, #tpu.memory_space<vmem>>
    %dma_wait3A_92 = arith.constant 0 : i32
    %dma_wait3A_93 = tpu.memref_slice %arg11[%dma_wait3A_92] : memref<10016xf32, #tpu.memory_space<vmem_shared>> -> memref<10016xf32, #tpu.memory_space<vmem_shared>>
    tpu.wait_indirect_dma semaphore(%arg12 : memref<!tpu.dma_semaphore, #tpu.memory_space<semaphore_mem>>) src(%arg8 : memref<128xf32, #tpu.memory_space<vmem>>) dst(%dma_wait3A_93 : memref<10016xf32, #tpu.memory_space<vmem_shared>>)
    %dma_wait3A_94 = arith.constant 0 : i32
    %dma_wait3A_95 = arith.constant 0 : i32
    %dma_wait3A_96 = tpu.memref_slice %arg6[%dma_wait3A_94, %dma_wait3A_95] : memref<79x128xi32, #tpu.memory_space<vmem>> -> memref<1x128xi32, #tpu.memory_space<vmem>>
    %dma_wait3A_97 = tpu.memref_squeeze %dma_wait3A_96 : memref<1x128xi32, #tpu.memory_space<vmem>> -> memref<128xi32, #tpu.memory_space<vmem>>
    %dma_wait3A_98 = arith.constant 0 : i32
    %dma_wait3A_99 = tpu.memref_slice %arg10[%dma_wait3A_98] : memref<10016xf32, #tpu.memory_space<vmem_shared>> -> memref<10016xf32, #tpu.memory_space<vmem_shared>>
    tpu.wait_indirect_dma semaphore(%arg12 : memref<!tpu.dma_semaphore, #tpu.memory_space<semaphore_mem>>) src(%arg8 : memref<128xf32, #tpu.memory_space<vmem>>) dst(%dma_wait3A_99 : memref<10016xf32, #tpu.memory_space<vmem_shared>>)
    %dma_wait3A_100 = arith.constant 0 : i32
    %dma_wait3A_101 = arith.constant 0 : i32
    %dma_wait3A_102 = tpu.memref_slice %arg7[%dma_wait3A_100, %dma_wait3A_101] : memref<79x128xi32, #tpu.memory_space<vmem>> -> memref<1x128xi32, #tpu.memory_space<vmem>>
    %dma_wait3A_103 = tpu.memref_squeeze %dma_wait3A_102 : memref<1x128xi32, #tpu.memory_space<vmem>> -> memref<128xi32, #tpu.memory_space<vmem>>
    %dma_wait3A_104 = arith.constant 0 : i32
    %dma_wait3A_105 = tpu.memref_slice %arg11[%dma_wait3A_104] : memref<10016xf32, #tpu.memory_space<vmem_shared>> -> memref<10016xf32, #tpu.memory_space<vmem_shared>>
    tpu.wait_indirect_dma semaphore(%arg12 : memref<!tpu.dma_semaphore, #tpu.memory_space<semaphore_mem>>) src(%arg8 : memref<128xf32, #tpu.memory_space<vmem>>) dst(%dma_wait3A_105 : memref<10016xf32, #tpu.memory_space<vmem_shared>>)
    %barrier3A_106 = arith.constant 0 : index
    tpu.barrier barrier_id(%barrier3A_106)
    %eq3A_107 = arith.constant 0 : i32
    %eq3A_108 = arith.cmpi eq, %arg1, %eq3A_107 : i32
    %convert_element_type3A_109 = arith.extui %eq3A_108 : i1 to i32
    %cond3A_110 = arith.constant 0 : i32
    %cond3A_111 = arith.cmpi ne, %convert_element_type3A_109, %cond3A_110 : i32
    scf.if %cond3A_111 {
      "tpu.region"() ({
        %run_scoped3A = tpu.sem_alloc : memref<!tpu.dma_semaphore, #tpu.memory_space<semaphore_mem>>
        tpu.enqueue_dma source(%arg10 : memref<10016xf32, #tpu.memory_space<vmem_shared>>) target(%arg9 : memref<10016xf32, #tpu.memory_space<vmem>>) target_semaphore(%run_scoped3A : memref<!tpu.dma_semaphore, #tpu.memory_space<semaphore_mem>>)
        tpu.wait_dma2 semaphore(%run_scoped3A : memref<!tpu.dma_semaphore, #tpu.memory_space<semaphore_mem>>) src(%arg10 : memref<10016xf32, #tpu.memory_space<vmem_shared>>) dst(%arg9 : memref<10016xf32, #tpu.memory_space<vmem>>)
        tpu.yield
      }) : () -> ()
      %mul3A_117 = arith.constant 2 : i32
      %mul3A_118 = arith.muli %arg0, %mul3A_117 : i32
      %mul3A_119 = arith.constant 10016 : i32
      %mul3A_120 = arith.muli %mul3A_118, %mul3A_119 : i32
      %multiple_of3A = tpu.assume_multiple %mul3A_120, 8 : i32
      "tpu.region"() ({
        %run_scoped3A = tpu.sem_alloc : memref<!tpu.dma_semaphore, #tpu.memory_space<semaphore_mem>>
        %dma_start3A = tpu.memref_slice %arg5[%multiple_of3A] : memref<40064xf32, #tpu.memory_space<hbm>> -> memref<10016xf32, #tpu.memory_space<hbm>>
        %dma_start3A_121 = tpu.memref_slice %arg5[%multiple_of3A] : memref<40064xf32, #tpu.memory_space<hbm>> -> memref<10016xf32, #tpu.memory_space<hbm>>
        tpu.enqueue_dma source(%arg9 : memref<10016xf32, #tpu.memory_space<vmem>>) target(%dma_start3A_121 : memref<10016xf32, #tpu.memory_space<hbm>>) target_semaphore(%run_scoped3A : memref<!tpu.dma_semaphore, #tpu.memory_space<semaphore_mem>>)
        %dma_wait3A_122 = tpu.memref_slice %arg5[%multiple_of3A] : memref<40064xf32, #tpu.memory_space<hbm>> -> memref<10016xf32, #tpu.memory_space<hbm>>
        %dma_wait3A_123 = tpu.memref_slice %arg5[%multiple_of3A] : memref<40064xf32, #tpu.memory_space<hbm>> -> memref<10016xf32, #tpu.memory_space<hbm>>
        tpu.wait_dma2 semaphore(%run_scoped3A : memref<!tpu.dma_semaphore, #tpu.memory_space<semaphore_mem>>) src(%arg9 : memref<10016xf32, #tpu.memory_space<vmem>>) dst(%dma_wait3A_123 : memref<10016xf32, #tpu.memory_space<hbm>>)
        tpu.yield
      }) : () -> ()
    } else {
    }
    %eq3A_112 = arith.constant 1 : i32
    %eq3A_113 = arith.cmpi eq, %arg1, %eq3A_112 : i32
    %convert_element_type3A_114 = arith.extui %eq3A_113 : i1 to i32
    %cond3A_115 = arith.constant 0 : i32
    %cond3A_116 = arith.cmpi ne, %convert_element_type3A_114, %cond3A_115 : i32
    scf.if %cond3A_116 {
      "tpu.region"() ({
        %run_scoped3A = tpu.sem_alloc : memref<!tpu.dma_semaphore, #tpu.memory_space<semaphore_mem>>
        tpu.enqueue_dma source(%arg11 : memref<10016xf32, #tpu.memory_space<vmem_shared>>) target(%arg9 : memref<10016xf32, #tpu.memory_space<vmem>>) target_semaphore(%run_scoped3A : memref<!tpu.dma_semaphore, #tpu.memory_space<semaphore_mem>>)
        tpu.wait_dma2 semaphore(%run_scoped3A : memref<!tpu.dma_semaphore, #tpu.memory_space<semaphore_mem>>) src(%arg11 : memref<10016xf32, #tpu.memory_space<vmem_shared>>) dst(%arg9 : memref<10016xf32, #tpu.memory_space<vmem>>)
        tpu.yield
      }) : () -> ()
      %mul3A_117 = arith.constant 2 : i32
      %mul3A_118 = arith.muli %arg0, %mul3A_117 : i32
      %mul3A_119 = arith.constant 10016 : i32
      %mul3A_120 = arith.muli %mul3A_118, %mul3A_119 : i32
      %add3A_121 = arith.constant 10016 : i32
      %add3A_122 = arith.addi %mul3A_120, %add3A_121 : i32
      %multiple_of3A = tpu.assume_multiple %add3A_122, 8 : i32
      "tpu.region"() ({
        %run_scoped3A = tpu.sem_alloc : memref<!tpu.dma_semaphore, #tpu.memory_space<semaphore_mem>>
        %dma_start3A = tpu.memref_slice %arg5[%multiple_of3A] : memref<40064xf32, #tpu.memory_space<hbm>> -> memref<10016xf32, #tpu.memory_space<hbm>>
        %dma_start3A_123 = tpu.memref_slice %arg5[%multiple_of3A] : memref<40064xf32, #tpu.memory_space<hbm>> -> memref<10016xf32, #tpu.memory_space<hbm>>
        tpu.enqueue_dma source(%arg9 : memref<10016xf32, #tpu.memory_space<vmem>>) target(%dma_start3A_123 : memref<10016xf32, #tpu.memory_space<hbm>>) target_semaphore(%run_scoped3A : memref<!tpu.dma_semaphore, #tpu.memory_space<semaphore_mem>>)
        %dma_wait3A_124 = tpu.memref_slice %arg5[%multiple_of3A] : memref<40064xf32, #tpu.memory_space<hbm>> -> memref<10016xf32, #tpu.memory_space<hbm>>
        %dma_wait3A_125 = tpu.memref_slice %arg5[%multiple_of3A] : memref<40064xf32, #tpu.memory_space<hbm>> -> memref<10016xf32, #tpu.memory_space<hbm>>
        tpu.wait_dma2 semaphore(%run_scoped3A : memref<!tpu.dma_semaphore, #tpu.memory_space<semaphore_mem>>) src(%arg9 : memref<10016xf32, #tpu.memory_space<vmem>>) dst(%dma_wait3A_125 : memref<10016xf32, #tpu.memory_space<hbm>>)
        tpu.yield
      }) : () -> ()
    } else {
    }
    return
  }
}

#map = affine_map<(d0, d1) -> (0, 0)>
#map1 = affine_map<(d0, d1) -> (0, 0, 0)>
module attributes {stable_mosaic.version = 14 : i64} {
  func.func @agg_kernel(%arg0: i32, %arg1: i32, %arg2: memref<10016x128xf32, #tpu.memory_space<hbm>>, %arg3: memref<32x79x128xi32, #tpu.memory_space<hbm>>, %arg4: memref<32x79x128xi32, #tpu.memory_space<hbm>>, %arg5: memref<2x10000x128xf32, #tpu.memory_space<hbm>>, %arg6: memref<40x128xi32, #tpu.memory_space<vmem>>, %arg7: memref<40x128xi32, #tpu.memory_space<vmem>>, %arg8: memref<2x128x128xf32, #tpu.memory_space<vmem>>, %arg9: memref<16x128xf32, #tpu.memory_space<vmem>>, %arg10: memref<10016x128xf32, #tpu.memory_space<vmem_shared>>, %arg11: memref<!tpu.dma_semaphore, #tpu.memory_space<semaphore_mem>>, %arg12: memref<!tpu.dma_semaphore, #tpu.memory_space<semaphore_mem>>) attributes {dimension_semantics = [#tpu.dimension_semantics<core_parallel>, #tpu.dimension_semantics<subcore_parallel>], iteration_bounds = array<i64: 2, 16>, scalar_prefetch = 0 : i64, scratch_operands = 7 : i64, tpu.core_type = #tpu.core_type<sc_vector_subcore>, window_params = [{transform_indices = #map}, {transform_indices = #map1}, {transform_indices = #map1}, {transform_indices = #map1}]} {
    %mul3A = arith.constant 16 : i32
    %mul3A_0 = arith.muli %arg0, %mul3A : i32
    %add3A = arith.addi %mul3A_0, %arg1 : i32
    %scan3A = arith.constant 0 : i32
    %scan3A_1 = arith.constant 0 : i32
    %scan3A_2 = arith.constant 16 : i32
    %scan3A_3 = arith.addi %scan3A_1, %scan3A_2 : i32
    %scan3A_4 = arith.constant 1 : i32
    scf.for %scan3A_87 = %scan3A_1 to %scan3A_3 step %scan3A_4  : i32 {
      %broadcast_in_dim3A = arith.constant 0.000000e+00 : f32
      %broadcast_in_dim3A_88 = vector.broadcast %broadcast_in_dim3A : f32 to vector<16xf32>
      %swap3A = arith.index_cast %scan3A_87 : i32 to index
      %swap3A_89 = arith.constant 0 : index
      %swap3A_90 = tpu.vector_load %arg9[%swap3A, %swap3A_89] {strides = array<i32>} : memref<16x128xf32, #tpu.memory_space<vmem>>, vector<1x16xf32>,
      %swap3A_91 = vector.shape_cast %swap3A_90 : vector<1x16xf32> to vector<16xf32>
      %swap3A_92 = vector.shape_cast %broadcast_in_dim3A_88 : vector<16xf32> to vector<1x16xf32>
      tpu.vector_store %arg9[%swap3A, %swap3A_89], %swap3A_92 {strides = array<i32>} : memref<16x128xf32, #tpu.memory_space<vmem>>, vector<1x16xf32>,
      %broadcast_in_dim3A_93 = arith.constant 0.000000e+00 : f32
      %broadcast_in_dim3A_94 = vector.broadcast %broadcast_in_dim3A_93 : f32 to vector<16xf32>
      %swap3A_95 = arith.index_cast %scan3A_87 : i32 to index
      %swap3A_96 = arith.constant 16 : index
      %swap3A_97 = tpu.vector_load %arg9[%swap3A_95, %swap3A_96] {strides = array<i32>} : memref<16x128xf32, #tpu.memory_space<vmem>>, vector<1x16xf32>,
      %swap3A_98 = vector.shape_cast %swap3A_97 : vector<1x16xf32> to vector<16xf32>
      %swap3A_99 = vector.shape_cast %broadcast_in_dim3A_94 : vector<16xf32> to vector<1x16xf32>
      tpu.vector_store %arg9[%swap3A_95, %swap3A_96], %swap3A_99 {strides = array<i32>} : memref<16x128xf32, #tpu.memory_space<vmem>>, vector<1x16xf32>,
      %broadcast_in_dim3A_100 = arith.constant 0.000000e+00 : f32
      %broadcast_in_dim3A_101 = vector.broadcast %broadcast_in_dim3A_100 : f32 to vector<16xf32>
      %swap3A_102 = arith.index_cast %scan3A_87 : i32 to index
      %swap3A_103 = arith.constant 32 : index
      %swap3A_104 = tpu.vector_load %arg9[%swap3A_102, %swap3A_103] {strides = array<i32>} : memref<16x128xf32, #tpu.memory_space<vmem>>, vector<1x16xf32>,
      %swap3A_105 = vector.shape_cast %swap3A_104 : vector<1x16xf32> to vector<16xf32>
      %swap3A_106 = vector.shape_cast %broadcast_in_dim3A_101 : vector<16xf32> to vector<1x16xf32>
      tpu.vector_store %arg9[%swap3A_102, %swap3A_103], %swap3A_106 {strides = array<i32>} : memref<16x128xf32, #tpu.memory_space<vmem>>, vector<1x16xf32>,
      %broadcast_in_dim3A_107 = arith.constant 0.000000e+00 : f32
      %broadcast_in_dim3A_108 = vector.broadcast %broadcast_in_dim3A_107 : f32 to vector<16xf32>
      %swap3A_109 = arith.index_cast %scan3A_87 : i32 to index
      %swap3A_110 = arith.constant 48 : index
      %swap3A_111 = tpu.vector_load %arg9[%swap3A_109, %swap3A_110] {strides = array<i32>} : memref<16x128xf32, #tpu.memory_space<vmem>>, vector<1x16xf32>,
      %swap3A_112 = vector.shape_cast %swap3A_111 : vector<1x16xf32> to vector<16xf32>
      %swap3A_113 = vector.shape_cast %broadcast_in_dim3A_108 : vector<16xf32> to vector<1x16xf32>
      tpu.vector_store %arg9[%swap3A_109, %swap3A_110], %swap3A_113 {strides = array<i32>} : memref<16x128xf32, #tpu.memory_space<vmem>>, vector<1x16xf32>,
      %broadcast_in_dim3A_114 = arith.constant 0.000000e+00 : f32
      %broadcast_in_dim3A_115 = vector.broadcast %broadcast_in_dim3A_114 : f32 to vector<16xf32>
      %swap3A_116 = arith.index_cast %scan3A_87 : i32 to index
      %swap3A_117 = arith.constant 64 : index
      %swap3A_118 = tpu.vector_load %arg9[%swap3A_116, %swap3A_117] {strides = array<i32>} : memref<16x128xf32, #tpu.memory_space<vmem>>, vector<1x16xf32>,
      %swap3A_119 = vector.shape_cast %swap3A_118 : vector<1x16xf32> to vector<16xf32>
      %swap3A_120 = vector.shape_cast %broadcast_in_dim3A_115 : vector<16xf32> to vector<1x16xf32>
      tpu.vector_store %arg9[%swap3A_116, %swap3A_117], %swap3A_120 {strides = array<i32>} : memref<16x128xf32, #tpu.memory_space<vmem>>, vector<1x16xf32>,
      %broadcast_in_dim3A_121 = arith.constant 0.000000e+00 : f32
      %broadcast_in_dim3A_122 = vector.broadcast %broadcast_in_dim3A_121 : f32 to vector<16xf32>
      %swap3A_123 = arith.index_cast %scan3A_87 : i32 to index
      %swap3A_124 = arith.constant 80 : index
      %swap3A_125 = tpu.vector_load %arg9[%swap3A_123, %swap3A_124] {strides = array<i32>} : memref<16x128xf32, #tpu.memory_space<vmem>>, vector<1x16xf32>,
      %swap3A_126 = vector.shape_cast %swap3A_125 : vector<1x16xf32> to vector<16xf32>
      %swap3A_127 = vector.shape_cast %broadcast_in_dim3A_122 : vector<16xf32> to vector<1x16xf32>
      tpu.vector_store %arg9[%swap3A_123, %swap3A_124], %swap3A_127 {strides = array<i32>} : memref<16x128xf32, #tpu.memory_space<vmem>>, vector<1x16xf32>,
      %broadcast_in_dim3A_128 = arith.constant 0.000000e+00 : f32
      %broadcast_in_dim3A_129 = vector.broadcast %broadcast_in_dim3A_128 : f32 to vector<16xf32>
      %swap3A_130 = arith.index_cast %scan3A_87 : i32 to index
      %swap3A_131 = arith.constant 96 : index
      %swap3A_132 = tpu.vector_load %arg9[%swap3A_130, %swap3A_131] {strides = array<i32>} : memref<16x128xf32, #tpu.memory_space<vmem>>, vector<1x16xf32>,
      %swap3A_133 = vector.shape_cast %swap3A_132 : vector<1x16xf32> to vector<16xf32>
      %swap3A_134 = vector.shape_cast %broadcast_in_dim3A_129 : vector<16xf32> to vector<1x16xf32>
      tpu.vector_store %arg9[%swap3A_130, %swap3A_131], %swap3A_134 {strides = array<i32>} : memref<16x128xf32, #tpu.memory_space<vmem>>, vector<1x16xf32>,
      %broadcast_in_dim3A_135 = arith.constant 0.000000e+00 : f32
      %broadcast_in_dim3A_136 = vector.broadcast %broadcast_in_dim3A_135 : f32 to vector<16xf32>
      %swap3A_137 = arith.index_cast %scan3A_87 : i32 to index
      %swap3A_138 = arith.constant 112 : index
      %swap3A_139 = tpu.vector_load %arg9[%swap3A_137, %swap3A_138] {strides = array<i32>} : memref<16x128xf32, #tpu.memory_space<vmem>>, vector<1x16xf32>,
      %swap3A_140 = vector.shape_cast %swap3A_139 : vector<1x16xf32> to vector<16xf32>
      %swap3A_141 = vector.shape_cast %broadcast_in_dim3A_136 : vector<16xf32> to vector<1x16xf32>
      tpu.vector_store %arg9[%swap3A_137, %swap3A_138], %swap3A_141 {strides = array<i32>} : memref<16x128xf32, #tpu.memory_space<vmem>>, vector<1x16xf32>,
    }
    %scan3A_5 = arith.constant 16 : i32
    %eq3A = arith.constant 15 : i32
    %eq3A_6 = arith.cmpi eq, %arg1, %eq3A : i32
    %jit3A = arith.constant 2 : i32
    %jit3A_7 = arith.constant 0 : i32
    %select_n3A = arith.select %eq3A_6, %jit3A, %jit3A_7 : i32
    %add3A_8 = arith.constant 39 : i32
    %add3A_9 = arith.addi %add3A_8, %select_n3A : i32
    %while3A = arith.constant 0 : i32
    %while3A_10 = arith.constant 0 : i32
    %while3A_11 = arith.subi %add3A_9, %while3A_10 : i32
    %while3A_12 = arith.addi %while3A_10, %while3A_11 : i32
    %while3A_13 = arith.constant 1 : i32
    %while3A_14 = arith.divsi %while3A_11, %while3A_13 : i32
    %while3A_15 = arith.muli %while3A_14, %while3A_13 : i32
    %while3A_16 = arith.addi %while3A_10, %while3A_15 : i32
    %while3A_17 = arith.constant 1 : i32
    scf.for %while3A_87 = %while3A_10 to %while3A_16 step %while3A_17  : i32 {
      %mul3A_88 = arith.constant 624 : i32
      %mul3A_89 = arith.muli %arg1, %mul3A_88 : i32
      %mul3A_90 = arith.constant 16 : i32
      %mul3A_91 = arith.muli %while3A_87, %mul3A_90 : i32
      %add3A_92 = arith.addi %mul3A_89, %mul3A_91 : i32
      %multiple_of3A_93 = tpu.assume_multiple %add3A_92, 8 : i32
      "tpu.region"() ({
        %run_scoped3A = tpu.sem_alloc : memref<!tpu.dma_semaphore, #tpu.memory_space<semaphore_mem>>
        %dma_start3A_94 = arith.constant 0 : i32
        %dma_start3A_95 = tpu.memref_slice %arg10[%multiple_of3A_93, %dma_start3A_94] : memref<10016x128xf32, #tpu.memory_space<vmem_shared>> -> memref<16x128xf32, #tpu.memory_space<vmem_shared>>
        %dma_start3A_96 = arith.constant 0 : i32
        %dma_start3A_97 = tpu.memref_slice %arg10[%multiple_of3A_93, %dma_start3A_96] : memref<10016x128xf32, #tpu.memory_space<vmem_shared>> -> memref<16x128xf32, #tpu.memory_space<vmem_shared>>
        tpu.enqueue_dma source(%arg9 : memref<16x128xf32, #tpu.memory_space<vmem>>) target(%dma_start3A_97 : memref<16x128xf32, #tpu.memory_space<vmem_shared>>) target_semaphore(%run_scoped3A : memref<!tpu.dma_semaphore, #tpu.memory_space<semaphore_mem>>)
        %dma_wait3A_98 = arith.constant 0 : i32
        %dma_wait3A_99 = tpu.memref_slice %arg10[%multiple_of3A_93, %dma_wait3A_98] : memref<10016x128xf32, #tpu.memory_space<vmem_shared>> -> memref<16x128xf32, #tpu.memory_space<vmem_shared>>
        %dma_wait3A_100 = arith.constant 0 : i32
        %dma_wait3A_101 = tpu.memref_slice %arg10[%multiple_of3A_93, %dma_wait3A_100] : memref<10016x128xf32, #tpu.memory_space<vmem_shared>> -> memref<16x128xf32, #tpu.memory_space<vmem_shared>>
        tpu.wait_dma2 semaphore(%run_scoped3A : memref<!tpu.dma_semaphore, #tpu.memory_space<semaphore_mem>>) src(%arg9 : memref<16x128xf32, #tpu.memory_space<vmem>>) dst(%dma_wait3A_101 : memref<16x128xf32, #tpu.memory_space<vmem_shared>>)
        tpu.yield
      }) : () -> ()
    }
    %while3A_18 = arith.constant 1 : i32
    scf.for %while3A_87 = %while3A_16 to %while3A_12 step %while3A_18  : i32 {
      %mul3A_88 = arith.constant 624 : i32
      %mul3A_89 = arith.muli %arg1, %mul3A_88 : i32
      %mul3A_90 = arith.constant 16 : i32
      %mul3A_91 = arith.muli %while3A_87, %mul3A_90 : i32
      %add3A_92 = arith.addi %mul3A_89, %mul3A_91 : i32
      %multiple_of3A_93 = tpu.assume_multiple %add3A_92, 8 : i32
      "tpu.region"() ({
        %run_scoped3A = tpu.sem_alloc : memref<!tpu.dma_semaphore, #tpu.memory_space<semaphore_mem>>
        %dma_start3A_94 = arith.constant 0 : i32
        %dma_start3A_95 = tpu.memref_slice %arg10[%multiple_of3A_93, %dma_start3A_94] : memref<10016x128xf32, #tpu.memory_space<vmem_shared>> -> memref<16x128xf32, #tpu.memory_space<vmem_shared>>
        %dma_start3A_96 = arith.constant 0 : i32
        %dma_start3A_97 = tpu.memref_slice %arg10[%multiple_of3A_93, %dma_start3A_96] : memref<10016x128xf32, #tpu.memory_space<vmem_shared>> -> memref<16x128xf32, #tpu.memory_space<vmem_shared>>
        tpu.enqueue_dma source(%arg9 : memref<16x128xf32, #tpu.memory_space<vmem>>) target(%dma_start3A_97 : memref<16x128xf32, #tpu.memory_space<vmem_shared>>) target_semaphore(%run_scoped3A : memref<!tpu.dma_semaphore, #tpu.memory_space<semaphore_mem>>)
        %dma_wait3A_98 = arith.constant 0 : i32
        %dma_wait3A_99 = tpu.memref_slice %arg10[%multiple_of3A_93, %dma_wait3A_98] : memref<10016x128xf32, #tpu.memory_space<vmem_shared>> -> memref<16x128xf32, #tpu.memory_space<vmem_shared>>
        %dma_wait3A_100 = arith.constant 0 : i32
        %dma_wait3A_101 = tpu.memref_slice %arg10[%multiple_of3A_93, %dma_wait3A_100] : memref<10016x128xf32, #tpu.memory_space<vmem_shared>> -> memref<16x128xf32, #tpu.memory_space<vmem_shared>>
        tpu.wait_dma2 semaphore(%run_scoped3A : memref<!tpu.dma_semaphore, #tpu.memory_space<semaphore_mem>>) src(%arg9 : memref<16x128xf32, #tpu.memory_space<vmem>>) dst(%dma_wait3A_101 : memref<16x128xf32, #tpu.memory_space<vmem_shared>>)
        tpu.yield
      }) : () -> ()
    }
    %barrier3A = arith.constant 0 : index
    tpu.barrier barrier_id(%barrier3A)
    "tpu.region"() ({
      %run_scoped3A = tpu.sem_alloc : memref<!tpu.dma_semaphore, #tpu.memory_space<semaphore_mem>>
      %dma_start3A_87 = arith.constant 0 : i32
      %dma_start3A_88 = arith.constant 0 : i32
      %dma_start3A_89 = tpu.memref_slice %arg6[%dma_start3A_87, %dma_start3A_88] : memref<40x128xi32, #tpu.memory_space<vmem>> -> memref<40x128xi32, #tpu.memory_space<vmem>>
      %dma_start3A_90 = arith.constant 0 : i32
      %dma_start3A_91 = arith.constant 0 : i32
      %dma_start3A_92 = tpu.memref_slice %arg3[%add3A, %dma_start3A_90, %dma_start3A_91] : memref<32x79x128xi32, #tpu.memory_space<hbm>> -> memref<1x79x128xi32, #tpu.memory_space<hbm>>
      %dma_start3A_93 = tpu.memref_squeeze %dma_start3A_92 : memref<1x79x128xi32, #tpu.memory_space<hbm>> -> memref<79x128xi32, #tpu.memory_space<hbm>>
      %dma_start3A_94 = arith.constant 0 : i32
      %dma_start3A_95 = arith.constant 0 : i32
      %dma_start3A_96 = tpu.memref_slice %dma_start3A_93[%dma_start3A_94, %dma_start3A_95] : memref<79x128xi32, #tpu.memory_space<hbm>> -> memref<40x128xi32, #tpu.memory_space<hbm>>
      %dma_start3A_97 = arith.constant 0 : i32
      %dma_start3A_98 = arith.constant 0 : i32
      %dma_start3A_99 = tpu.memref_slice %arg6[%dma_start3A_97, %dma_start3A_98] : memref<40x128xi32, #tpu.memory_space<vmem>> -> memref<40x128xi32, #tpu.memory_space<vmem>>
      %dma_start3A_100 = arith.constant 0 : i32
      %dma_start3A_101 = arith.constant 0 : i32
      %dma_start3A_102 = tpu.memref_slice %arg3[%add3A, %dma_start3A_100, %dma_start3A_101] : memref<32x79x128xi32, #tpu.memory_space<hbm>> -> memref<1x79x128xi32, #tpu.memory_space<hbm>>
      %dma_start3A_103 = tpu.memref_squeeze %dma_start3A_102 : memref<1x79x128xi32, #tpu.memory_space<hbm>> -> memref<79x128xi32, #tpu.memory_space<hbm>>
      %dma_start3A_104 = arith.constant 0 : i32
      %dma_start3A_105 = arith.constant 0 : i32
      %dma_start3A_106 = tpu.memref_slice %dma_start3A_103[%dma_start3A_104, %dma_start3A_105] : memref<79x128xi32, #tpu.memory_space<hbm>> -> memref<40x128xi32, #tpu.memory_space<hbm>>
      tpu.enqueue_dma source(%dma_start3A_106 : memref<40x128xi32, #tpu.memory_space<hbm>>) target(%dma_start3A_99 : memref<40x128xi32, #tpu.memory_space<vmem>>) target_semaphore(%run_scoped3A : memref<!tpu.dma_semaphore, #tpu.memory_space<semaphore_mem>>)
      %dma_wait3A_107 = arith.constant 0 : i32
      %dma_wait3A_108 = arith.constant 0 : i32
      %dma_wait3A_109 = tpu.memref_slice %arg6[%dma_wait3A_107, %dma_wait3A_108] : memref<40x128xi32, #tpu.memory_space<vmem>> -> memref<40x128xi32, #tpu.memory_space<vmem>>
      %dma_wait3A_110 = arith.constant 0 : i32
      %dma_wait3A_111 = arith.constant 0 : i32
      %dma_wait3A_112 = tpu.memref_slice %arg3[%add3A, %dma_wait3A_110, %dma_wait3A_111] : memref<32x79x128xi32, #tpu.memory_space<hbm>> -> memref<1x79x128xi32, #tpu.memory_space<hbm>>
      %dma_wait3A_113 = tpu.memref_squeeze %dma_wait3A_112 : memref<1x79x128xi32, #tpu.memory_space<hbm>> -> memref<79x128xi32, #tpu.memory_space<hbm>>
      %dma_wait3A_114 = arith.constant 0 : i32
      %dma_wait3A_115 = arith.constant 0 : i32
      %dma_wait3A_116 = tpu.memref_slice %dma_wait3A_113[%dma_wait3A_114, %dma_wait3A_115] : memref<79x128xi32, #tpu.memory_space<hbm>> -> memref<40x128xi32, #tpu.memory_space<hbm>>
      %dma_wait3A_117 = arith.constant 0 : i32
      %dma_wait3A_118 = arith.constant 0 : i32
      %dma_wait3A_119 = tpu.memref_slice %arg6[%dma_wait3A_117, %dma_wait3A_118] : memref<40x128xi32, #tpu.memory_space<vmem>> -> memref<40x128xi32, #tpu.memory_space<vmem>>
      %dma_wait3A_120 = arith.constant 0 : i32
      %dma_wait3A_121 = arith.constant 0 : i32
      %dma_wait3A_122 = tpu.memref_slice %arg3[%add3A, %dma_wait3A_120, %dma_wait3A_121] : memref<32x79x128xi32, #tpu.memory_space<hbm>> -> memref<1x79x128xi32, #tpu.memory_space<hbm>>
      %dma_wait3A_123 = tpu.memref_squeeze %dma_wait3A_122 : memref<1x79x128xi32, #tpu.memory_space<hbm>> -> memref<79x128xi32, #tpu.memory_space<hbm>>
      %dma_wait3A_124 = arith.constant 0 : i32
      %dma_wait3A_125 = arith.constant 0 : i32
      %dma_wait3A_126 = tpu.memref_slice %dma_wait3A_123[%dma_wait3A_124, %dma_wait3A_125] : memref<79x128xi32, #tpu.memory_space<hbm>> -> memref<40x128xi32, #tpu.memory_space<hbm>>
      tpu.wait_dma2 semaphore(%run_scoped3A : memref<!tpu.dma_semaphore, #tpu.memory_space<semaphore_mem>>) src(%dma_wait3A_126 : memref<40x128xi32, #tpu.memory_space<hbm>>) dst(%dma_wait3A_119 : memref<40x128xi32, #tpu.memory_space<vmem>>)
      tpu.yield
    }) : () -> ()
    "tpu.region"() ({
      %run_scoped3A = tpu.sem_alloc : memref<!tpu.dma_semaphore, #tpu.memory_space<semaphore_mem>>
      %dma_start3A_87 = arith.constant 0 : i32
      %dma_start3A_88 = arith.constant 0 : i32
      %dma_start3A_89 = tpu.memref_slice %arg7[%dma_start3A_87, %dma_start3A_88] : memref<40x128xi32, #tpu.memory_space<vmem>> -> memref<40x128xi32, #tpu.memory_space<vmem>>
      %dma_start3A_90 = arith.constant 0 : i32
      %dma_start3A_91 = arith.constant 0 : i32
      %dma_start3A_92 = tpu.memref_slice %arg4[%add3A, %dma_start3A_90, %dma_start3A_91] : memref<32x79x128xi32, #tpu.memory_space<hbm>> -> memref<1x79x128xi32, #tpu.memory_space<hbm>>
      %dma_start3A_93 = tpu.memref_squeeze %dma_start3A_92 : memref<1x79x128xi32, #tpu.memory_space<hbm>> -> memref<79x128xi32, #tpu.memory_space<hbm>>
      %dma_start3A_94 = arith.constant 0 : i32
      %dma_start3A_95 = arith.constant 0 : i32
      %dma_start3A_96 = tpu.memref_slice %dma_start3A_93[%dma_start3A_94, %dma_start3A_95] : memref<79x128xi32, #tpu.memory_space<hbm>> -> memref<40x128xi32, #tpu.memory_space<hbm>>
      %dma_start3A_97 = arith.constant 0 : i32
      %dma_start3A_98 = arith.constant 0 : i32
      %dma_start3A_99 = tpu.memref_slice %arg7[%dma_start3A_97, %dma_start3A_98] : memref<40x128xi32, #tpu.memory_space<vmem>> -> memref<40x128xi32, #tpu.memory_space<vmem>>
      %dma_start3A_100 = arith.constant 0 : i32
      %dma_start3A_101 = arith.constant 0 : i32
      %dma_start3A_102 = tpu.memref_slice %arg4[%add3A, %dma_start3A_100, %dma_start3A_101] : memref<32x79x128xi32, #tpu.memory_space<hbm>> -> memref<1x79x128xi32, #tpu.memory_space<hbm>>
      %dma_start3A_103 = tpu.memref_squeeze %dma_start3A_102 : memref<1x79x128xi32, #tpu.memory_space<hbm>> -> memref<79x128xi32, #tpu.memory_space<hbm>>
      %dma_start3A_104 = arith.constant 0 : i32
      %dma_start3A_105 = arith.constant 0 : i32
      %dma_start3A_106 = tpu.memref_slice %dma_start3A_103[%dma_start3A_104, %dma_start3A_105] : memref<79x128xi32, #tpu.memory_space<hbm>> -> memref<40x128xi32, #tpu.memory_space<hbm>>
      tpu.enqueue_dma source(%dma_start3A_106 : memref<40x128xi32, #tpu.memory_space<hbm>>) target(%dma_start3A_99 : memref<40x128xi32, #tpu.memory_space<vmem>>) target_semaphore(%run_scoped3A : memref<!tpu.dma_semaphore, #tpu.memory_space<semaphore_mem>>)
      %dma_wait3A_107 = arith.constant 0 : i32
      %dma_wait3A_108 = arith.constant 0 : i32
      %dma_wait3A_109 = tpu.memref_slice %arg7[%dma_wait3A_107, %dma_wait3A_108] : memref<40x128xi32, #tpu.memory_space<vmem>> -> memref<40x128xi32, #tpu.memory_space<vmem>>
      %dma_wait3A_110 = arith.constant 0 : i32
      %dma_wait3A_111 = arith.constant 0 : i32
      %dma_wait3A_112 = tpu.memref_slice %arg4[%add3A, %dma_wait3A_110, %dma_wait3A_111] : memref<32x79x128xi32, #tpu.memory_space<hbm>> -> memref<1x79x128xi32, #tpu.memory_space<hbm>>
      %dma_wait3A_113 = tpu.memref_squeeze %dma_wait3A_112 : memref<1x79x128xi32, #tpu.memory_space<hbm>> -> memref<79x128xi32, #tpu.memory_space<hbm>>
      %dma_wait3A_114 = arith.constant 0 : i32
      %dma_wait3A_115 = arith.constant 0 : i32
      %dma_wait3A_116 = tpu.memref_slice %dma_wait3A_113[%dma_wait3A_114, %dma_wait3A_115] : memref<79x128xi32, #tpu.memory_space<hbm>> -> memref<40x128xi32, #tpu.memory_space<hbm>>
      %dma_wait3A_117 = arith.constant 0 : i32
      %dma_wait3A_118 = arith.constant 0 : i32
      %dma_wait3A_119 = tpu.memref_slice %arg7[%dma_wait3A_117, %dma_wait3A_118] : memref<40x128xi32, #tpu.memory_space<vmem>> -> memref<40x128xi32, #tpu.memory_space<vmem>>
      %dma_wait3A_120 = arith.constant 0 : i32
      %dma_wait3A_121 = arith.constant 0 : i32
      %dma_wait3A_122 = tpu.memref_slice %arg4[%add3A, %dma_wait3A_120, %dma_wait3A_121] : memref<32x79x128xi32, #tpu.memory_space<hbm>> -> memref<1x79x128xi32, #tpu.memory_space<hbm>>
      %dma_wait3A_123 = tpu.memref_squeeze %dma_wait3A_122 : memref<1x79x128xi32, #tpu.memory_space<hbm>> -> memref<79x128xi32, #tpu.memory_space<hbm>>
      %dma_wait3A_124 = arith.constant 0 : i32
      %dma_wait3A_125 = arith.constant 0 : i32
      %dma_wait3A_126 = tpu.memref_slice %dma_wait3A_123[%dma_wait3A_124, %dma_wait3A_125] : memref<79x128xi32, #tpu.memory_space<hbm>> -> memref<40x128xi32, #tpu.memory_space<hbm>>
      tpu.wait_dma2 semaphore(%run_scoped3A : memref<!tpu.dma_semaphore, #tpu.memory_space<semaphore_mem>>) src(%dma_wait3A_126 : memref<40x128xi32, #tpu.memory_space<hbm>>) dst(%dma_wait3A_119 : memref<40x128xi32, #tpu.memory_space<vmem>>)
      tpu.yield
    }) : () -> ()
    %dma_start3A = arith.constant 0 : i32
    %dma_start3A_19 = arith.constant 0 : i32
    %dma_start3A_20 = arith.constant 0 : i32
    %dma_start3A_21 = arith.constant 0 : i32
    %dma_start3A_22 = tpu.memref_slice %arg8[%dma_start3A_19, %dma_start3A_20, %dma_start3A_21] : memref<2x128x128xf32, #tpu.memory_space<vmem>> -> memref<1x128x128xf32, #tpu.memory_space<vmem>>
    %dma_start3A_23 = tpu.memref_squeeze %dma_start3A_22 : memref<1x128x128xf32, #tpu.memory_space<vmem>> -> memref<128x128xf32, #tpu.memory_space<vmem>>
    %dma_start3A_24 = arith.constant 0 : i32
    %dma_start3A_25 = tpu.memref_slice %arg6[%dma_start3A, %dma_start3A_24] : memref<40x128xi32, #tpu.memory_space<vmem>> -> memref<1x128xi32, #tpu.memory_space<vmem>>
    %dma_start3A_26 = tpu.memref_squeeze %dma_start3A_25 : memref<1x128xi32, #tpu.memory_space<vmem>> -> memref<128xi32, #tpu.memory_space<vmem>>
    %dma_start3A_27 = arith.constant 0 : i32
    %dma_start3A_28 = arith.constant 0 : i32
    %dma_start3A_29 = tpu.memref_slice %arg2[%dma_start3A_27, %dma_start3A_28] : memref<10016x128xf32, #tpu.memory_space<hbm>> -> memref<10016x128xf32, #tpu.memory_space<hbm>>
    tpu.enqueue_indirect_dma source(%dma_start3A_29 : memref<10016x128xf32, #tpu.memory_space<hbm>>) target(%dma_start3A_23 : memref<128x128xf32, #tpu.memory_space<vmem>>) offsets(%dma_start3A_26 : memref<128xi32, #tpu.memory_space<vmem>>) semaphore(%arg11 : memref<!tpu.dma_semaphore, #tpu.memory_space<semaphore_mem>>)
    %scan3A_30 = arith.constant 0 : i32
    %scan3A_31 = arith.constant 0 : i32
    %scan3A_32 = arith.constant 40 : i32
    %scan3A_33 = arith.addi %scan3A_31, %scan3A_32 : i32
    %scan3A_34 = arith.constant 1 : i32
    scf.for %scan3A_87 = %scan3A_31 to %scan3A_33 step %scan3A_34  : i32 {
      %rem3A = arith.constant 2 : i32
      %rem3A_88 = arith.remsi %scan3A_87, %rem3A : i32
      %ge3A = arith.constant 1 : i32
      %ge3A_89 = arith.cmpi sge, %scan3A_87, %ge3A : i32
      %convert_element_type3A_90 = arith.extui %ge3A_89 : i1 to i32
      %cond3A_91 = arith.constant 0 : i32
      %cond3A_92 = arith.cmpi ne, %convert_element_type3A_90, %cond3A_91 : i32
      scf.if %cond3A_92 {
        %sub3A = arith.constant 1 : i32
        %sub3A_120 = arith.subi %sub3A, %rem3A_88 : i32
        %dma_wait3A_121 = arith.constant 0 : i32
        %dma_wait3A_122 = arith.constant 0 : i32
        %dma_wait3A_123 = arith.constant 0 : i32
        %dma_wait3A_124 = tpu.memref_slice %arg8[%sub3A_120, %dma_wait3A_122, %dma_wait3A_123] : memref<2x128x128xf32, #tpu.memory_space<vmem>> -> memref<1x128x128xf32, #tpu.memory_space<vmem>>
        %dma_wait3A_125 = tpu.memref_squeeze %dma_wait3A_124 : memref<1x128x128xf32, #tpu.memory_space<vmem>> -> memref<128x128xf32, #tpu.memory_space<vmem>>
        %dma_wait3A_126 = arith.constant 0 : i32
        %dma_wait3A_127 = tpu.memref_slice %arg7[%dma_wait3A_121, %dma_wait3A_126] : memref<40x128xi32, #tpu.memory_space<vmem>> -> memref<1x128xi32, #tpu.memory_space<vmem>>
        %dma_wait3A_128 = tpu.memref_squeeze %dma_wait3A_127 : memref<1x128xi32, #tpu.memory_space<vmem>> -> memref<128xi32, #tpu.memory_space<vmem>>
        %dma_wait3A_129 = arith.constant 0 : i32
        %dma_wait3A_130 = arith.constant 0 : i32
        %dma_wait3A_131 = tpu.memref_slice %arg10[%dma_wait3A_129, %dma_wait3A_130] : memref<10016x128xf32, #tpu.memory_space<vmem_shared>> -> memref<10016x128xf32, #tpu.memory_space<vmem_shared>>
        tpu.wait_indirect_dma semaphore(%arg12 : memref<!tpu.dma_semaphore, #tpu.memory_space<semaphore_mem>>) src(%dma_wait3A_125 : memref<128x128xf32, #tpu.memory_space<vmem>>) dst(%dma_wait3A_131 : memref<10016x128xf32, #tpu.memory_space<vmem_shared>>)
      } else {
      }
      %add3A_93 = arith.constant 1 : i32
      %add3A_94 = arith.addi %scan3A_87, %add3A_93 : i32
      %lt3A_95 = arith.constant 40 : i32
      %lt3A_96 = arith.cmpi slt, %add3A_94, %lt3A_95 : i32
      %convert_element_type3A_97 = arith.extui %lt3A_96 : i1 to i32
      %cond3A_98 = arith.constant 0 : i32
      %cond3A_99 = arith.cmpi ne, %convert_element_type3A_97, %cond3A_98 : i32
      scf.if %cond3A_99 {
        %add3A_120 = arith.constant 1 : i32
        %add3A_121 = arith.addi %scan3A_87, %add3A_120 : i32
        %sub3A = arith.constant 1 : i32
        %sub3A_122 = arith.subi %sub3A, %rem3A_88 : i32
        %dma_start3A_123 = arith.constant 0 : i32
        %dma_start3A_124 = arith.constant 0 : i32
        %dma_start3A_125 = tpu.memref_slice %arg8[%sub3A_122, %dma_start3A_123, %dma_start3A_124] : memref<2x128x128xf32, #tpu.memory_space<vmem>> -> memref<1x128x128xf32, #tpu.memory_space<vmem>>
        %dma_start3A_126 = tpu.memref_squeeze %dma_start3A_125 : memref<1x128x128xf32, #tpu.memory_space<vmem>> -> memref<128x128xf32, #tpu.memory_space<vmem>>
        %dma_start3A_127 = arith.constant 0 : i32
        %dma_start3A_128 = tpu.memref_slice %arg6[%add3A_121, %dma_start3A_127] : memref<40x128xi32, #tpu.memory_space<vmem>> -> memref<1x128xi32, #tpu.memory_space<vmem>>
        %dma_start3A_129 = tpu.memref_squeeze %dma_start3A_128 : memref<1x128xi32, #tpu.memory_space<vmem>> -> memref<128xi32, #tpu.memory_space<vmem>>
        %dma_start3A_130 = arith.constant 0 : i32
        %dma_start3A_131 = arith.constant 0 : i32
        %dma_start3A_132 = tpu.memref_slice %arg2[%dma_start3A_130, %dma_start3A_131] : memref<10016x128xf32, #tpu.memory_space<hbm>> -> memref<10016x128xf32, #tpu.memory_space<hbm>>
        tpu.enqueue_indirect_dma source(%dma_start3A_132 : memref<10016x128xf32, #tpu.memory_space<hbm>>) target(%dma_start3A_126 : memref<128x128xf32, #tpu.memory_space<vmem>>) offsets(%dma_start3A_129 : memref<128xi32, #tpu.memory_space<vmem>>) semaphore(%arg11 : memref<!tpu.dma_semaphore, #tpu.memory_space<semaphore_mem>>)
      } else {
      }
      %dma_wait3A_100 = arith.constant 0 : i32
      %dma_wait3A_101 = arith.constant 0 : i32
      %dma_wait3A_102 = tpu.memref_slice %arg8[%rem3A_88, %dma_wait3A_100, %dma_wait3A_101] : memref<2x128x128xf32, #tpu.memory_space<vmem>> -> memref<1x128x128xf32, #tpu.memory_space<vmem>>
      %dma_wait3A_103 = tpu.memref_squeeze %dma_wait3A_102 : memref<1x128x128xf32, #tpu.memory_space<vmem>> -> memref<128x128xf32, #tpu.memory_space<vmem>>
      %dma_wait3A_104 = arith.constant 0 : i32
      %dma_wait3A_105 = tpu.memref_slice %arg6[%scan3A_87, %dma_wait3A_104] : memref<40x128xi32, #tpu.memory_space<vmem>> -> memref<1x128xi32, #tpu.memory_space<vmem>>
      %dma_wait3A_106 = tpu.memref_squeeze %dma_wait3A_105 : memref<1x128xi32, #tpu.memory_space<vmem>> -> memref<128xi32, #tpu.memory_space<vmem>>
      %dma_wait3A_107 = arith.constant 0 : i32
      %dma_wait3A_108 = arith.constant 0 : i32
      %dma_wait3A_109 = tpu.memref_slice %arg2[%dma_wait3A_107, %dma_wait3A_108] : memref<10016x128xf32, #tpu.memory_space<hbm>> -> memref<10016x128xf32, #tpu.memory_space<hbm>>
      tpu.wait_indirect_dma semaphore(%arg11 : memref<!tpu.dma_semaphore, #tpu.memory_space<semaphore_mem>>) src(%dma_wait3A_109 : memref<10016x128xf32, #tpu.memory_space<hbm>>) dst(%dma_wait3A_103 : memref<128x128xf32, #tpu.memory_space<vmem>>)
      %dma_start3A_110 = arith.constant 0 : i32
      %dma_start3A_111 = arith.constant 0 : i32
      %dma_start3A_112 = tpu.memref_slice %arg8[%rem3A_88, %dma_start3A_110, %dma_start3A_111] : memref<2x128x128xf32, #tpu.memory_space<vmem>> -> memref<1x128x128xf32, #tpu.memory_space<vmem>>
      %dma_start3A_113 = tpu.memref_squeeze %dma_start3A_112 : memref<1x128x128xf32, #tpu.memory_space<vmem>> -> memref<128x128xf32, #tpu.memory_space<vmem>>
      %dma_start3A_114 = arith.constant 0 : i32
      %dma_start3A_115 = tpu.memref_slice %arg7[%scan3A_87, %dma_start3A_114] : memref<40x128xi32, #tpu.memory_space<vmem>> -> memref<1x128xi32, #tpu.memory_space<vmem>>
      %dma_start3A_116 = tpu.memref_squeeze %dma_start3A_115 : memref<1x128xi32, #tpu.memory_space<vmem>> -> memref<128xi32, #tpu.memory_space<vmem>>
      %dma_start3A_117 = arith.constant 0 : i32
      %dma_start3A_118 = arith.constant 0 : i32
      %dma_start3A_119 = tpu.memref_slice %arg10[%dma_start3A_117, %dma_start3A_118] : memref<10016x128xf32, #tpu.memory_space<vmem_shared>> -> memref<10016x128xf32, #tpu.memory_space<vmem_shared>>
      tpu.enqueue_indirect_dma source(%dma_start3A_113 : memref<128x128xf32, #tpu.memory_space<vmem>>) target(%dma_start3A_119 : memref<10016x128xf32, #tpu.memory_space<vmem_shared>>) offsets(%dma_start3A_116 : memref<128xi32, #tpu.memory_space<vmem>>) semaphore(%arg12 : memref<!tpu.dma_semaphore, #tpu.memory_space<semaphore_mem>>) {add = true}
    }
    %scan3A_35 = arith.constant 40 : i32
    %dma_wait3A = arith.constant 0 : i32
    %dma_wait3A_36 = arith.constant 0 : i32
    %dma_wait3A_37 = arith.constant 0 : i32
    %dma_wait3A_38 = arith.constant 0 : i32
    %dma_wait3A_39 = tpu.memref_slice %arg8[%dma_wait3A, %dma_wait3A_37, %dma_wait3A_38] : memref<2x128x128xf32, #tpu.memory_space<vmem>> -> memref<1x128x128xf32, #tpu.memory_space<vmem>>
    %dma_wait3A_40 = tpu.memref_squeeze %dma_wait3A_39 : memref<1x128x128xf32, #tpu.memory_space<vmem>> -> memref<128x128xf32, #tpu.memory_space<vmem>>
    %dma_wait3A_41 = arith.constant 0 : i32
    %dma_wait3A_42 = tpu.memref_slice %arg7[%dma_wait3A_36, %dma_wait3A_41] : memref<40x128xi32, #tpu.memory_space<vmem>> -> memref<1x128xi32, #tpu.memory_space<vmem>>
    %dma_wait3A_43 = tpu.memref_squeeze %dma_wait3A_42 : memref<1x128xi32, #tpu.memory_space<vmem>> -> memref<128xi32, #tpu.memory_space<vmem>>
    %dma_wait3A_44 = arith.constant 0 : i32
    %dma_wait3A_45 = arith.constant 0 : i32
    %dma_wait3A_46 = tpu.memref_slice %arg10[%dma_wait3A_44, %dma_wait3A_45] : memref<10016x128xf32, #tpu.memory_space<vmem_shared>> -> memref<10016x128xf32, #tpu.memory_space<vmem_shared>>
    tpu.wait_indirect_dma semaphore(%arg12 : memref<!tpu.dma_semaphore, #tpu.memory_space<semaphore_mem>>) src(%dma_wait3A_40 : memref<128x128xf32, #tpu.memory_space<vmem>>) dst(%dma_wait3A_46 : memref<10016x128xf32, #tpu.memory_space<vmem_shared>>)
    "tpu.region"() ({
      %run_scoped3A = tpu.sem_alloc : memref<!tpu.dma_semaphore, #tpu.memory_space<semaphore_mem>>
      %dma_start3A_87 = arith.constant 0 : i32
      %dma_start3A_88 = arith.constant 0 : i32
      %dma_start3A_89 = tpu.memref_slice %arg6[%dma_start3A_87, %dma_start3A_88] : memref<40x128xi32, #tpu.memory_space<vmem>> -> memref<39x128xi32, #tpu.memory_space<vmem>>
      %dma_start3A_90 = arith.constant 0 : i32
      %dma_start3A_91 = arith.constant 0 : i32
      %dma_start3A_92 = tpu.memref_slice %arg3[%add3A, %dma_start3A_90, %dma_start3A_91] : memref<32x79x128xi32, #tpu.memory_space<hbm>> -> memref<1x79x128xi32, #tpu.memory_space<hbm>>
      %dma_start3A_93 = tpu.memref_squeeze %dma_start3A_92 : memref<1x79x128xi32, #tpu.memory_space<hbm>> -> memref<79x128xi32, #tpu.memory_space<hbm>>
      %dma_start3A_94 = arith.constant 40 : i32
      %dma_start3A_95 = arith.constant 0 : i32
      %dma_start3A_96 = tpu.memref_slice %dma_start3A_93[%dma_start3A_94, %dma_start3A_95] : memref<79x128xi32, #tpu.memory_space<hbm>> -> memref<39x128xi32, #tpu.memory_space<hbm>>
      %dma_start3A_97 = arith.constant 0 : i32
      %dma_start3A_98 = arith.constant 0 : i32
      %dma_start3A_99 = tpu.memref_slice %arg6[%dma_start3A_97, %dma_start3A_98] : memref<40x128xi32, #tpu.memory_space<vmem>> -> memref<39x128xi32, #tpu.memory_space<vmem>>
      %dma_start3A_100 = arith.constant 0 : i32
      %dma_start3A_101 = arith.constant 0 : i32
      %dma_start3A_102 = tpu.memref_slice %arg3[%add3A, %dma_start3A_100, %dma_start3A_101] : memref<32x79x128xi32, #tpu.memory_space<hbm>> -> memref<1x79x128xi32, #tpu.memory_space<hbm>>
      %dma_start3A_103 = tpu.memref_squeeze %dma_start3A_102 : memref<1x79x128xi32, #tpu.memory_space<hbm>> -> memref<79x128xi32, #tpu.memory_space<hbm>>
      %dma_start3A_104 = arith.constant 40 : i32
      %dma_start3A_105 = arith.constant 0 : i32
      %dma_start3A_106 = tpu.memref_slice %dma_start3A_103[%dma_start3A_104, %dma_start3A_105] : memref<79x128xi32, #tpu.memory_space<hbm>> -> memref<39x128xi32, #tpu.memory_space<hbm>>
      tpu.enqueue_dma source(%dma_start3A_106 : memref<39x128xi32, #tpu.memory_space<hbm>>) target(%dma_start3A_99 : memref<39x128xi32, #tpu.memory_space<vmem>>) target_semaphore(%run_scoped3A : memref<!tpu.dma_semaphore, #tpu.memory_space<semaphore_mem>>)
      %dma_wait3A_107 = arith.constant 0 : i32
      %dma_wait3A_108 = arith.constant 0 : i32
      %dma_wait3A_109 = tpu.memref_slice %arg6[%dma_wait3A_107, %dma_wait3A_108] : memref<40x128xi32, #tpu.memory_space<vmem>> -> memref<39x128xi32, #tpu.memory_space<vmem>>
      %dma_wait3A_110 = arith.constant 0 : i32
      %dma_wait3A_111 = arith.constant 0 : i32
      %dma_wait3A_112 = tpu.memref_slice %arg3[%add3A, %dma_wait3A_110, %dma_wait3A_111] : memref<32x79x128xi32, #tpu.memory_space<hbm>> -> memref<1x79x128xi32, #tpu.memory_space<hbm>>
      %dma_wait3A_113 = tpu.memref_squeeze %dma_wait3A_112 : memref<1x79x128xi32, #tpu.memory_space<hbm>> -> memref<79x128xi32, #tpu.memory_space<hbm>>
      %dma_wait3A_114 = arith.constant 40 : i32
      %dma_wait3A_115 = arith.constant 0 : i32
      %dma_wait3A_116 = tpu.memref_slice %dma_wait3A_113[%dma_wait3A_114, %dma_wait3A_115] : memref<79x128xi32, #tpu.memory_space<hbm>> -> memref<39x128xi32, #tpu.memory_space<hbm>>
      %dma_wait3A_117 = arith.constant 0 : i32
      %dma_wait3A_118 = arith.constant 0 : i32
      %dma_wait3A_119 = tpu.memref_slice %arg6[%dma_wait3A_117, %dma_wait3A_118] : memref<40x128xi32, #tpu.memory_space<vmem>> -> memref<39x128xi32, #tpu.memory_space<vmem>>
      %dma_wait3A_120 = arith.constant 0 : i32
      %dma_wait3A_121 = arith.constant 0 : i32
      %dma_wait3A_122 = tpu.memref_slice %arg3[%add3A, %dma_wait3A_120, %dma_wait3A_121] : memref<32x79x128xi32, #tpu.memory_space<hbm>> -> memref<1x79x128xi32, #tpu.memory_space<hbm>>
      %dma_wait3A_123 = tpu.memref_squeeze %dma_wait3A_122 : memref<1x79x128xi32, #tpu.memory_space<hbm>> -> memref<79x128xi32, #tpu.memory_space<hbm>>
      %dma_wait3A_124 = arith.constant 40 : i32
      %dma_wait3A_125 = arith.constant 0 : i32
      %dma_wait3A_126 = tpu.memref_slice %dma_wait3A_123[%dma_wait3A_124, %dma_wait3A_125] : memref<79x128xi32, #tpu.memory_space<hbm>> -> memref<39x128xi32, #tpu.memory_space<hbm>>
      tpu.wait_dma2 semaphore(%run_scoped3A : memref<!tpu.dma_semaphore, #tpu.memory_space<semaphore_mem>>) src(%dma_wait3A_126 : memref<39x128xi32, #tpu.memory_space<hbm>>) dst(%dma_wait3A_119 : memref<39x128xi32, #tpu.memory_space<vmem>>)
      tpu.yield
    }) : () -> ()
    "tpu.region"() ({
      %run_scoped3A = tpu.sem_alloc : memref<!tpu.dma_semaphore, #tpu.memory_space<semaphore_mem>>
      %dma_start3A_87 = arith.constant 0 : i32
      %dma_start3A_88 = arith.constant 0 : i32
      %dma_start3A_89 = tpu.memref_slice %arg7[%dma_start3A_87, %dma_start3A_88] : memref<40x128xi32, #tpu.memory_space<vmem>> -> memref<39x128xi32, #tpu.memory_space<vmem>>
      %dma_start3A_90 = arith.constant 0 : i32
      %dma_start3A_91 = arith.constant 0 : i32
      %dma_start3A_92 = tpu.memref_slice %arg4[%add3A, %dma_start3A_90, %dma_start3A_91] : memref<32x79x128xi32, #tpu.memory_space<hbm>> -> memref<1x79x128xi32, #tpu.memory_space<hbm>>
      %dma_start3A_93 = tpu.memref_squeeze %dma_start3A_92 : memref<1x79x128xi32, #tpu.memory_space<hbm>> -> memref<79x128xi32, #tpu.memory_space<hbm>>
      %dma_start3A_94 = arith.constant 40 : i32
      %dma_start3A_95 = arith.constant 0 : i32
      %dma_start3A_96 = tpu.memref_slice %dma_start3A_93[%dma_start3A_94, %dma_start3A_95] : memref<79x128xi32, #tpu.memory_space<hbm>> -> memref<39x128xi32, #tpu.memory_space<hbm>>
      %dma_start3A_97 = arith.constant 0 : i32
      %dma_start3A_98 = arith.constant 0 : i32
      %dma_start3A_99 = tpu.memref_slice %arg7[%dma_start3A_97, %dma_start3A_98] : memref<40x128xi32, #tpu.memory_space<vmem>> -> memref<39x128xi32, #tpu.memory_space<vmem>>
      %dma_start3A_100 = arith.constant 0 : i32
      %dma_start3A_101 = arith.constant 0 : i32
      %dma_start3A_102 = tpu.memref_slice %arg4[%add3A, %dma_start3A_100, %dma_start3A_101] : memref<32x79x128xi32, #tpu.memory_space<hbm>> -> memref<1x79x128xi32, #tpu.memory_space<hbm>>
      %dma_start3A_103 = tpu.memref_squeeze %dma_start3A_102 : memref<1x79x128xi32, #tpu.memory_space<hbm>> -> memref<79x128xi32, #tpu.memory_space<hbm>>
      %dma_start3A_104 = arith.constant 40 : i32
      %dma_start3A_105 = arith.constant 0 : i32
      %dma_start3A_106 = tpu.memref_slice %dma_start3A_103[%dma_start3A_104, %dma_start3A_105] : memref<79x128xi32, #tpu.memory_space<hbm>> -> memref<39x128xi32, #tpu.memory_space<hbm>>
      tpu.enqueue_dma source(%dma_start3A_106 : memref<39x128xi32, #tpu.memory_space<hbm>>) target(%dma_start3A_99 : memref<39x128xi32, #tpu.memory_space<vmem>>) target_semaphore(%run_scoped3A : memref<!tpu.dma_semaphore, #tpu.memory_space<semaphore_mem>>)
      %dma_wait3A_107 = arith.constant 0 : i32
      %dma_wait3A_108 = arith.constant 0 : i32
      %dma_wait3A_109 = tpu.memref_slice %arg7[%dma_wait3A_107, %dma_wait3A_108] : memref<40x128xi32, #tpu.memory_space<vmem>> -> memref<39x128xi32, #tpu.memory_space<vmem>>
      %dma_wait3A_110 = arith.constant 0 : i32
      %dma_wait3A_111 = arith.constant 0 : i32
      %dma_wait3A_112 = tpu.memref_slice %arg4[%add3A, %dma_wait3A_110, %dma_wait3A_111] : memref<32x79x128xi32, #tpu.memory_space<hbm>> -> memref<1x79x128xi32, #tpu.memory_space<hbm>>
      %dma_wait3A_113 = tpu.memref_squeeze %dma_wait3A_112 : memref<1x79x128xi32, #tpu.memory_space<hbm>> -> memref<79x128xi32, #tpu.memory_space<hbm>>
      %dma_wait3A_114 = arith.constant 40 : i32
      %dma_wait3A_115 = arith.constant 0 : i32
      %dma_wait3A_116 = tpu.memref_slice %dma_wait3A_113[%dma_wait3A_114, %dma_wait3A_115] : memref<79x128xi32, #tpu.memory_space<hbm>> -> memref<39x128xi32, #tpu.memory_space<hbm>>
      %dma_wait3A_117 = arith.constant 0 : i32
      %dma_wait3A_118 = arith.constant 0 : i32
      %dma_wait3A_119 = tpu.memref_slice %arg7[%dma_wait3A_117, %dma_wait3A_118] : memref<40x128xi32, #tpu.memory_space<vmem>> -> memref<39x128xi32, #tpu.memory_space<vmem>>
      %dma_wait3A_120 = arith.constant 0 : i32
      %dma_wait3A_121 = arith.constant 0 : i32
      %dma_wait3A_122 = tpu.memref_slice %arg4[%add3A, %dma_wait3A_120, %dma_wait3A_121] : memref<32x79x128xi32, #tpu.memory_space<hbm>> -> memref<1x79x128xi32, #tpu.memory_space<hbm>>
      %dma_wait3A_123 = tpu.memref_squeeze %dma_wait3A_122 : memref<1x79x128xi32, #tpu.memory_space<hbm>> -> memref<79x128xi32, #tpu.memory_space<hbm>>
      %dma_wait3A_124 = arith.constant 40 : i32
      %dma_wait3A_125 = arith.constant 0 : i32
      %dma_wait3A_126 = tpu.memref_slice %dma_wait3A_123[%dma_wait3A_124, %dma_wait3A_125] : memref<79x128xi32, #tpu.memory_space<hbm>> -> memref<39x128xi32, #tpu.memory_space<hbm>>
      tpu.wait_dma2 semaphore(%run_scoped3A : memref<!tpu.dma_semaphore, #tpu.memory_space<semaphore_mem>>) src(%dma_wait3A_126 : memref<39x128xi32, #tpu.memory_space<hbm>>) dst(%dma_wait3A_119 : memref<39x128xi32, #tpu.memory_space<vmem>>)
      tpu.yield
    }) : () -> ()
    %dma_start3A_47 = arith.constant 0 : i32
    %dma_start3A_48 = arith.constant 0 : i32
    %dma_start3A_49 = arith.constant 0 : i32
    %dma_start3A_50 = arith.constant 0 : i32
    %dma_start3A_51 = tpu.memref_slice %arg8[%dma_start3A_48, %dma_start3A_49, %dma_start3A_50] : memref<2x128x128xf32, #tpu.memory_space<vmem>> -> memref<1x128x128xf32, #tpu.memory_space<vmem>>
    %dma_start3A_52 = tpu.memref_squeeze %dma_start3A_51 : memref<1x128x128xf32, #tpu.memory_space<vmem>> -> memref<128x128xf32, #tpu.memory_space<vmem>>
    %dma_start3A_53 = arith.constant 0 : i32
    %dma_start3A_54 = tpu.memref_slice %arg6[%dma_start3A_47, %dma_start3A_53] : memref<40x128xi32, #tpu.memory_space<vmem>> -> memref<1x128xi32, #tpu.memory_space<vmem>>
    %dma_start3A_55 = tpu.memref_squeeze %dma_start3A_54 : memref<1x128xi32, #tpu.memory_space<vmem>> -> memref<128xi32, #tpu.memory_space<vmem>>
    %dma_start3A_56 = arith.constant 0 : i32
    %dma_start3A_57 = arith.constant 0 : i32
    %dma_start3A_58 = tpu.memref_slice %arg2[%dma_start3A_56, %dma_start3A_57] : memref<10016x128xf32, #tpu.memory_space<hbm>> -> memref<10016x128xf32, #tpu.memory_space<hbm>>
    tpu.enqueue_indirect_dma source(%dma_start3A_58 : memref<10016x128xf32, #tpu.memory_space<hbm>>) target(%dma_start3A_52 : memref<128x128xf32, #tpu.memory_space<vmem>>) offsets(%dma_start3A_55 : memref<128xi32, #tpu.memory_space<vmem>>) semaphore(%arg11 : memref<!tpu.dma_semaphore, #tpu.memory_space<semaphore_mem>>)
    %scan3A_59 = arith.constant 0 : i32
    %scan3A_60 = arith.constant 0 : i32
    %scan3A_61 = arith.constant 39 : i32
    %scan3A_62 = arith.addi %scan3A_60, %scan3A_61 : i32
    %scan3A_63 = arith.constant 1 : i32
    scf.for %scan3A_87 = %scan3A_60 to %scan3A_62 step %scan3A_63  : i32 {
      %rem3A = arith.constant 2 : i32
      %rem3A_88 = arith.remsi %scan3A_87, %rem3A : i32
      %ge3A = arith.constant 1 : i32
      %ge3A_89 = arith.cmpi sge, %scan3A_87, %ge3A : i32
      %convert_element_type3A_90 = arith.extui %ge3A_89 : i1 to i32
      %cond3A_91 = arith.constant 0 : i32
      %cond3A_92 = arith.cmpi ne, %convert_element_type3A_90, %cond3A_91 : i32
      scf.if %cond3A_92 {
        %sub3A = arith.constant 1 : i32
        %sub3A_120 = arith.subi %sub3A, %rem3A_88 : i32
        %dma_wait3A_121 = arith.constant 0 : i32
        %dma_wait3A_122 = arith.constant 0 : i32
        %dma_wait3A_123 = arith.constant 0 : i32
        %dma_wait3A_124 = tpu.memref_slice %arg8[%sub3A_120, %dma_wait3A_122, %dma_wait3A_123] : memref<2x128x128xf32, #tpu.memory_space<vmem>> -> memref<1x128x128xf32, #tpu.memory_space<vmem>>
        %dma_wait3A_125 = tpu.memref_squeeze %dma_wait3A_124 : memref<1x128x128xf32, #tpu.memory_space<vmem>> -> memref<128x128xf32, #tpu.memory_space<vmem>>
        %dma_wait3A_126 = arith.constant 0 : i32
        %dma_wait3A_127 = tpu.memref_slice %arg7[%dma_wait3A_121, %dma_wait3A_126] : memref<40x128xi32, #tpu.memory_space<vmem>> -> memref<1x128xi32, #tpu.memory_space<vmem>>
        %dma_wait3A_128 = tpu.memref_squeeze %dma_wait3A_127 : memref<1x128xi32, #tpu.memory_space<vmem>> -> memref<128xi32, #tpu.memory_space<vmem>>
        %dma_wait3A_129 = arith.constant 0 : i32
        %dma_wait3A_130 = arith.constant 0 : i32
        %dma_wait3A_131 = tpu.memref_slice %arg10[%dma_wait3A_129, %dma_wait3A_130] : memref<10016x128xf32, #tpu.memory_space<vmem_shared>> -> memref<10016x128xf32, #tpu.memory_space<vmem_shared>>
        tpu.wait_indirect_dma semaphore(%arg12 : memref<!tpu.dma_semaphore, #tpu.memory_space<semaphore_mem>>) src(%dma_wait3A_125 : memref<128x128xf32, #tpu.memory_space<vmem>>) dst(%dma_wait3A_131 : memref<10016x128xf32, #tpu.memory_space<vmem_shared>>)
      } else {
      }
      %add3A_93 = arith.constant 1 : i32
      %add3A_94 = arith.addi %scan3A_87, %add3A_93 : i32
      %lt3A_95 = arith.constant 39 : i32
      %lt3A_96 = arith.cmpi slt, %add3A_94, %lt3A_95 : i32
      %convert_element_type3A_97 = arith.extui %lt3A_96 : i1 to i32
      %cond3A_98 = arith.constant 0 : i32
      %cond3A_99 = arith.cmpi ne, %convert_element_type3A_97, %cond3A_98 : i32
      scf.if %cond3A_99 {
        %add3A_120 = arith.constant 1 : i32
        %add3A_121 = arith.addi %scan3A_87, %add3A_120 : i32
        %sub3A = arith.constant 1 : i32
        %sub3A_122 = arith.subi %sub3A, %rem3A_88 : i32
        %dma_start3A_123 = arith.constant 0 : i32
        %dma_start3A_124 = arith.constant 0 : i32
        %dma_start3A_125 = tpu.memref_slice %arg8[%sub3A_122, %dma_start3A_123, %dma_start3A_124] : memref<2x128x128xf32, #tpu.memory_space<vmem>> -> memref<1x128x128xf32, #tpu.memory_space<vmem>>
        %dma_start3A_126 = tpu.memref_squeeze %dma_start3A_125 : memref<1x128x128xf32, #tpu.memory_space<vmem>> -> memref<128x128xf32, #tpu.memory_space<vmem>>
        %dma_start3A_127 = arith.constant 0 : i32
        %dma_start3A_128 = tpu.memref_slice %arg6[%add3A_121, %dma_start3A_127] : memref<40x128xi32, #tpu.memory_space<vmem>> -> memref<1x128xi32, #tpu.memory_space<vmem>>
        %dma_start3A_129 = tpu.memref_squeeze %dma_start3A_128 : memref<1x128xi32, #tpu.memory_space<vmem>> -> memref<128xi32, #tpu.memory_space<vmem>>
        %dma_start3A_130 = arith.constant 0 : i32
        %dma_start3A_131 = arith.constant 0 : i32
        %dma_start3A_132 = tpu.memref_slice %arg2[%dma_start3A_130, %dma_start3A_131] : memref<10016x128xf32, #tpu.memory_space<hbm>> -> memref<10016x128xf32, #tpu.memory_space<hbm>>
        tpu.enqueue_indirect_dma source(%dma_start3A_132 : memref<10016x128xf32, #tpu.memory_space<hbm>>) target(%dma_start3A_126 : memref<128x128xf32, #tpu.memory_space<vmem>>) offsets(%dma_start3A_129 : memref<128xi32, #tpu.memory_space<vmem>>) semaphore(%arg11 : memref<!tpu.dma_semaphore, #tpu.memory_space<semaphore_mem>>)
      } else {
      }
      %dma_wait3A_100 = arith.constant 0 : i32
      %dma_wait3A_101 = arith.constant 0 : i32
      %dma_wait3A_102 = tpu.memref_slice %arg8[%rem3A_88, %dma_wait3A_100, %dma_wait3A_101] : memref<2x128x128xf32, #tpu.memory_space<vmem>> -> memref<1x128x128xf32, #tpu.memory_space<vmem>>
      %dma_wait3A_103 = tpu.memref_squeeze %dma_wait3A_102 : memref<1x128x128xf32, #tpu.memory_space<vmem>> -> memref<128x128xf32, #tpu.memory_space<vmem>>
      %dma_wait3A_104 = arith.constant 0 : i32
      %dma_wait3A_105 = tpu.memref_slice %arg6[%scan3A_87, %dma_wait3A_104] : memref<40x128xi32, #tpu.memory_space<vmem>> -> memref<1x128xi32, #tpu.memory_space<vmem>>
      %dma_wait3A_106 = tpu.memref_squeeze %dma_wait3A_105 : memref<1x128xi32, #tpu.memory_space<vmem>> -> memref<128xi32, #tpu.memory_space<vmem>>
      %dma_wait3A_107 = arith.constant 0 : i32
      %dma_wait3A_108 = arith.constant 0 : i32
      %dma_wait3A_109 = tpu.memref_slice %arg2[%dma_wait3A_107, %dma_wait3A_108] : memref<10016x128xf32, #tpu.memory_space<hbm>> -> memref<10016x128xf32, #tpu.memory_space<hbm>>
      tpu.wait_indirect_dma semaphore(%arg11 : memref<!tpu.dma_semaphore, #tpu.memory_space<semaphore_mem>>) src(%dma_wait3A_109 : memref<10016x128xf32, #tpu.memory_space<hbm>>) dst(%dma_wait3A_103 : memref<128x128xf32, #tpu.memory_space<vmem>>)
      %dma_start3A_110 = arith.constant 0 : i32
      %dma_start3A_111 = arith.constant 0 : i32
      %dma_start3A_112 = tpu.memref_slice %arg8[%rem3A_88, %dma_start3A_110, %dma_start3A_111] : memref<2x128x128xf32, #tpu.memory_space<vmem>> -> memref<1x128x128xf32, #tpu.memory_space<vmem>>
      %dma_start3A_113 = tpu.memref_squeeze %dma_start3A_112 : memref<1x128x128xf32, #tpu.memory_space<vmem>> -> memref<128x128xf32, #tpu.memory_space<vmem>>
      %dma_start3A_114 = arith.constant 0 : i32
      %dma_start3A_115 = tpu.memref_slice %arg7[%scan3A_87, %dma_start3A_114] : memref<40x128xi32, #tpu.memory_space<vmem>> -> memref<1x128xi32, #tpu.memory_space<vmem>>
      %dma_start3A_116 = tpu.memref_squeeze %dma_start3A_115 : memref<1x128xi32, #tpu.memory_space<vmem>> -> memref<128xi32, #tpu.memory_space<vmem>>
      %dma_start3A_117 = arith.constant 0 : i32
      %dma_start3A_118 = arith.constant 0 : i32
      %dma_start3A_119 = tpu.memref_slice %arg10[%dma_start3A_117, %dma_start3A_118] : memref<10016x128xf32, #tpu.memory_space<vmem_shared>> -> memref<10016x128xf32, #tpu.memory_space<vmem_shared>>
      tpu.enqueue_indirect_dma source(%dma_start3A_113 : memref<128x128xf32, #tpu.memory_space<vmem>>) target(%dma_start3A_119 : memref<10016x128xf32, #tpu.memory_space<vmem_shared>>) offsets(%dma_start3A_116 : memref<128xi32, #tpu.memory_space<vmem>>) semaphore(%arg12 : memref<!tpu.dma_semaphore, #tpu.memory_space<semaphore_mem>>) {add = true}
    }
    %scan3A_64 = arith.constant 39 : i32
    %dma_wait3A_65 = arith.constant 0 : i32
    %dma_wait3A_66 = arith.constant 0 : i32
    %dma_wait3A_67 = arith.constant 0 : i32
    %dma_wait3A_68 = arith.constant 0 : i32
    %dma_wait3A_69 = tpu.memref_slice %arg8[%dma_wait3A_65, %dma_wait3A_67, %dma_wait3A_68] : memref<2x128x128xf32, #tpu.memory_space<vmem>> -> memref<1x128x128xf32, #tpu.memory_space<vmem>>
    %dma_wait3A_70 = tpu.memref_squeeze %dma_wait3A_69 : memref<1x128x128xf32, #tpu.memory_space<vmem>> -> memref<128x128xf32, #tpu.memory_space<vmem>>
    %dma_wait3A_71 = arith.constant 0 : i32
    %dma_wait3A_72 = tpu.memref_slice %arg7[%dma_wait3A_66, %dma_wait3A_71] : memref<40x128xi32, #tpu.memory_space<vmem>> -> memref<1x128xi32, #tpu.memory_space<vmem>>
    %dma_wait3A_73 = tpu.memref_squeeze %dma_wait3A_72 : memref<1x128xi32, #tpu.memory_space<vmem>> -> memref<128xi32, #tpu.memory_space<vmem>>
    %dma_wait3A_74 = arith.constant 0 : i32
    %dma_wait3A_75 = arith.constant 0 : i32
    %dma_wait3A_76 = tpu.memref_slice %arg10[%dma_wait3A_74, %dma_wait3A_75] : memref<10016x128xf32, #tpu.memory_space<vmem_shared>> -> memref<10016x128xf32, #tpu.memory_space<vmem_shared>>
    tpu.wait_indirect_dma semaphore(%arg12 : memref<!tpu.dma_semaphore, #tpu.memory_space<semaphore_mem>>) src(%dma_wait3A_70 : memref<128x128xf32, #tpu.memory_space<vmem>>) dst(%dma_wait3A_76 : memref<10016x128xf32, #tpu.memory_space<vmem_shared>>)
    %barrier3A_77 = arith.constant 0 : index
    tpu.barrier barrier_id(%barrier3A_77)
    %mul3A_78 = arith.constant 624 : i32
    %mul3A_79 = arith.muli %arg1, %mul3A_78 : i32
    %multiple_of3A = tpu.assume_multiple %mul3A_79, 8 : i32
    %lt3A = arith.constant 15 : i32
    %lt3A_80 = arith.cmpi slt, %arg1, %lt3A : i32
    %convert_element_type3A = arith.extui %lt3A_80 : i1 to i32
    %cond3A = arith.constant 0 : i32
    %cond3A_81 = arith.cmpi ne, %convert_element_type3A, %cond3A : i32
    scf.if %cond3A_81 {
      "tpu.region"() ({
        %run_scoped3A = tpu.sem_alloc : memref<!tpu.dma_semaphore, #tpu.memory_space<semaphore_mem>>
        %dma_start3A_87 = arith.constant 0 : i32
        %dma_start3A_88 = arith.constant 0 : i32
        %dma_start3A_89 = tpu.memref_slice %arg5[%arg0, %dma_start3A_87, %dma_start3A_88] : memref<2x10000x128xf32, #tpu.memory_space<hbm>> -> memref<1x10000x128xf32, #tpu.memory_space<hbm>>
        %dma_start3A_90 = tpu.memref_squeeze %dma_start3A_89 : memref<1x10000x128xf32, #tpu.memory_space<hbm>> -> memref<10000x128xf32, #tpu.memory_space<hbm>>
        %dma_start3A_91 = arith.constant 0 : i32
        %dma_start3A_92 = tpu.memref_slice %dma_start3A_90[%multiple_of3A, %dma_start3A_91] : memref<10000x128xf32, #tpu.memory_space<hbm>> -> memref<624x128xf32, #tpu.memory_space<hbm>>
        %dma_start3A_93 = arith.constant 0 : i32
        %dma_start3A_94 = tpu.memref_slice %arg10[%multiple_of3A, %dma_start3A_93] : memref<10016x128xf32, #tpu.memory_space<vmem_shared>> -> memref<624x128xf32, #tpu.memory_space<vmem_shared>>
        tpu.enqueue_dma source(%dma_start3A_94 : memref<624x128xf32, #tpu.memory_space<vmem_shared>>) target(%dma_start3A_92 : memref<624x128xf32, #tpu.memory_space<hbm>>) target_semaphore(%run_scoped3A : memref<!tpu.dma_semaphore, #tpu.memory_space<semaphore_mem>>)
        %dma_wait3A_95 = arith.constant 0 : i32
        %dma_wait3A_96 = arith.constant 0 : i32
        %dma_wait3A_97 = tpu.memref_slice %arg5[%arg0, %dma_wait3A_95, %dma_wait3A_96] : memref<2x10000x128xf32, #tpu.memory_space<hbm>> -> memref<1x10000x128xf32, #tpu.memory_space<hbm>>
        %dma_wait3A_98 = tpu.memref_squeeze %dma_wait3A_97 : memref<1x10000x128xf32, #tpu.memory_space<hbm>> -> memref<10000x128xf32, #tpu.memory_space<hbm>>
        %dma_wait3A_99 = arith.constant 0 : i32
        %dma_wait3A_100 = tpu.memref_slice %dma_wait3A_98[%multiple_of3A, %dma_wait3A_99] : memref<10000x128xf32, #tpu.memory_space<hbm>> -> memref<624x128xf32, #tpu.memory_space<hbm>>
        %dma_wait3A_101 = arith.constant 0 : i32
        %dma_wait3A_102 = tpu.memref_slice %arg10[%multiple_of3A, %dma_wait3A_101] : memref<10016x128xf32, #tpu.memory_space<vmem_shared>> -> memref<624x128xf32, #tpu.memory_space<vmem_shared>>
        tpu.wait_dma2 semaphore(%run_scoped3A : memref<!tpu.dma_semaphore, #tpu.memory_space<semaphore_mem>>) src(%dma_wait3A_102 : memref<624x128xf32, #tpu.memory_space<vmem_shared>>) dst(%dma_wait3A_100 : memref<624x128xf32, #tpu.memory_space<hbm>>)
        tpu.yield
      }) : () -> ()
    } else {
    }
    %eq3A_82 = arith.constant 15 : i32
    %eq3A_83 = arith.cmpi eq, %arg1, %eq3A_82 : i32
    %convert_element_type3A_84 = arith.extui %eq3A_83 : i1 to i32
    %cond3A_85 = arith.constant 0 : i32
    %cond3A_86 = arith.cmpi ne, %convert_element_type3A_84, %cond3A_85 : i32
    scf.if %cond3A_86 {
      "tpu.region"() ({
        %run_scoped3A = tpu.sem_alloc : memref<!tpu.dma_semaphore, #tpu.memory_space<semaphore_mem>>
        %dma_start3A_87 = arith.constant 0 : i32
        %dma_start3A_88 = arith.constant 0 : i32
        %dma_start3A_89 = tpu.memref_slice %arg5[%arg0, %dma_start3A_87, %dma_start3A_88] : memref<2x10000x128xf32, #tpu.memory_space<hbm>> -> memref<1x10000x128xf32, #tpu.memory_space<hbm>>
        %dma_start3A_90 = tpu.memref_squeeze %dma_start3A_89 : memref<1x10000x128xf32, #tpu.memory_space<hbm>> -> memref<10000x128xf32, #tpu.memory_space<hbm>>
        %dma_start3A_91 = arith.constant 9360 : i32
        %dma_start3A_92 = arith.constant 0 : i32
        %dma_start3A_93 = tpu.memref_slice %dma_start3A_90[%dma_start3A_91, %dma_start3A_92] : memref<10000x128xf32, #tpu.memory_space<hbm>> -> memref<640x128xf32, #tpu.memory_space<hbm>>
        %dma_start3A_94 = arith.constant 9360 : i32
        %dma_start3A_95 = arith.constant 0 : i32
        %dma_start3A_96 = tpu.memref_slice %arg10[%dma_start3A_94, %dma_start3A_95] : memref<10016x128xf32, #tpu.memory_space<vmem_shared>> -> memref<640x128xf32, #tpu.memory_space<vmem_shared>>
        tpu.enqueue_dma source(%dma_start3A_96 : memref<640x128xf32, #tpu.memory_space<vmem_shared>>) target(%dma_start3A_93 : memref<640x128xf32, #tpu.memory_space<hbm>>) target_semaphore(%run_scoped3A : memref<!tpu.dma_semaphore, #tpu.memory_space<semaphore_mem>>)
        %dma_wait3A_97 = arith.constant 0 : i32
        %dma_wait3A_98 = arith.constant 0 : i32
        %dma_wait3A_99 = tpu.memref_slice %arg5[%arg0, %dma_wait3A_97, %dma_wait3A_98] : memref<2x10000x128xf32, #tpu.memory_space<hbm>> -> memref<1x10000x128xf32, #tpu.memory_space<hbm>>
        %dma_wait3A_100 = tpu.memref_squeeze %dma_wait3A_99 : memref<1x10000x128xf32, #tpu.memory_space<hbm>> -> memref<10000x128xf32, #tpu.memory_space<hbm>>
        %dma_wait3A_101 = arith.constant 9360 : i32
        %dma_wait3A_102 = arith.constant 0 : i32
        %dma_wait3A_103 = tpu.memref_slice %dma_wait3A_100[%dma_wait3A_101, %dma_wait3A_102] : memref<10000x128xf32, #tpu.memory_space<hbm>> -> memref<640x128xf32, #tpu.memory_space<hbm>>
        %dma_wait3A_104 = arith.constant 9360 : i32
        %dma_wait3A_105 = arith.constant 0 : i32
        %dma_wait3A_106 = tpu.memref_slice %arg10[%dma_wait3A_104, %dma_wait3A_105] : memref<10016x128xf32, #tpu.memory_space<vmem_shared>> -> memref<640x128xf32, #tpu.memory_space<vmem_shared>>
        tpu.wait_dma2 semaphore(%run_scoped3A : memref<!tpu.dma_semaphore, #tpu.memory_space<semaphore_mem>>) src(%dma_wait3A_106 : memref<640x128xf32, #tpu.memory_space<vmem_shared>>) dst(%dma_wait3A_103 : memref<640x128xf32, #tpu.memory_space<hbm>>)
        tpu.yield
      }) : () -> ()
    } else {
    }
    return
  }
}

#map = affine_map<(d0, d1) -> (0, 0)>
#map1 = affine_map<(d0, d1) -> (0, 0, 0)>
#map2 = affine_map<(d0, d1) -> (0)>
#map3 = affine_map<(d0, d1) -> (0, 0, 0, 0)>
module attributes {stable_mosaic.version = 14 : i64} {
  func.func @agg_kernel(%arg0: i32, %arg1: i32, %arg2: memref<10016x128xf32, #tpu.memory_space<hbm>>, %arg3: memref<32x79x128xi32, #tpu.memory_space<hbm>>, %arg4: memref<32x79x128xi32, #tpu.memory_space<hbm>>, %arg5: memref<8192xi32, #tpu.memory_space<hbm>>, %arg6: memref<10000xf32, #tpu.memory_space<hbm>>, %arg7: memref<2x2x4096x128xf32, #tpu.memory_space<hbm>>, %arg8: memref<16x4x128xf32, #tpu.memory_space<hbm>>, %arg9: memref<40x128xi32, #tpu.memory_space<vmem>>, %arg10: memref<40x128xi32, #tpu.memory_space<vmem>>, %arg11: memref<2x128x128xf32, #tpu.memory_space<vmem>>, %arg12: memref<16x128xf32, #tpu.memory_space<vmem>>, %arg13: memref<10016x128xf32, #tpu.memory_space<vmem_shared>>, %arg14: memref<!tpu.dma_semaphore, #tpu.memory_space<semaphore_mem>>, %arg15: memref<!tpu.dma_semaphore, #tpu.memory_space<semaphore_mem>>, %arg16: memref<4x128xf32, #tpu.memory_space<vmem>>, %arg17: memref<!tpu.dma_semaphore, #tpu.memory_space<semaphore_mem>>) attributes {dimension_semantics = [#tpu.dimension_semantics<core_parallel>, #tpu.dimension_semantics<subcore_parallel>], iteration_bounds = array<i64: 2, 16>, scalar_prefetch = 0 : i64, scratch_operands = 9 : i64, tpu.core_type = #tpu.core_type<sc_vector_subcore>, window_params = [{transform_indices = #map}, {transform_indices = #map1}, {transform_indices = #map1}, {transform_indices = #map2}, {transform_indices = #map2}, {transform_indices = #map3}, {transform_indices = #map1}]} {
    %mul3A = arith.constant 16 : i32
    %mul3A_0 = arith.muli %arg0, %mul3A : i32
    %add3A = arith.addi %mul3A_0, %arg1 : i32
    %scan3A = arith.constant 0 : i32
    %scan3A_1 = arith.constant 0 : i32
    %scan3A_2 = arith.constant 16 : i32
    %scan3A_3 = arith.addi %scan3A_1, %scan3A_2 : i32
    %scan3A_4 = arith.constant 1 : i32
    scf.for %scan3A_505 = %scan3A_1 to %scan3A_3 step %scan3A_4  : i32 {
      %broadcast_in_dim3A = arith.constant 0.000000e+00 : f32
      %broadcast_in_dim3A_506 = vector.broadcast %broadcast_in_dim3A : f32 to vector<16xf32>
      %swap3A = arith.index_cast %scan3A_505 : i32 to index
      %swap3A_507 = arith.constant 0 : index
      %swap3A_508 = tpu.vector_load %arg12[%swap3A, %swap3A_507] {strides = array<i32>} : memref<16x128xf32, #tpu.memory_space<vmem>>, vector<1x16xf32>,
      %swap3A_509 = vector.shape_cast %swap3A_508 : vector<1x16xf32> to vector<16xf32>
      %swap3A_510 = vector.shape_cast %broadcast_in_dim3A_506 : vector<16xf32> to vector<1x16xf32>
      tpu.vector_store %arg12[%swap3A, %swap3A_507], %swap3A_510 {strides = array<i32>} : memref<16x128xf32, #tpu.memory_space<vmem>>, vector<1x16xf32>,
      %broadcast_in_dim3A_511 = arith.constant 0.000000e+00 : f32
      %broadcast_in_dim3A_512 = vector.broadcast %broadcast_in_dim3A_511 : f32 to vector<16xf32>
      %swap3A_513 = arith.index_cast %scan3A_505 : i32 to index
      %swap3A_514 = arith.constant 16 : index
      %swap3A_515 = tpu.vector_load %arg12[%swap3A_513, %swap3A_514] {strides = array<i32>} : memref<16x128xf32, #tpu.memory_space<vmem>>, vector<1x16xf32>,
      %swap3A_516 = vector.shape_cast %swap3A_515 : vector<1x16xf32> to vector<16xf32>
      %swap3A_517 = vector.shape_cast %broadcast_in_dim3A_512 : vector<16xf32> to vector<1x16xf32>
      tpu.vector_store %arg12[%swap3A_513, %swap3A_514], %swap3A_517 {strides = array<i32>} : memref<16x128xf32, #tpu.memory_space<vmem>>, vector<1x16xf32>,
      %broadcast_in_dim3A_518 = arith.constant 0.000000e+00 : f32
      %broadcast_in_dim3A_519 = vector.broadcast %broadcast_in_dim3A_518 : f32 to vector<16xf32>
      %swap3A_520 = arith.index_cast %scan3A_505 : i32 to index
      %swap3A_521 = arith.constant 32 : index
      %swap3A_522 = tpu.vector_load %arg12[%swap3A_520, %swap3A_521] {strides = array<i32>} : memref<16x128xf32, #tpu.memory_space<vmem>>, vector<1x16xf32>,
      %swap3A_523 = vector.shape_cast %swap3A_522 : vector<1x16xf32> to vector<16xf32>
      %swap3A_524 = vector.shape_cast %broadcast_in_dim3A_519 : vector<16xf32> to vector<1x16xf32>
      tpu.vector_store %arg12[%swap3A_520, %swap3A_521], %swap3A_524 {strides = array<i32>} : memref<16x128xf32, #tpu.memory_space<vmem>>, vector<1x16xf32>,
      %broadcast_in_dim3A_525 = arith.constant 0.000000e+00 : f32
      %broadcast_in_dim3A_526 = vector.broadcast %broadcast_in_dim3A_525 : f32 to vector<16xf32>
      %swap3A_527 = arith.index_cast %scan3A_505 : i32 to index
      %swap3A_528 = arith.constant 48 : index
      %swap3A_529 = tpu.vector_load %arg12[%swap3A_527, %swap3A_528] {strides = array<i32>} : memref<16x128xf32, #tpu.memory_space<vmem>>, vector<1x16xf32>,
      %swap3A_530 = vector.shape_cast %swap3A_529 : vector<1x16xf32> to vector<16xf32>
      %swap3A_531 = vector.shape_cast %broadcast_in_dim3A_526 : vector<16xf32> to vector<1x16xf32>
      tpu.vector_store %arg12[%swap3A_527, %swap3A_528], %swap3A_531 {strides = array<i32>} : memref<16x128xf32, #tpu.memory_space<vmem>>, vector<1x16xf32>,
      %broadcast_in_dim3A_532 = arith.constant 0.000000e+00 : f32
      %broadcast_in_dim3A_533 = vector.broadcast %broadcast_in_dim3A_532 : f32 to vector<16xf32>
      %swap3A_534 = arith.index_cast %scan3A_505 : i32 to index
      %swap3A_535 = arith.constant 64 : index
      %swap3A_536 = tpu.vector_load %arg12[%swap3A_534, %swap3A_535] {strides = array<i32>} : memref<16x128xf32, #tpu.memory_space<vmem>>, vector<1x16xf32>,
      %swap3A_537 = vector.shape_cast %swap3A_536 : vector<1x16xf32> to vector<16xf32>
      %swap3A_538 = vector.shape_cast %broadcast_in_dim3A_533 : vector<16xf32> to vector<1x16xf32>
      tpu.vector_store %arg12[%swap3A_534, %swap3A_535], %swap3A_538 {strides = array<i32>} : memref<16x128xf32, #tpu.memory_space<vmem>>, vector<1x16xf32>,
      %broadcast_in_dim3A_539 = arith.constant 0.000000e+00 : f32
      %broadcast_in_dim3A_540 = vector.broadcast %broadcast_in_dim3A_539 : f32 to vector<16xf32>
      %swap3A_541 = arith.index_cast %scan3A_505 : i32 to index
      %swap3A_542 = arith.constant 80 : index
      %swap3A_543 = tpu.vector_load %arg12[%swap3A_541, %swap3A_542] {strides = array<i32>} : memref<16x128xf32, #tpu.memory_space<vmem>>, vector<1x16xf32>,
      %swap3A_544 = vector.shape_cast %swap3A_543 : vector<1x16xf32> to vector<16xf32>
      %swap3A_545 = vector.shape_cast %broadcast_in_dim3A_540 : vector<16xf32> to vector<1x16xf32>
      tpu.vector_store %arg12[%swap3A_541, %swap3A_542], %swap3A_545 {strides = array<i32>} : memref<16x128xf32, #tpu.memory_space<vmem>>, vector<1x16xf32>,
      %broadcast_in_dim3A_546 = arith.constant 0.000000e+00 : f32
      %broadcast_in_dim3A_547 = vector.broadcast %broadcast_in_dim3A_546 : f32 to vector<16xf32>
      %swap3A_548 = arith.index_cast %scan3A_505 : i32 to index
      %swap3A_549 = arith.constant 96 : index
      %swap3A_550 = tpu.vector_load %arg12[%swap3A_548, %swap3A_549] {strides = array<i32>} : memref<16x128xf32, #tpu.memory_space<vmem>>, vector<1x16xf32>,
      %swap3A_551 = vector.shape_cast %swap3A_550 : vector<1x16xf32> to vector<16xf32>
      %swap3A_552 = vector.shape_cast %broadcast_in_dim3A_547 : vector<16xf32> to vector<1x16xf32>
      tpu.vector_store %arg12[%swap3A_548, %swap3A_549], %swap3A_552 {strides = array<i32>} : memref<16x128xf32, #tpu.memory_space<vmem>>, vector<1x16xf32>,
      %broadcast_in_dim3A_553 = arith.constant 0.000000e+00 : f32
      %broadcast_in_dim3A_554 = vector.broadcast %broadcast_in_dim3A_553 : f32 to vector<16xf32>
      %swap3A_555 = arith.index_cast %scan3A_505 : i32 to index
      %swap3A_556 = arith.constant 112 : index
      %swap3A_557 = tpu.vector_load %arg12[%swap3A_555, %swap3A_556] {strides = array<i32>} : memref<16x128xf32, #tpu.memory_space<vmem>>, vector<1x16xf32>,
      %swap3A_558 = vector.shape_cast %swap3A_557 : vector<1x16xf32> to vector<16xf32>
      %swap3A_559 = vector.shape_cast %broadcast_in_dim3A_554 : vector<16xf32> to vector<1x16xf32>
      tpu.vector_store %arg12[%swap3A_555, %swap3A_556], %swap3A_559 {strides = array<i32>} : memref<16x128xf32, #tpu.memory_space<vmem>>, vector<1x16xf32>,
    }
    %scan3A_5 = arith.constant 16 : i32
    %eq3A = arith.constant 15 : i32
    %eq3A_6 = arith.cmpi eq, %arg1, %eq3A : i32
    %jit3A = arith.constant 2 : i32
    %jit3A_7 = arith.constant 0 : i32
    %select_n3A = arith.select %eq3A_6, %jit3A, %jit3A_7 : i32
    %add3A_8 = arith.constant 39 : i32
    %add3A_9 = arith.addi %add3A_8, %select_n3A : i32
    %while3A = arith.constant 0 : i32
    %while3A_10 = arith.constant 0 : i32
    %while3A_11 = arith.subi %add3A_9, %while3A_10 : i32
    %while3A_12 = arith.addi %while3A_10, %while3A_11 : i32
    %while3A_13 = arith.constant 1 : i32
    %while3A_14 = arith.divsi %while3A_11, %while3A_13 : i32
    %while3A_15 = arith.muli %while3A_14, %while3A_13 : i32
    %while3A_16 = arith.addi %while3A_10, %while3A_15 : i32
    %while3A_17 = arith.constant 1 : i32
    scf.for %while3A_505 = %while3A_10 to %while3A_16 step %while3A_17  : i32 {
      %mul3A_506 = arith.constant 624 : i32
      %mul3A_507 = arith.muli %arg1, %mul3A_506 : i32
      %mul3A_508 = arith.constant 16 : i32
      %mul3A_509 = arith.muli %while3A_505, %mul3A_508 : i32
      %add3A_510 = arith.addi %mul3A_507, %mul3A_509 : i32
      %multiple_of3A_511 = tpu.assume_multiple %add3A_510, 8 : i32
      "tpu.region"() ({
        %run_scoped3A_512 = tpu.sem_alloc : memref<!tpu.dma_semaphore, #tpu.memory_space<semaphore_mem>>
        %dma_start3A_513 = arith.constant 0 : i32
        %dma_start3A_514 = tpu.memref_slice %arg13[%multiple_of3A_511, %dma_start3A_513] : memref<10016x128xf32, #tpu.memory_space<vmem_shared>> -> memref<16x128xf32, #tpu.memory_space<vmem_shared>>
        %dma_start3A_515 = arith.constant 0 : i32
        %dma_start3A_516 = tpu.memref_slice %arg13[%multiple_of3A_511, %dma_start3A_515] : memref<10016x128xf32, #tpu.memory_space<vmem_shared>> -> memref<16x128xf32, #tpu.memory_space<vmem_shared>>
        tpu.enqueue_dma source(%arg12 : memref<16x128xf32, #tpu.memory_space<vmem>>) target(%dma_start3A_516 : memref<16x128xf32, #tpu.memory_space<vmem_shared>>) target_semaphore(%run_scoped3A_512 : memref<!tpu.dma_semaphore, #tpu.memory_space<semaphore_mem>>)
        %dma_wait3A_517 = arith.constant 0 : i32
        %dma_wait3A_518 = tpu.memref_slice %arg13[%multiple_of3A_511, %dma_wait3A_517] : memref<10016x128xf32, #tpu.memory_space<vmem_shared>> -> memref<16x128xf32, #tpu.memory_space<vmem_shared>>
        %dma_wait3A_519 = arith.constant 0 : i32
        %dma_wait3A_520 = tpu.memref_slice %arg13[%multiple_of3A_511, %dma_wait3A_519] : memref<10016x128xf32, #tpu.memory_space<vmem_shared>> -> memref<16x128xf32, #tpu.memory_space<vmem_shared>>
        tpu.wait_dma2 semaphore(%run_scoped3A_512 : memref<!tpu.dma_semaphore, #tpu.memory_space<semaphore_mem>>) src(%arg12 : memref<16x128xf32, #tpu.memory_space<vmem>>) dst(%dma_wait3A_520 : memref<16x128xf32, #tpu.memory_space<vmem_shared>>)
        tpu.yield
      }) : () -> ()
    }
    %while3A_18 = arith.constant 1 : i32
    scf.for %while3A_505 = %while3A_16 to %while3A_12 step %while3A_18  : i32 {
      %mul3A_506 = arith.constant 624 : i32
      %mul3A_507 = arith.muli %arg1, %mul3A_506 : i32
      %mul3A_508 = arith.constant 16 : i32
      %mul3A_509 = arith.muli %while3A_505, %mul3A_508 : i32
      %add3A_510 = arith.addi %mul3A_507, %mul3A_509 : i32
      %multiple_of3A_511 = tpu.assume_multiple %add3A_510, 8 : i32
      "tpu.region"() ({
        %run_scoped3A_512 = tpu.sem_alloc : memref<!tpu.dma_semaphore, #tpu.memory_space<semaphore_mem>>
        %dma_start3A_513 = arith.constant 0 : i32
        %dma_start3A_514 = tpu.memref_slice %arg13[%multiple_of3A_511, %dma_start3A_513] : memref<10016x128xf32, #tpu.memory_space<vmem_shared>> -> memref<16x128xf32, #tpu.memory_space<vmem_shared>>
        %dma_start3A_515 = arith.constant 0 : i32
        %dma_start3A_516 = tpu.memref_slice %arg13[%multiple_of3A_511, %dma_start3A_515] : memref<10016x128xf32, #tpu.memory_space<vmem_shared>> -> memref<16x128xf32, #tpu.memory_space<vmem_shared>>
        tpu.enqueue_dma source(%arg12 : memref<16x128xf32, #tpu.memory_space<vmem>>) target(%dma_start3A_516 : memref<16x128xf32, #tpu.memory_space<vmem_shared>>) target_semaphore(%run_scoped3A_512 : memref<!tpu.dma_semaphore, #tpu.memory_space<semaphore_mem>>)
        %dma_wait3A_517 = arith.constant 0 : i32
        %dma_wait3A_518 = tpu.memref_slice %arg13[%multiple_of3A_511, %dma_wait3A_517] : memref<10016x128xf32, #tpu.memory_space<vmem_shared>> -> memref<16x128xf32, #tpu.memory_space<vmem_shared>>
        %dma_wait3A_519 = arith.constant 0 : i32
        %dma_wait3A_520 = tpu.memref_slice %arg13[%multiple_of3A_511, %dma_wait3A_519] : memref<10016x128xf32, #tpu.memory_space<vmem_shared>> -> memref<16x128xf32, #tpu.memory_space<vmem_shared>>
        tpu.wait_dma2 semaphore(%run_scoped3A_512 : memref<!tpu.dma_semaphore, #tpu.memory_space<semaphore_mem>>) src(%arg12 : memref<16x128xf32, #tpu.memory_space<vmem>>) dst(%dma_wait3A_520 : memref<16x128xf32, #tpu.memory_space<vmem_shared>>)
        tpu.yield
      }) : () -> ()
    }
    %barrier3A = arith.constant 0 : index
    tpu.barrier barrier_id(%barrier3A)
    "tpu.region"() ({
      %run_scoped3A_505 = tpu.sem_alloc : memref<!tpu.dma_semaphore, #tpu.memory_space<semaphore_mem>>
      %dma_start3A_506 = arith.constant 0 : i32
      %dma_start3A_507 = arith.constant 0 : i32
      %dma_start3A_508 = tpu.memref_slice %arg9[%dma_start3A_506, %dma_start3A_507] : memref<40x128xi32, #tpu.memory_space<vmem>> -> memref<40x128xi32, #tpu.memory_space<vmem>>
      %dma_start3A_509 = arith.constant 0 : i32
      %dma_start3A_510 = arith.constant 0 : i32
      %dma_start3A_511 = tpu.memref_slice %arg3[%add3A, %dma_start3A_509, %dma_start3A_510] : memref<32x79x128xi32, #tpu.memory_space<hbm>> -> memref<1x79x128xi32, #tpu.memory_space<hbm>>
      %dma_start3A_512 = tpu.memref_squeeze %dma_start3A_511 : memref<1x79x128xi32, #tpu.memory_space<hbm>> -> memref<79x128xi32, #tpu.memory_space<hbm>>
      %dma_start3A_513 = arith.constant 0 : i32
      %dma_start3A_514 = arith.constant 0 : i32
      %dma_start3A_515 = tpu.memref_slice %dma_start3A_512[%dma_start3A_513, %dma_start3A_514] : memref<79x128xi32, #tpu.memory_space<hbm>> -> memref<40x128xi32, #tpu.memory_space<hbm>>
      %dma_start3A_516 = arith.constant 0 : i32
      %dma_start3A_517 = arith.constant 0 : i32
      %dma_start3A_518 = tpu.memref_slice %arg9[%dma_start3A_516, %dma_start3A_517] : memref<40x128xi32, #tpu.memory_space<vmem>> -> memref<40x128xi32, #tpu.memory_space<vmem>>
      %dma_start3A_519 = arith.constant 0 : i32
      %dma_start3A_520 = arith.constant 0 : i32
      %dma_start3A_521 = tpu.memref_slice %arg3[%add3A, %dma_start3A_519, %dma_start3A_520] : memref<32x79x128xi32, #tpu.memory_space<hbm>> -> memref<1x79x128xi32, #tpu.memory_space<hbm>>
      %dma_start3A_522 = tpu.memref_squeeze %dma_start3A_521 : memref<1x79x128xi32, #tpu.memory_space<hbm>> -> memref<79x128xi32, #tpu.memory_space<hbm>>
      %dma_start3A_523 = arith.constant 0 : i32
      %dma_start3A_524 = arith.constant 0 : i32
      %dma_start3A_525 = tpu.memref_slice %dma_start3A_522[%dma_start3A_523, %dma_start3A_524] : memref<79x128xi32, #tpu.memory_space<hbm>> -> memref<40x128xi32, #tpu.memory_space<hbm>>
      tpu.enqueue_dma source(%dma_start3A_525 : memref<40x128xi32, #tpu.memory_space<hbm>>) target(%dma_start3A_518 : memref<40x128xi32, #tpu.memory_space<vmem>>) target_semaphore(%run_scoped3A_505 : memref<!tpu.dma_semaphore, #tpu.memory_space<semaphore_mem>>)
      %dma_wait3A_526 = arith.constant 0 : i32
      %dma_wait3A_527 = arith.constant 0 : i32
      %dma_wait3A_528 = tpu.memref_slice %arg9[%dma_wait3A_526, %dma_wait3A_527] : memref<40x128xi32, #tpu.memory_space<vmem>> -> memref<40x128xi32, #tpu.memory_space<vmem>>
      %dma_wait3A_529 = arith.constant 0 : i32
      %dma_wait3A_530 = arith.constant 0 : i32
      %dma_wait3A_531 = tpu.memref_slice %arg3[%add3A, %dma_wait3A_529, %dma_wait3A_530] : memref<32x79x128xi32, #tpu.memory_space<hbm>> -> memref<1x79x128xi32, #tpu.memory_space<hbm>>
      %dma_wait3A_532 = tpu.memref_squeeze %dma_wait3A_531 : memref<1x79x128xi32, #tpu.memory_space<hbm>> -> memref<79x128xi32, #tpu.memory_space<hbm>>
      %dma_wait3A_533 = arith.constant 0 : i32
      %dma_wait3A_534 = arith.constant 0 : i32
      %dma_wait3A_535 = tpu.memref_slice %dma_wait3A_532[%dma_wait3A_533, %dma_wait3A_534] : memref<79x128xi32, #tpu.memory_space<hbm>> -> memref<40x128xi32, #tpu.memory_space<hbm>>
      %dma_wait3A_536 = arith.constant 0 : i32
      %dma_wait3A_537 = arith.constant 0 : i32
      %dma_wait3A_538 = tpu.memref_slice %arg9[%dma_wait3A_536, %dma_wait3A_537] : memref<40x128xi32, #tpu.memory_space<vmem>> -> memref<40x128xi32, #tpu.memory_space<vmem>>
      %dma_wait3A_539 = arith.constant 0 : i32
      %dma_wait3A_540 = arith.constant 0 : i32
      %dma_wait3A_541 = tpu.memref_slice %arg3[%add3A, %dma_wait3A_539, %dma_wait3A_540] : memref<32x79x128xi32, #tpu.memory_space<hbm>> -> memref<1x79x128xi32, #tpu.memory_space<hbm>>
      %dma_wait3A_542 = tpu.memref_squeeze %dma_wait3A_541 : memref<1x79x128xi32, #tpu.memory_space<hbm>> -> memref<79x128xi32, #tpu.memory_space<hbm>>
      %dma_wait3A_543 = arith.constant 0 : i32
      %dma_wait3A_544 = arith.constant 0 : i32
      %dma_wait3A_545 = tpu.memref_slice %dma_wait3A_542[%dma_wait3A_543, %dma_wait3A_544] : memref<79x128xi32, #tpu.memory_space<hbm>> -> memref<40x128xi32, #tpu.memory_space<hbm>>
      tpu.wait_dma2 semaphore(%run_scoped3A_505 : memref<!tpu.dma_semaphore, #tpu.memory_space<semaphore_mem>>) src(%dma_wait3A_545 : memref<40x128xi32, #tpu.memory_space<hbm>>) dst(%dma_wait3A_538 : memref<40x128xi32, #tpu.memory_space<vmem>>)
      tpu.yield
    }) : () -> ()
    "tpu.region"() ({
      %run_scoped3A_505 = tpu.sem_alloc : memref<!tpu.dma_semaphore, #tpu.memory_space<semaphore_mem>>
      %dma_start3A_506 = arith.constant 0 : i32
      %dma_start3A_507 = arith.constant 0 : i32
      %dma_start3A_508 = tpu.memref_slice %arg10[%dma_start3A_506, %dma_start3A_507] : memref<40x128xi32, #tpu.memory_space<vmem>> -> memref<40x128xi32, #tpu.memory_space<vmem>>
      %dma_start3A_509 = arith.constant 0 : i32
      %dma_start3A_510 = arith.constant 0 : i32
      %dma_start3A_511 = tpu.memref_slice %arg4[%add3A, %dma_start3A_509, %dma_start3A_510] : memref<32x79x128xi32, #tpu.memory_space<hbm>> -> memref<1x79x128xi32, #tpu.memory_space<hbm>>
      %dma_start3A_512 = tpu.memref_squeeze %dma_start3A_511 : memref<1x79x128xi32, #tpu.memory_space<hbm>> -> memref<79x128xi32, #tpu.memory_space<hbm>>
      %dma_start3A_513 = arith.constant 0 : i32
      %dma_start3A_514 = arith.constant 0 : i32
      %dma_start3A_515 = tpu.memref_slice %dma_start3A_512[%dma_start3A_513, %dma_start3A_514] : memref<79x128xi32, #tpu.memory_space<hbm>> -> memref<40x128xi32, #tpu.memory_space<hbm>>
      %dma_start3A_516 = arith.constant 0 : i32
      %dma_start3A_517 = arith.constant 0 : i32
      %dma_start3A_518 = tpu.memref_slice %arg10[%dma_start3A_516, %dma_start3A_517] : memref<40x128xi32, #tpu.memory_space<vmem>> -> memref<40x128xi32, #tpu.memory_space<vmem>>
      %dma_start3A_519 = arith.constant 0 : i32
      %dma_start3A_520 = arith.constant 0 : i32
      %dma_start3A_521 = tpu.memref_slice %arg4[%add3A, %dma_start3A_519, %dma_start3A_520] : memref<32x79x128xi32, #tpu.memory_space<hbm>> -> memref<1x79x128xi32, #tpu.memory_space<hbm>>
      %dma_start3A_522 = tpu.memref_squeeze %dma_start3A_521 : memref<1x79x128xi32, #tpu.memory_space<hbm>> -> memref<79x128xi32, #tpu.memory_space<hbm>>
      %dma_start3A_523 = arith.constant 0 : i32
      %dma_start3A_524 = arith.constant 0 : i32
      %dma_start3A_525 = tpu.memref_slice %dma_start3A_522[%dma_start3A_523, %dma_start3A_524] : memref<79x128xi32, #tpu.memory_space<hbm>> -> memref<40x128xi32, #tpu.memory_space<hbm>>
      tpu.enqueue_dma source(%dma_start3A_525 : memref<40x128xi32, #tpu.memory_space<hbm>>) target(%dma_start3A_518 : memref<40x128xi32, #tpu.memory_space<vmem>>) target_semaphore(%run_scoped3A_505 : memref<!tpu.dma_semaphore, #tpu.memory_space<semaphore_mem>>)
      %dma_wait3A_526 = arith.constant 0 : i32
      %dma_wait3A_527 = arith.constant 0 : i32
      %dma_wait3A_528 = tpu.memref_slice %arg10[%dma_wait3A_526, %dma_wait3A_527] : memref<40x128xi32, #tpu.memory_space<vmem>> -> memref<40x128xi32, #tpu.memory_space<vmem>>
      %dma_wait3A_529 = arith.constant 0 : i32
      %dma_wait3A_530 = arith.constant 0 : i32
      %dma_wait3A_531 = tpu.memref_slice %arg4[%add3A, %dma_wait3A_529, %dma_wait3A_530] : memref<32x79x128xi32, #tpu.memory_space<hbm>> -> memref<1x79x128xi32, #tpu.memory_space<hbm>>
      %dma_wait3A_532 = tpu.memref_squeeze %dma_wait3A_531 : memref<1x79x128xi32, #tpu.memory_space<hbm>> -> memref<79x128xi32, #tpu.memory_space<hbm>>
      %dma_wait3A_533 = arith.constant 0 : i32
      %dma_wait3A_534 = arith.constant 0 : i32
      %dma_wait3A_535 = tpu.memref_slice %dma_wait3A_532[%dma_wait3A_533, %dma_wait3A_534] : memref<79x128xi32, #tpu.memory_space<hbm>> -> memref<40x128xi32, #tpu.memory_space<hbm>>
      %dma_wait3A_536 = arith.constant 0 : i32
      %dma_wait3A_537 = arith.constant 0 : i32
      %dma_wait3A_538 = tpu.memref_slice %arg10[%dma_wait3A_536, %dma_wait3A_537] : memref<40x128xi32, #tpu.memory_space<vmem>> -> memref<40x128xi32, #tpu.memory_space<vmem>>
      %dma_wait3A_539 = arith.constant 0 : i32
      %dma_wait3A_540 = arith.constant 0 : i32
      %dma_wait3A_541 = tpu.memref_slice %arg4[%add3A, %dma_wait3A_539, %dma_wait3A_540] : memref<32x79x128xi32, #tpu.memory_space<hbm>> -> memref<1x79x128xi32, #tpu.memory_space<hbm>>
      %dma_wait3A_542 = tpu.memref_squeeze %dma_wait3A_541 : memref<1x79x128xi32, #tpu.memory_space<hbm>> -> memref<79x128xi32, #tpu.memory_space<hbm>>
      %dma_wait3A_543 = arith.constant 0 : i32
      %dma_wait3A_544 = arith.constant 0 : i32
      %dma_wait3A_545 = tpu.memref_slice %dma_wait3A_542[%dma_wait3A_543, %dma_wait3A_544] : memref<79x128xi32, #tpu.memory_space<hbm>> -> memref<40x128xi32, #tpu.memory_space<hbm>>
      tpu.wait_dma2 semaphore(%run_scoped3A_505 : memref<!tpu.dma_semaphore, #tpu.memory_space<semaphore_mem>>) src(%dma_wait3A_545 : memref<40x128xi32, #tpu.memory_space<hbm>>) dst(%dma_wait3A_538 : memref<40x128xi32, #tpu.memory_space<vmem>>)
      tpu.yield
    }) : () -> ()
    %dma_start3A = arith.constant 0 : i32
    %dma_start3A_19 = arith.constant 0 : i32
    %dma_start3A_20 = arith.constant 0 : i32
    %dma_start3A_21 = arith.constant 0 : i32
    %dma_start3A_22 = tpu.memref_slice %arg11[%dma_start3A_19, %dma_start3A_20, %dma_start3A_21] : memref<2x128x128xf32, #tpu.memory_space<vmem>> -> memref<1x128x128xf32, #tpu.memory_space<vmem>>
    %dma_start3A_23 = tpu.memref_squeeze %dma_start3A_22 : memref<1x128x128xf32, #tpu.memory_space<vmem>> -> memref<128x128xf32, #tpu.memory_space<vmem>>
    %dma_start3A_24 = arith.constant 0 : i32
    %dma_start3A_25 = tpu.memref_slice %arg9[%dma_start3A, %dma_start3A_24] : memref<40x128xi32, #tpu.memory_space<vmem>> -> memref<1x128xi32, #tpu.memory_space<vmem>>
    %dma_start3A_26 = tpu.memref_squeeze %dma_start3A_25 : memref<1x128xi32, #tpu.memory_space<vmem>> -> memref<128xi32, #tpu.memory_space<vmem>>
    %dma_start3A_27 = arith.constant 0 : i32
    %dma_start3A_28 = arith.constant 0 : i32
    %dma_start3A_29 = tpu.memref_slice %arg2[%dma_start3A_27, %dma_start3A_28] : memref<10016x128xf32, #tpu.memory_space<hbm>> -> memref<10016x128xf32, #tpu.memory_space<hbm>>
    tpu.enqueue_indirect_dma source(%dma_start3A_29 : memref<10016x128xf32, #tpu.memory_space<hbm>>) target(%dma_start3A_23 : memref<128x128xf32, #tpu.memory_space<vmem>>) offsets(%dma_start3A_26 : memref<128xi32, #tpu.memory_space<vmem>>) semaphore(%arg14 : memref<!tpu.dma_semaphore, #tpu.memory_space<semaphore_mem>>)
    %scan3A_30 = arith.constant 0 : i32
    %scan3A_31 = arith.constant 0 : i32
    %scan3A_32 = arith.constant 40 : i32
    %scan3A_33 = arith.addi %scan3A_31, %scan3A_32 : i32
    %scan3A_34 = arith.constant 1 : i32
    scf.for %scan3A_505 = %scan3A_31 to %scan3A_33 step %scan3A_34  : i32 {
      %rem3A = arith.constant 2 : i32
      %rem3A_506 = arith.remsi %scan3A_505, %rem3A : i32
      %ge3A = arith.constant 1 : i32
      %ge3A_507 = arith.cmpi sge, %scan3A_505, %ge3A : i32
      %convert_element_type3A_508 = arith.extui %ge3A_507 : i1 to i32
      %cond3A_509 = arith.constant 0 : i32
      %cond3A_510 = arith.cmpi ne, %convert_element_type3A_508, %cond3A_509 : i32
      scf.if %cond3A_510 {
        %sub3A = arith.constant 1 : i32
        %sub3A_537 = arith.subi %sub3A, %rem3A_506 : i32
        %dma_wait3A_538 = arith.constant 0 : i32
        %dma_wait3A_539 = arith.constant 0 : i32
        %dma_wait3A_540 = arith.constant 0 : i32
        %dma_wait3A_541 = tpu.memref_slice %arg11[%sub3A_537, %dma_wait3A_539, %dma_wait3A_540] : memref<2x128x128xf32, #tpu.memory_space<vmem>> -> memref<1x128x128xf32, #tpu.memory_space<vmem>>
        %dma_wait3A_542 = tpu.memref_squeeze %dma_wait3A_541 : memref<1x128x128xf32, #tpu.memory_space<vmem>> -> memref<128x128xf32, #tpu.memory_space<vmem>>
        %dma_wait3A_543 = arith.constant 0 : i32
        %dma_wait3A_544 = tpu.memref_slice %arg10[%dma_wait3A_538, %dma_wait3A_543] : memref<40x128xi32, #tpu.memory_space<vmem>> -> memref<1x128xi32, #tpu.memory_space<vmem>>
        %dma_wait3A_545 = tpu.memref_squeeze %dma_wait3A_544 : memref<1x128xi32, #tpu.memory_space<vmem>> -> memref<128xi32, #tpu.memory_space<vmem>>
        %dma_wait3A_546 = arith.constant 0 : i32
        %dma_wait3A_547 = arith.constant 0 : i32
        %dma_wait3A_548 = tpu.memref_slice %arg13[%dma_wait3A_546, %dma_wait3A_547] : memref<10016x128xf32, #tpu.memory_space<vmem_shared>> -> memref<10016x128xf32, #tpu.memory_space<vmem_shared>>
        tpu.wait_indirect_dma semaphore(%arg15 : memref<!tpu.dma_semaphore, #tpu.memory_space<semaphore_mem>>) src(%dma_wait3A_542 : memref<128x128xf32, #tpu.memory_space<vmem>>) dst(%dma_wait3A_548 : memref<10016x128xf32, #tpu.memory_space<vmem_shared>>)
      } else {
      }
      %add3A_511 = arith.constant 1 : i32
      %add3A_512 = arith.addi %scan3A_505, %add3A_511 : i32
      %lt3A = arith.constant 40 : i32
      %lt3A_513 = arith.cmpi slt, %add3A_512, %lt3A : i32
      %convert_element_type3A_514 = arith.extui %lt3A_513 : i1 to i32
      %cond3A_515 = arith.constant 0 : i32
      %cond3A_516 = arith.cmpi ne, %convert_element_type3A_514, %cond3A_515 : i32
      scf.if %cond3A_516 {
        %add3A_537 = arith.constant 1 : i32
        %add3A_538 = arith.addi %scan3A_505, %add3A_537 : i32
        %sub3A = arith.constant 1 : i32
        %sub3A_539 = arith.subi %sub3A, %rem3A_506 : i32
        %dma_start3A_540 = arith.constant 0 : i32
        %dma_start3A_541 = arith.constant 0 : i32
        %dma_start3A_542 = tpu.memref_slice %arg11[%sub3A_539, %dma_start3A_540, %dma_start3A_541] : memref<2x128x128xf32, #tpu.memory_space<vmem>> -> memref<1x128x128xf32, #tpu.memory_space<vmem>>
        %dma_start3A_543 = tpu.memref_squeeze %dma_start3A_542 : memref<1x128x128xf32, #tpu.memory_space<vmem>> -> memref<128x128xf32, #tpu.memory_space<vmem>>
        %dma_start3A_544 = arith.constant 0 : i32
        %dma_start3A_545 = tpu.memref_slice %arg9[%add3A_538, %dma_start3A_544] : memref<40x128xi32, #tpu.memory_space<vmem>> -> memref<1x128xi32, #tpu.memory_space<vmem>>
        %dma_start3A_546 = tpu.memref_squeeze %dma_start3A_545 : memref<1x128xi32, #tpu.memory_space<vmem>> -> memref<128xi32, #tpu.memory_space<vmem>>
        %dma_start3A_547 = arith.constant 0 : i32
        %dma_start3A_548 = arith.constant 0 : i32
        %dma_start3A_549 = tpu.memref_slice %arg2[%dma_start3A_547, %dma_start3A_548] : memref<10016x128xf32, #tpu.memory_space<hbm>> -> memref<10016x128xf32, #tpu.memory_space<hbm>>
        tpu.enqueue_indirect_dma source(%dma_start3A_549 : memref<10016x128xf32, #tpu.memory_space<hbm>>) target(%dma_start3A_543 : memref<128x128xf32, #tpu.memory_space<vmem>>) offsets(%dma_start3A_546 : memref<128xi32, #tpu.memory_space<vmem>>) semaphore(%arg14 : memref<!tpu.dma_semaphore, #tpu.memory_space<semaphore_mem>>)
      } else {
      }
      %dma_wait3A_517 = arith.constant 0 : i32
      %dma_wait3A_518 = arith.constant 0 : i32
      %dma_wait3A_519 = tpu.memref_slice %arg11[%rem3A_506, %dma_wait3A_517, %dma_wait3A_518] : memref<2x128x128xf32, #tpu.memory_space<vmem>> -> memref<1x128x128xf32, #tpu.memory_space<vmem>>
      %dma_wait3A_520 = tpu.memref_squeeze %dma_wait3A_519 : memref<1x128x128xf32, #tpu.memory_space<vmem>> -> memref<128x128xf32, #tpu.memory_space<vmem>>
      %dma_wait3A_521 = arith.constant 0 : i32
      %dma_wait3A_522 = tpu.memref_slice %arg9[%scan3A_505, %dma_wait3A_521] : memref<40x128xi32, #tpu.memory_space<vmem>> -> memref<1x128xi32, #tpu.memory_space<vmem>>
      %dma_wait3A_523 = tpu.memref_squeeze %dma_wait3A_522 : memref<1x128xi32, #tpu.memory_space<vmem>> -> memref<128xi32, #tpu.memory_space<vmem>>
      %dma_wait3A_524 = arith.constant 0 : i32
      %dma_wait3A_525 = arith.constant 0 : i32
      %dma_wait3A_526 = tpu.memref_slice %arg2[%dma_wait3A_524, %dma_wait3A_525] : memref<10016x128xf32, #tpu.memory_space<hbm>> -> memref<10016x128xf32, #tpu.memory_space<hbm>>
      tpu.wait_indirect_dma semaphore(%arg14 : memref<!tpu.dma_semaphore, #tpu.memory_space<semaphore_mem>>) src(%dma_wait3A_526 : memref<10016x128xf32, #tpu.memory_space<hbm>>) dst(%dma_wait3A_520 : memref<128x128xf32, #tpu.memory_space<vmem>>)
      %dma_start3A_527 = arith.constant 0 : i32
      %dma_start3A_528 = arith.constant 0 : i32
      %dma_start3A_529 = tpu.memref_slice %arg11[%rem3A_506, %dma_start3A_527, %dma_start3A_528] : memref<2x128x128xf32, #tpu.memory_space<vmem>> -> memref<1x128x128xf32, #tpu.memory_space<vmem>>
      %dma_start3A_530 = tpu.memref_squeeze %dma_start3A_529 : memref<1x128x128xf32, #tpu.memory_space<vmem>> -> memref<128x128xf32, #tpu.memory_space<vmem>>
      %dma_start3A_531 = arith.constant 0 : i32
      %dma_start3A_532 = tpu.memref_slice %arg10[%scan3A_505, %dma_start3A_531] : memref<40x128xi32, #tpu.memory_space<vmem>> -> memref<1x128xi32, #tpu.memory_space<vmem>>
      %dma_start3A_533 = tpu.memref_squeeze %dma_start3A_532 : memref<1x128xi32, #tpu.memory_space<vmem>> -> memref<128xi32, #tpu.memory_space<vmem>>
      %dma_start3A_534 = arith.constant 0 : i32
      %dma_start3A_535 = arith.constant 0 : i32
      %dma_start3A_536 = tpu.memref_slice %arg13[%dma_start3A_534, %dma_start3A_535] : memref<10016x128xf32, #tpu.memory_space<vmem_shared>> -> memref<10016x128xf32, #tpu.memory_space<vmem_shared>>
      tpu.enqueue_indirect_dma source(%dma_start3A_530 : memref<128x128xf32, #tpu.memory_space<vmem>>) target(%dma_start3A_536 : memref<10016x128xf32, #tpu.memory_space<vmem_shared>>) offsets(%dma_start3A_533 : memref<128xi32, #tpu.memory_space<vmem>>) semaphore(%arg15 : memref<!tpu.dma_semaphore, #tpu.memory_space<semaphore_mem>>) {add = true}
    }
    %scan3A_35 = arith.constant 40 : i32
    %dma_wait3A = arith.constant 0 : i32
    %dma_wait3A_36 = arith.constant 0 : i32
    %dma_wait3A_37 = arith.constant 0 : i32
    %dma_wait3A_38 = arith.constant 0 : i32
    %dma_wait3A_39 = tpu.memref_slice %arg11[%dma_wait3A, %dma_wait3A_37, %dma_wait3A_38] : memref<2x128x128xf32, #tpu.memory_space<vmem>> -> memref<1x128x128xf32, #tpu.memory_space<vmem>>
    %dma_wait3A_40 = tpu.memref_squeeze %dma_wait3A_39 : memref<1x128x128xf32, #tpu.memory_space<vmem>> -> memref<128x128xf32, #tpu.memory_space<vmem>>
    %dma_wait3A_41 = arith.constant 0 : i32
    %dma_wait3A_42 = tpu.memref_slice %arg10[%dma_wait3A_36, %dma_wait3A_41] : memref<40x128xi32, #tpu.memory_space<vmem>> -> memref<1x128xi32, #tpu.memory_space<vmem>>
    %dma_wait3A_43 = tpu.memref_squeeze %dma_wait3A_42 : memref<1x128xi32, #tpu.memory_space<vmem>> -> memref<128xi32, #tpu.memory_space<vmem>>
    %dma_wait3A_44 = arith.constant 0 : i32
    %dma_wait3A_45 = arith.constant 0 : i32
    %dma_wait3A_46 = tpu.memref_slice %arg13[%dma_wait3A_44, %dma_wait3A_45] : memref<10016x128xf32, #tpu.memory_space<vmem_shared>> -> memref<10016x128xf32, #tpu.memory_space<vmem_shared>>
    tpu.wait_indirect_dma semaphore(%arg15 : memref<!tpu.dma_semaphore, #tpu.memory_space<semaphore_mem>>) src(%dma_wait3A_40 : memref<128x128xf32, #tpu.memory_space<vmem>>) dst(%dma_wait3A_46 : memref<10016x128xf32, #tpu.memory_space<vmem_shared>>)
    "tpu.region"() ({
      %run_scoped3A_505 = tpu.sem_alloc : memref<!tpu.dma_semaphore, #tpu.memory_space<semaphore_mem>>
      %dma_start3A_506 = arith.constant 0 : i32
      %dma_start3A_507 = arith.constant 0 : i32
      %dma_start3A_508 = tpu.memref_slice %arg9[%dma_start3A_506, %dma_start3A_507] : memref<40x128xi32, #tpu.memory_space<vmem>> -> memref<39x128xi32, #tpu.memory_space<vmem>>
      %dma_start3A_509 = arith.constant 0 : i32
      %dma_start3A_510 = arith.constant 0 : i32
      %dma_start3A_511 = tpu.memref_slice %arg3[%add3A, %dma_start3A_509, %dma_start3A_510] : memref<32x79x128xi32, #tpu.memory_space<hbm>> -> memref<1x79x128xi32, #tpu.memory_space<hbm>>
      %dma_start3A_512 = tpu.memref_squeeze %dma_start3A_511 : memref<1x79x128xi32, #tpu.memory_space<hbm>> -> memref<79x128xi32, #tpu.memory_space<hbm>>
      %dma_start3A_513 = arith.constant 40 : i32
      %dma_start3A_514 = arith.constant 0 : i32
      %dma_start3A_515 = tpu.memref_slice %dma_start3A_512[%dma_start3A_513, %dma_start3A_514] : memref<79x128xi32, #tpu.memory_space<hbm>> -> memref<39x128xi32, #tpu.memory_space<hbm>>
      %dma_start3A_516 = arith.constant 0 : i32
      %dma_start3A_517 = arith.constant 0 : i32
      %dma_start3A_518 = tpu.memref_slice %arg9[%dma_start3A_516, %dma_start3A_517] : memref<40x128xi32, #tpu.memory_space<vmem>> -> memref<39x128xi32, #tpu.memory_space<vmem>>
      %dma_start3A_519 = arith.constant 0 : i32
      %dma_start3A_520 = arith.constant 0 : i32
      %dma_start3A_521 = tpu.memref_slice %arg3[%add3A, %dma_start3A_519, %dma_start3A_520] : memref<32x79x128xi32, #tpu.memory_space<hbm>> -> memref<1x79x128xi32, #tpu.memory_space<hbm>>
      %dma_start3A_522 = tpu.memref_squeeze %dma_start3A_521 : memref<1x79x128xi32, #tpu.memory_space<hbm>> -> memref<79x128xi32, #tpu.memory_space<hbm>>
      %dma_start3A_523 = arith.constant 40 : i32
      %dma_start3A_524 = arith.constant 0 : i32
      %dma_start3A_525 = tpu.memref_slice %dma_start3A_522[%dma_start3A_523, %dma_start3A_524] : memref<79x128xi32, #tpu.memory_space<hbm>> -> memref<39x128xi32, #tpu.memory_space<hbm>>
      tpu.enqueue_dma source(%dma_start3A_525 : memref<39x128xi32, #tpu.memory_space<hbm>>) target(%dma_start3A_518 : memref<39x128xi32, #tpu.memory_space<vmem>>) target_semaphore(%run_scoped3A_505 : memref<!tpu.dma_semaphore, #tpu.memory_space<semaphore_mem>>)
      %dma_wait3A_526 = arith.constant 0 : i32
      %dma_wait3A_527 = arith.constant 0 : i32
      %dma_wait3A_528 = tpu.memref_slice %arg9[%dma_wait3A_526, %dma_wait3A_527] : memref<40x128xi32, #tpu.memory_space<vmem>> -> memref<39x128xi32, #tpu.memory_space<vmem>>
      %dma_wait3A_529 = arith.constant 0 : i32
      %dma_wait3A_530 = arith.constant 0 : i32
      %dma_wait3A_531 = tpu.memref_slice %arg3[%add3A, %dma_wait3A_529, %dma_wait3A_530] : memref<32x79x128xi32, #tpu.memory_space<hbm>> -> memref<1x79x128xi32, #tpu.memory_space<hbm>>
      %dma_wait3A_532 = tpu.memref_squeeze %dma_wait3A_531 : memref<1x79x128xi32, #tpu.memory_space<hbm>> -> memref<79x128xi32, #tpu.memory_space<hbm>>
      %dma_wait3A_533 = arith.constant 40 : i32
      %dma_wait3A_534 = arith.constant 0 : i32
      %dma_wait3A_535 = tpu.memref_slice %dma_wait3A_532[%dma_wait3A_533, %dma_wait3A_534] : memref<79x128xi32, #tpu.memory_space<hbm>> -> memref<39x128xi32, #tpu.memory_space<hbm>>
      %dma_wait3A_536 = arith.constant 0 : i32
      %dma_wait3A_537 = arith.constant 0 : i32
      %dma_wait3A_538 = tpu.memref_slice %arg9[%dma_wait3A_536, %dma_wait3A_537] : memref<40x128xi32, #tpu.memory_space<vmem>> -> memref<39x128xi32, #tpu.memory_space<vmem>>
      %dma_wait3A_539 = arith.constant 0 : i32
      %dma_wait3A_540 = arith.constant 0 : i32
      %dma_wait3A_541 = tpu.memref_slice %arg3[%add3A, %dma_wait3A_539, %dma_wait3A_540] : memref<32x79x128xi32, #tpu.memory_space<hbm>> -> memref<1x79x128xi32, #tpu.memory_space<hbm>>
      %dma_wait3A_542 = tpu.memref_squeeze %dma_wait3A_541 : memref<1x79x128xi32, #tpu.memory_space<hbm>> -> memref<79x128xi32, #tpu.memory_space<hbm>>
      %dma_wait3A_543 = arith.constant 40 : i32
      %dma_wait3A_544 = arith.constant 0 : i32
      %dma_wait3A_545 = tpu.memref_slice %dma_wait3A_542[%dma_wait3A_543, %dma_wait3A_544] : memref<79x128xi32, #tpu.memory_space<hbm>> -> memref<39x128xi32, #tpu.memory_space<hbm>>
      tpu.wait_dma2 semaphore(%run_scoped3A_505 : memref<!tpu.dma_semaphore, #tpu.memory_space<semaphore_mem>>) src(%dma_wait3A_545 : memref<39x128xi32, #tpu.memory_space<hbm>>) dst(%dma_wait3A_538 : memref<39x128xi32, #tpu.memory_space<vmem>>)
      tpu.yield
    }) : () -> ()
    "tpu.region"() ({
      %run_scoped3A_505 = tpu.sem_alloc : memref<!tpu.dma_semaphore, #tpu.memory_space<semaphore_mem>>
      %dma_start3A_506 = arith.constant 0 : i32
      %dma_start3A_507 = arith.constant 0 : i32
      %dma_start3A_508 = tpu.memref_slice %arg10[%dma_start3A_506, %dma_start3A_507] : memref<40x128xi32, #tpu.memory_space<vmem>> -> memref<39x128xi32, #tpu.memory_space<vmem>>
      %dma_start3A_509 = arith.constant 0 : i32
      %dma_start3A_510 = arith.constant 0 : i32
      %dma_start3A_511 = tpu.memref_slice %arg4[%add3A, %dma_start3A_509, %dma_start3A_510] : memref<32x79x128xi32, #tpu.memory_space<hbm>> -> memref<1x79x128xi32, #tpu.memory_space<hbm>>
      %dma_start3A_512 = tpu.memref_squeeze %dma_start3A_511 : memref<1x79x128xi32, #tpu.memory_space<hbm>> -> memref<79x128xi32, #tpu.memory_space<hbm>>
      %dma_start3A_513 = arith.constant 40 : i32
      %dma_start3A_514 = arith.constant 0 : i32
      %dma_start3A_515 = tpu.memref_slice %dma_start3A_512[%dma_start3A_513, %dma_start3A_514] : memref<79x128xi32, #tpu.memory_space<hbm>> -> memref<39x128xi32, #tpu.memory_space<hbm>>
      %dma_start3A_516 = arith.constant 0 : i32
      %dma_start3A_517 = arith.constant 0 : i32
      %dma_start3A_518 = tpu.memref_slice %arg10[%dma_start3A_516, %dma_start3A_517] : memref<40x128xi32, #tpu.memory_space<vmem>> -> memref<39x128xi32, #tpu.memory_space<vmem>>
      %dma_start3A_519 = arith.constant 0 : i32
      %dma_start3A_520 = arith.constant 0 : i32
      %dma_start3A_521 = tpu.memref_slice %arg4[%add3A, %dma_start3A_519, %dma_start3A_520] : memref<32x79x128xi32, #tpu.memory_space<hbm>> -> memref<1x79x128xi32, #tpu.memory_space<hbm>>
      %dma_start3A_522 = tpu.memref_squeeze %dma_start3A_521 : memref<1x79x128xi32, #tpu.memory_space<hbm>> -> memref<79x128xi32, #tpu.memory_space<hbm>>
      %dma_start3A_523 = arith.constant 40 : i32
      %dma_start3A_524 = arith.constant 0 : i32
      %dma_start3A_525 = tpu.memref_slice %dma_start3A_522[%dma_start3A_523, %dma_start3A_524] : memref<79x128xi32, #tpu.memory_space<hbm>> -> memref<39x128xi32, #tpu.memory_space<hbm>>
      tpu.enqueue_dma source(%dma_start3A_525 : memref<39x128xi32, #tpu.memory_space<hbm>>) target(%dma_start3A_518 : memref<39x128xi32, #tpu.memory_space<vmem>>) target_semaphore(%run_scoped3A_505 : memref<!tpu.dma_semaphore, #tpu.memory_space<semaphore_mem>>)
      %dma_wait3A_526 = arith.constant 0 : i32
      %dma_wait3A_527 = arith.constant 0 : i32
      %dma_wait3A_528 = tpu.memref_slice %arg10[%dma_wait3A_526, %dma_wait3A_527] : memref<40x128xi32, #tpu.memory_space<vmem>> -> memref<39x128xi32, #tpu.memory_space<vmem>>
      %dma_wait3A_529 = arith.constant 0 : i32
      %dma_wait3A_530 = arith.constant 0 : i32
      %dma_wait3A_531 = tpu.memref_slice %arg4[%add3A, %dma_wait3A_529, %dma_wait3A_530] : memref<32x79x128xi32, #tpu.memory_space<hbm>> -> memref<1x79x128xi32, #tpu.memory_space<hbm>>
      %dma_wait3A_532 = tpu.memref_squeeze %dma_wait3A_531 : memref<1x79x128xi32, #tpu.memory_space<hbm>> -> memref<79x128xi32, #tpu.memory_space<hbm>>
      %dma_wait3A_533 = arith.constant 40 : i32
      %dma_wait3A_534 = arith.constant 0 : i32
      %dma_wait3A_535 = tpu.memref_slice %dma_wait3A_532[%dma_wait3A_533, %dma_wait3A_534] : memref<79x128xi32, #tpu.memory_space<hbm>> -> memref<39x128xi32, #tpu.memory_space<hbm>>
      %dma_wait3A_536 = arith.constant 0 : i32
      %dma_wait3A_537 = arith.constant 0 : i32
      %dma_wait3A_538 = tpu.memref_slice %arg10[%dma_wait3A_536, %dma_wait3A_537] : memref<40x128xi32, #tpu.memory_space<vmem>> -> memref<39x128xi32, #tpu.memory_space<vmem>>
      %dma_wait3A_539 = arith.constant 0 : i32
      %dma_wait3A_540 = arith.constant 0 : i32
      %dma_wait3A_541 = tpu.memref_slice %arg4[%add3A, %dma_wait3A_539, %dma_wait3A_540] : memref<32x79x128xi32, #tpu.memory_space<hbm>> -> memref<1x79x128xi32, #tpu.memory_space<hbm>>
      %dma_wait3A_542 = tpu.memref_squeeze %dma_wait3A_541 : memref<1x79x128xi32, #tpu.memory_space<hbm>> -> memref<79x128xi32, #tpu.memory_space<hbm>>
      %dma_wait3A_543 = arith.constant 40 : i32
      %dma_wait3A_544 = arith.constant 0 : i32
      %dma_wait3A_545 = tpu.memref_slice %dma_wait3A_542[%dma_wait3A_543, %dma_wait3A_544] : memref<79x128xi32, #tpu.memory_space<hbm>> -> memref<39x128xi32, #tpu.memory_space<hbm>>
      tpu.wait_dma2 semaphore(%run_scoped3A_505 : memref<!tpu.dma_semaphore, #tpu.memory_space<semaphore_mem>>) src(%dma_wait3A_545 : memref<39x128xi32, #tpu.memory_space<hbm>>) dst(%dma_wait3A_538 : memref<39x128xi32, #tpu.memory_space<vmem>>)
      tpu.yield
    }) : () -> ()
    %dma_start3A_47 = arith.constant 0 : i32
    %dma_start3A_48 = arith.constant 0 : i32
    %dma_start3A_49 = arith.constant 0 : i32
    %dma_start3A_50 = arith.constant 0 : i32
    %dma_start3A_51 = tpu.memref_slice %arg11[%dma_start3A_48, %dma_start3A_49, %dma_start3A_50] : memref<2x128x128xf32, #tpu.memory_space<vmem>> -> memref<1x128x128xf32, #tpu.memory_space<vmem>>
    %dma_start3A_52 = tpu.memref_squeeze %dma_start3A_51 : memref<1x128x128xf32, #tpu.memory_space<vmem>> -> memref<128x128xf32, #tpu.memory_space<vmem>>
    %dma_start3A_53 = arith.constant 0 : i32
    %dma_start3A_54 = tpu.memref_slice %arg9[%dma_start3A_47, %dma_start3A_53] : memref<40x128xi32, #tpu.memory_space<vmem>> -> memref<1x128xi32, #tpu.memory_space<vmem>>
    %dma_start3A_55 = tpu.memref_squeeze %dma_start3A_54 : memref<1x128xi32, #tpu.memory_space<vmem>> -> memref<128xi32, #tpu.memory_space<vmem>>
    %dma_start3A_56 = arith.constant 0 : i32
    %dma_start3A_57 = arith.constant 0 : i32
    %dma_start3A_58 = tpu.memref_slice %arg2[%dma_start3A_56, %dma_start3A_57] : memref<10016x128xf32, #tpu.memory_space<hbm>> -> memref<10016x128xf32, #tpu.memory_space<hbm>>
    tpu.enqueue_indirect_dma source(%dma_start3A_58 : memref<10016x128xf32, #tpu.memory_space<hbm>>) target(%dma_start3A_52 : memref<128x128xf32, #tpu.memory_space<vmem>>) offsets(%dma_start3A_55 : memref<128xi32, #tpu.memory_space<vmem>>) semaphore(%arg14 : memref<!tpu.dma_semaphore, #tpu.memory_space<semaphore_mem>>)
    %scan3A_59 = arith.constant 0 : i32
    %scan3A_60 = arith.constant 0 : i32
    %scan3A_61 = arith.constant 39 : i32
    %scan3A_62 = arith.addi %scan3A_60, %scan3A_61 : i32
    %scan3A_63 = arith.constant 1 : i32
    scf.for %scan3A_505 = %scan3A_60 to %scan3A_62 step %scan3A_63  : i32 {
      %rem3A = arith.constant 2 : i32
      %rem3A_506 = arith.remsi %scan3A_505, %rem3A : i32
      %ge3A = arith.constant 1 : i32
      %ge3A_507 = arith.cmpi sge, %scan3A_505, %ge3A : i32
      %convert_element_type3A_508 = arith.extui %ge3A_507 : i1 to i32
      %cond3A_509 = arith.constant 0 : i32
      %cond3A_510 = arith.cmpi ne, %convert_element_type3A_508, %cond3A_509 : i32
      scf.if %cond3A_510 {
        %sub3A = arith.constant 1 : i32
        %sub3A_537 = arith.subi %sub3A, %rem3A_506 : i32
        %dma_wait3A_538 = arith.constant 0 : i32
        %dma_wait3A_539 = arith.constant 0 : i32
        %dma_wait3A_540 = arith.constant 0 : i32
        %dma_wait3A_541 = tpu.memref_slice %arg11[%sub3A_537, %dma_wait3A_539, %dma_wait3A_540] : memref<2x128x128xf32, #tpu.memory_space<vmem>> -> memref<1x128x128xf32, #tpu.memory_space<vmem>>
        %dma_wait3A_542 = tpu.memref_squeeze %dma_wait3A_541 : memref<1x128x128xf32, #tpu.memory_space<vmem>> -> memref<128x128xf32, #tpu.memory_space<vmem>>
        %dma_wait3A_543 = arith.constant 0 : i32
        %dma_wait3A_544 = tpu.memref_slice %arg10[%dma_wait3A_538, %dma_wait3A_543] : memref<40x128xi32, #tpu.memory_space<vmem>> -> memref<1x128xi32, #tpu.memory_space<vmem>>
        %dma_wait3A_545 = tpu.memref_squeeze %dma_wait3A_544 : memref<1x128xi32, #tpu.memory_space<vmem>> -> memref<128xi32, #tpu.memory_space<vmem>>
        %dma_wait3A_546 = arith.constant 0 : i32
        %dma_wait3A_547 = arith.constant 0 : i32
        %dma_wait3A_548 = tpu.memref_slice %arg13[%dma_wait3A_546, %dma_wait3A_547] : memref<10016x128xf32, #tpu.memory_space<vmem_shared>> -> memref<10016x128xf32, #tpu.memory_space<vmem_shared>>
        tpu.wait_indirect_dma semaphore(%arg15 : memref<!tpu.dma_semaphore, #tpu.memory_space<semaphore_mem>>) src(%dma_wait3A_542 : memref<128x128xf32, #tpu.memory_space<vmem>>) dst(%dma_wait3A_548 : memref<10016x128xf32, #tpu.memory_space<vmem_shared>>)
      } else {
      }
      %add3A_511 = arith.constant 1 : i32
      %add3A_512 = arith.addi %scan3A_505, %add3A_511 : i32
      %lt3A = arith.constant 39 : i32
      %lt3A_513 = arith.cmpi slt, %add3A_512, %lt3A : i32
      %convert_element_type3A_514 = arith.extui %lt3A_513 : i1 to i32
      %cond3A_515 = arith.constant 0 : i32
      %cond3A_516 = arith.cmpi ne, %convert_element_type3A_514, %cond3A_515 : i32
      scf.if %cond3A_516 {
        %add3A_537 = arith.constant 1 : i32
        %add3A_538 = arith.addi %scan3A_505, %add3A_537 : i32
        %sub3A = arith.constant 1 : i32
        %sub3A_539 = arith.subi %sub3A, %rem3A_506 : i32
        %dma_start3A_540 = arith.constant 0 : i32
        %dma_start3A_541 = arith.constant 0 : i32
        %dma_start3A_542 = tpu.memref_slice %arg11[%sub3A_539, %dma_start3A_540, %dma_start3A_541] : memref<2x128x128xf32, #tpu.memory_space<vmem>> -> memref<1x128x128xf32, #tpu.memory_space<vmem>>
        %dma_start3A_543 = tpu.memref_squeeze %dma_start3A_542 : memref<1x128x128xf32, #tpu.memory_space<vmem>> -> memref<128x128xf32, #tpu.memory_space<vmem>>
        %dma_start3A_544 = arith.constant 0 : i32
        %dma_start3A_545 = tpu.memref_slice %arg9[%add3A_538, %dma_start3A_544] : memref<40x128xi32, #tpu.memory_space<vmem>> -> memref<1x128xi32, #tpu.memory_space<vmem>>
        %dma_start3A_546 = tpu.memref_squeeze %dma_start3A_545 : memref<1x128xi32, #tpu.memory_space<vmem>> -> memref<128xi32, #tpu.memory_space<vmem>>
        %dma_start3A_547 = arith.constant 0 : i32
        %dma_start3A_548 = arith.constant 0 : i32
        %dma_start3A_549 = tpu.memref_slice %arg2[%dma_start3A_547, %dma_start3A_548] : memref<10016x128xf32, #tpu.memory_space<hbm>> -> memref<10016x128xf32, #tpu.memory_space<hbm>>
        tpu.enqueue_indirect_dma source(%dma_start3A_549 : memref<10016x128xf32, #tpu.memory_space<hbm>>) target(%dma_start3A_543 : memref<128x128xf32, #tpu.memory_space<vmem>>) offsets(%dma_start3A_546 : memref<128xi32, #tpu.memory_space<vmem>>) semaphore(%arg14 : memref<!tpu.dma_semaphore, #tpu.memory_space<semaphore_mem>>)
      } else {
      }
      %dma_wait3A_517 = arith.constant 0 : i32
      %dma_wait3A_518 = arith.constant 0 : i32
      %dma_wait3A_519 = tpu.memref_slice %arg11[%rem3A_506, %dma_wait3A_517, %dma_wait3A_518] : memref<2x128x128xf32, #tpu.memory_space<vmem>> -> memref<1x128x128xf32, #tpu.memory_space<vmem>>
      %dma_wait3A_520 = tpu.memref_squeeze %dma_wait3A_519 : memref<1x128x128xf32, #tpu.memory_space<vmem>> -> memref<128x128xf32, #tpu.memory_space<vmem>>
      %dma_wait3A_521 = arith.constant 0 : i32
      %dma_wait3A_522 = tpu.memref_slice %arg9[%scan3A_505, %dma_wait3A_521] : memref<40x128xi32, #tpu.memory_space<vmem>> -> memref<1x128xi32, #tpu.memory_space<vmem>>
      %dma_wait3A_523 = tpu.memref_squeeze %dma_wait3A_522 : memref<1x128xi32, #tpu.memory_space<vmem>> -> memref<128xi32, #tpu.memory_space<vmem>>
      %dma_wait3A_524 = arith.constant 0 : i32
      %dma_wait3A_525 = arith.constant 0 : i32
      %dma_wait3A_526 = tpu.memref_slice %arg2[%dma_wait3A_524, %dma_wait3A_525] : memref<10016x128xf32, #tpu.memory_space<hbm>> -> memref<10016x128xf32, #tpu.memory_space<hbm>>
      tpu.wait_indirect_dma semaphore(%arg14 : memref<!tpu.dma_semaphore, #tpu.memory_space<semaphore_mem>>) src(%dma_wait3A_526 : memref<10016x128xf32, #tpu.memory_space<hbm>>) dst(%dma_wait3A_520 : memref<128x128xf32, #tpu.memory_space<vmem>>)
      %dma_start3A_527 = arith.constant 0 : i32
      %dma_start3A_528 = arith.constant 0 : i32
      %dma_start3A_529 = tpu.memref_slice %arg11[%rem3A_506, %dma_start3A_527, %dma_start3A_528] : memref<2x128x128xf32, #tpu.memory_space<vmem>> -> memref<1x128x128xf32, #tpu.memory_space<vmem>>
      %dma_start3A_530 = tpu.memref_squeeze %dma_start3A_529 : memref<1x128x128xf32, #tpu.memory_space<vmem>> -> memref<128x128xf32, #tpu.memory_space<vmem>>
      %dma_start3A_531 = arith.constant 0 : i32
      %dma_start3A_532 = tpu.memref_slice %arg10[%scan3A_505, %dma_start3A_531] : memref<40x128xi32, #tpu.memory_space<vmem>> -> memref<1x128xi32, #tpu.memory_space<vmem>>
      %dma_start3A_533 = tpu.memref_squeeze %dma_start3A_532 : memref<1x128xi32, #tpu.memory_space<vmem>> -> memref<128xi32, #tpu.memory_space<vmem>>
      %dma_start3A_534 = arith.constant 0 : i32
      %dma_start3A_535 = arith.constant 0 : i32
      %dma_start3A_536 = tpu.memref_slice %arg13[%dma_start3A_534, %dma_start3A_535] : memref<10016x128xf32, #tpu.memory_space<vmem_shared>> -> memref<10016x128xf32, #tpu.memory_space<vmem_shared>>
      tpu.enqueue_indirect_dma source(%dma_start3A_530 : memref<128x128xf32, #tpu.memory_space<vmem>>) target(%dma_start3A_536 : memref<10016x128xf32, #tpu.memory_space<vmem_shared>>) offsets(%dma_start3A_533 : memref<128xi32, #tpu.memory_space<vmem>>) semaphore(%arg15 : memref<!tpu.dma_semaphore, #tpu.memory_space<semaphore_mem>>) {add = true}
    }
    %scan3A_64 = arith.constant 39 : i32
    %dma_wait3A_65 = arith.constant 0 : i32
    %dma_wait3A_66 = arith.constant 0 : i32
    %dma_wait3A_67 = arith.constant 0 : i32
    %dma_wait3A_68 = arith.constant 0 : i32
    %dma_wait3A_69 = tpu.memref_slice %arg11[%dma_wait3A_65, %dma_wait3A_67, %dma_wait3A_68] : memref<2x128x128xf32, #tpu.memory_space<vmem>> -> memref<1x128x128xf32, #tpu.memory_space<vmem>>
    %dma_wait3A_70 = tpu.memref_squeeze %dma_wait3A_69 : memref<1x128x128xf32, #tpu.memory_space<vmem>> -> memref<128x128xf32, #tpu.memory_space<vmem>>
    %dma_wait3A_71 = arith.constant 0 : i32
    %dma_wait3A_72 = tpu.memref_slice %arg10[%dma_wait3A_66, %dma_wait3A_71] : memref<40x128xi32, #tpu.memory_space<vmem>> -> memref<1x128xi32, #tpu.memory_space<vmem>>
    %dma_wait3A_73 = tpu.memref_squeeze %dma_wait3A_72 : memref<1x128xi32, #tpu.memory_space<vmem>> -> memref<128xi32, #tpu.memory_space<vmem>>
    %dma_wait3A_74 = arith.constant 0 : i32
    %dma_wait3A_75 = arith.constant 0 : i32
    %dma_wait3A_76 = tpu.memref_slice %arg13[%dma_wait3A_74, %dma_wait3A_75] : memref<10016x128xf32, #tpu.memory_space<vmem_shared>> -> memref<10016x128xf32, #tpu.memory_space<vmem_shared>>
    tpu.wait_indirect_dma semaphore(%arg15 : memref<!tpu.dma_semaphore, #tpu.memory_space<semaphore_mem>>) src(%dma_wait3A_70 : memref<128x128xf32, #tpu.memory_space<vmem>>) dst(%dma_wait3A_76 : memref<10016x128xf32, #tpu.memory_space<vmem_shared>>)
    %barrier3A_77 = arith.constant 0 : index
    tpu.barrier barrier_id(%barrier3A_77)
    %mul3A_78 = arith.constant 256 : i32
    %mul3A_79 = arith.muli %arg1, %mul3A_78 : i32
    %add3A_80 = arith.constant 0 : i32
    %add3A_81 = arith.addi %mul3A_79, %add3A_80 : i32
    %add3A_82 = arith.constant 0 : i32
    %add3A_83 = arith.addi %add3A_82, %add3A_81 : i32
    %multiple_of3A = tpu.assume_multiple %add3A_83, 8 : i32
    %run_scoped3A = arith.constant 0 : i32
    "tpu.region"() ({
      %run_scoped3A_505 = tpu.sem_alloc : memref<!tpu.dma_semaphore, #tpu.memory_space<semaphore_mem>>
      %dma_start3A_506 = arith.constant 0 : i32
      %dma_start3A_507 = tpu.memref_slice %arg9[%run_scoped3A, %dma_start3A_506] : memref<40x128xi32, #tpu.memory_space<vmem>> -> memref<1x128xi32, #tpu.memory_space<vmem>>
      %dma_start3A_508 = tpu.memref_squeeze %dma_start3A_507 : memref<1x128xi32, #tpu.memory_space<vmem>> -> memref<128xi32, #tpu.memory_space<vmem>>
      %dma_start3A_509 = tpu.memref_slice %arg5[%multiple_of3A] : memref<8192xi32, #tpu.memory_space<hbm>> -> memref<128xi32, #tpu.memory_space<hbm>>
      %dma_start3A_510 = arith.constant 0 : i32
      %dma_start3A_511 = tpu.memref_slice %arg9[%run_scoped3A, %dma_start3A_510] : memref<40x128xi32, #tpu.memory_space<vmem>> -> memref<1x128xi32, #tpu.memory_space<vmem>>
      %dma_start3A_512 = tpu.memref_squeeze %dma_start3A_511 : memref<1x128xi32, #tpu.memory_space<vmem>> -> memref<128xi32, #tpu.memory_space<vmem>>
      %dma_start3A_513 = tpu.memref_slice %arg5[%multiple_of3A] : memref<8192xi32, #tpu.memory_space<hbm>> -> memref<128xi32, #tpu.memory_space<hbm>>
      tpu.enqueue_dma source(%dma_start3A_513 : memref<128xi32, #tpu.memory_space<hbm>>) target(%dma_start3A_512 : memref<128xi32, #tpu.memory_space<vmem>>) target_semaphore(%run_scoped3A_505 : memref<!tpu.dma_semaphore, #tpu.memory_space<semaphore_mem>>)
      %dma_wait3A_514 = arith.constant 0 : i32
      %dma_wait3A_515 = tpu.memref_slice %arg9[%run_scoped3A, %dma_wait3A_514] : memref<40x128xi32, #tpu.memory_space<vmem>> -> memref<1x128xi32, #tpu.memory_space<vmem>>
      %dma_wait3A_516 = tpu.memref_squeeze %dma_wait3A_515 : memref<1x128xi32, #tpu.memory_space<vmem>> -> memref<128xi32, #tpu.memory_space<vmem>>
      %dma_wait3A_517 = tpu.memref_slice %arg5[%multiple_of3A] : memref<8192xi32, #tpu.memory_space<hbm>> -> memref<128xi32, #tpu.memory_space<hbm>>
      %dma_wait3A_518 = arith.constant 0 : i32
      %dma_wait3A_519 = tpu.memref_slice %arg9[%run_scoped3A, %dma_wait3A_518] : memref<40x128xi32, #tpu.memory_space<vmem>> -> memref<1x128xi32, #tpu.memory_space<vmem>>
      %dma_wait3A_520 = tpu.memref_squeeze %dma_wait3A_519 : memref<1x128xi32, #tpu.memory_space<vmem>> -> memref<128xi32, #tpu.memory_space<vmem>>
      %dma_wait3A_521 = tpu.memref_slice %arg5[%multiple_of3A] : memref<8192xi32, #tpu.memory_space<hbm>> -> memref<128xi32, #tpu.memory_space<hbm>>
      tpu.wait_dma2 semaphore(%run_scoped3A_505 : memref<!tpu.dma_semaphore, #tpu.memory_space<semaphore_mem>>) src(%dma_wait3A_521 : memref<128xi32, #tpu.memory_space<hbm>>) dst(%dma_wait3A_520 : memref<128xi32, #tpu.memory_space<vmem>>)
      tpu.yield
    }) : () -> ()
    %dma_start3A_84 = arith.constant 0 : i32
    %dma_start3A_85 = arith.constant 0 : i32
    %dma_start3A_86 = arith.constant 0 : i32
    %dma_start3A_87 = arith.constant 0 : i32
    %dma_start3A_88 = tpu.memref_slice %arg11[%dma_start3A_85, %dma_start3A_86, %dma_start3A_87] : memref<2x128x128xf32, #tpu.memory_space<vmem>> -> memref<1x128x128xf32, #tpu.memory_space<vmem>>
    %dma_start3A_89 = tpu.memref_squeeze %dma_start3A_88 : memref<1x128x128xf32, #tpu.memory_space<vmem>> -> memref<128x128xf32, #tpu.memory_space<vmem>>
    %dma_start3A_90 = arith.constant 0 : i32
    %dma_start3A_91 = tpu.memref_slice %arg9[%dma_start3A_84, %dma_start3A_90] : memref<40x128xi32, #tpu.memory_space<vmem>> -> memref<1x128xi32, #tpu.memory_space<vmem>>
    %dma_start3A_92 = tpu.memref_squeeze %dma_start3A_91 : memref<1x128xi32, #tpu.memory_space<vmem>> -> memref<128xi32, #tpu.memory_space<vmem>>
    %dma_start3A_93 = arith.constant 0 : i32
    %dma_start3A_94 = arith.constant 0 : i32
    %dma_start3A_95 = tpu.memref_slice %arg13[%dma_start3A_93, %dma_start3A_94] : memref<10016x128xf32, #tpu.memory_space<vmem_shared>> -> memref<10016x128xf32, #tpu.memory_space<vmem_shared>>
    tpu.enqueue_indirect_dma source(%dma_start3A_95 : memref<10016x128xf32, #tpu.memory_space<vmem_shared>>) target(%dma_start3A_89 : memref<128x128xf32, #tpu.memory_space<vmem>>) offsets(%dma_start3A_92 : memref<128xi32, #tpu.memory_space<vmem>>) semaphore(%arg14 : memref<!tpu.dma_semaphore, #tpu.memory_space<semaphore_mem>>)
    %dma_wait3A_96 = arith.constant 0 : i32
    %dma_wait3A_97 = arith.constant 0 : i32
    %dma_wait3A_98 = arith.constant 0 : i32
    %dma_wait3A_99 = arith.constant 0 : i32
    %dma_wait3A_100 = tpu.memref_slice %arg11[%dma_wait3A_97, %dma_wait3A_98, %dma_wait3A_99] : memref<2x128x128xf32, #tpu.memory_space<vmem>> -> memref<1x128x128xf32, #tpu.memory_space<vmem>>
    %dma_wait3A_101 = tpu.memref_squeeze %dma_wait3A_100 : memref<1x128x128xf32, #tpu.memory_space<vmem>> -> memref<128x128xf32, #tpu.memory_space<vmem>>
    %dma_wait3A_102 = arith.constant 0 : i32
    %dma_wait3A_103 = tpu.memref_slice %arg9[%dma_wait3A_96, %dma_wait3A_102] : memref<40x128xi32, #tpu.memory_space<vmem>> -> memref<1x128xi32, #tpu.memory_space<vmem>>
    %dma_wait3A_104 = tpu.memref_squeeze %dma_wait3A_103 : memref<1x128xi32, #tpu.memory_space<vmem>> -> memref<128xi32, #tpu.memory_space<vmem>>
    %dma_wait3A_105 = arith.constant 0 : i32
    %dma_wait3A_106 = arith.constant 0 : i32
    %dma_wait3A_107 = tpu.memref_slice %arg13[%dma_wait3A_105, %dma_wait3A_106] : memref<10016x128xf32, #tpu.memory_space<vmem_shared>> -> memref<10016x128xf32, #tpu.memory_space<vmem_shared>>
    tpu.wait_indirect_dma semaphore(%arg14 : memref<!tpu.dma_semaphore, #tpu.memory_space<semaphore_mem>>) src(%dma_wait3A_107 : memref<10016x128xf32, #tpu.memory_space<vmem_shared>>) dst(%dma_wait3A_101 : memref<128x128xf32, #tpu.memory_space<vmem>>)
    %eq3A_108 = arith.constant 0 : i32
    %eq3A_109 = arith.cmpi eq, %arg0, %eq3A_108 : i32
    %convert_element_type3A = arith.extui %eq3A_109 : i1 to i32
    %cond3A = arith.constant 0 : i32
    %cond3A_110 = arith.cmpi ne, %convert_element_type3A, %cond3A : i32
    scf.if %cond3A_110 {
      %dma_start3A_505 = arith.constant 0 : i32
      %dma_start3A_506 = arith.constant 0 : i32
      %dma_start3A_507 = arith.constant 0 : i32
      %dma_start3A_508 = tpu.memref_slice %arg16[%dma_start3A_506, %dma_start3A_507] : memref<4x128xf32, #tpu.memory_space<vmem>> -> memref<1x128xf32, #tpu.memory_space<vmem>>
      %dma_start3A_509 = tpu.memref_squeeze %dma_start3A_508 : memref<1x128xf32, #tpu.memory_space<vmem>> -> memref<128xf32, #tpu.memory_space<vmem>>
      %dma_start3A_510 = arith.constant 0 : i32
      %dma_start3A_511 = tpu.memref_slice %arg9[%dma_start3A_505, %dma_start3A_510] : memref<40x128xi32, #tpu.memory_space<vmem>> -> memref<1x128xi32, #tpu.memory_space<vmem>>
      %dma_start3A_512 = tpu.memref_squeeze %dma_start3A_511 : memref<1x128xi32, #tpu.memory_space<vmem>> -> memref<128xi32, #tpu.memory_space<vmem>>
      %dma_start3A_513 = arith.constant 0 : i32
      %dma_start3A_514 = tpu.memref_slice %arg6[%dma_start3A_513] : memref<10000xf32, #tpu.memory_space<hbm>> -> memref<10000xf32, #tpu.memory_space<hbm>>
      tpu.enqueue_indirect_dma source(%dma_start3A_514 : memref<10000xf32, #tpu.memory_space<hbm>>) target(%dma_start3A_509 : memref<128xf32, #tpu.memory_space<vmem>>) offsets(%dma_start3A_512 : memref<128xi32, #tpu.memory_space<vmem>>) semaphore(%arg17 : memref<!tpu.dma_semaphore, #tpu.memory_space<semaphore_mem>>)
    } else {
    }
    %multiple_of3A_111 = tpu.assume_multiple %add3A_81, 8 : i32
    %dma_start3A_112 = arith.constant 0 : i32
    %dma_start3A_113 = arith.constant 0 : i32
    %dma_start3A_114 = arith.constant 0 : i32
    %dma_start3A_115 = arith.constant 0 : i32
    %dma_start3A_116 = tpu.memref_slice %arg11[%dma_start3A_112, %dma_start3A_114, %dma_start3A_115] : memref<2x128x128xf32, #tpu.memory_space<vmem>> -> memref<1x128x128xf32, #tpu.memory_space<vmem>>
    %dma_start3A_117 = tpu.memref_squeeze %dma_start3A_116 : memref<1x128x128xf32, #tpu.memory_space<vmem>> -> memref<128x128xf32, #tpu.memory_space<vmem>>
    %dma_start3A_118 = arith.constant 0 : i32
    %dma_start3A_119 = arith.constant 0 : i32
    %dma_start3A_120 = arith.constant 0 : i32
    %dma_start3A_121 = tpu.memref_slice %arg7[%dma_start3A_113, %dma_start3A_118, %dma_start3A_119, %dma_start3A_120] : memref<2x2x4096x128xf32, #tpu.memory_space<hbm>> -> memref<1x2x4096x128xf32, #tpu.memory_space<hbm>>
    %dma_start3A_122 = tpu.memref_squeeze %dma_start3A_121 : memref<1x2x4096x128xf32, #tpu.memory_space<hbm>> -> memref<2x4096x128xf32, #tpu.memory_space<hbm>>
    %dma_start3A_123 = arith.constant 0 : i32
    %dma_start3A_124 = arith.constant 0 : i32
    %dma_start3A_125 = tpu.memref_slice %dma_start3A_122[%arg0, %dma_start3A_123, %dma_start3A_124] : memref<2x4096x128xf32, #tpu.memory_space<hbm>> -> memref<1x4096x128xf32, #tpu.memory_space<hbm>>
    %dma_start3A_126 = tpu.memref_squeeze %dma_start3A_125 : memref<1x4096x128xf32, #tpu.memory_space<hbm>> -> memref<4096x128xf32, #tpu.memory_space<hbm>>
    %dma_start3A_127 = arith.constant 0 : i32
    %dma_start3A_128 = tpu.memref_slice %dma_start3A_126[%multiple_of3A_111, %dma_start3A_127] : memref<4096x128xf32, #tpu.memory_space<hbm>> -> memref<128x128xf32, #tpu.memory_space<hbm>>
    %dma_start3A_129 = arith.constant 0 : i32
    %dma_start3A_130 = arith.constant 0 : i32
    %dma_start3A_131 = arith.constant 0 : i32
    %dma_start3A_132 = tpu.memref_slice %arg7[%dma_start3A_113, %dma_start3A_129, %dma_start3A_130, %dma_start3A_131] : memref<2x2x4096x128xf32, #tpu.memory_space<hbm>> -> memref<1x2x4096x128xf32, #tpu.memory_space<hbm>>
    %dma_start3A_133 = tpu.memref_squeeze %dma_start3A_132 : memref<1x2x4096x128xf32, #tpu.memory_space<hbm>> -> memref<2x4096x128xf32, #tpu.memory_space<hbm>>
    %dma_start3A_134 = arith.constant 0 : i32
    %dma_start3A_135 = arith.constant 0 : i32
    %dma_start3A_136 = tpu.memref_slice %dma_start3A_133[%arg0, %dma_start3A_134, %dma_start3A_135] : memref<2x4096x128xf32, #tpu.memory_space<hbm>> -> memref<1x4096x128xf32, #tpu.memory_space<hbm>>
    %dma_start3A_137 = tpu.memref_squeeze %dma_start3A_136 : memref<1x4096x128xf32, #tpu.memory_space<hbm>> -> memref<4096x128xf32, #tpu.memory_space<hbm>>
    %dma_start3A_138 = arith.constant 0 : i32
    %dma_start3A_139 = tpu.memref_slice %dma_start3A_137[%multiple_of3A_111, %dma_start3A_138] : memref<4096x128xf32, #tpu.memory_space<hbm>> -> memref<128x128xf32, #tpu.memory_space<hbm>>
    %dma_start3A_140 = arith.constant 0 : i32
    %dma_start3A_141 = arith.constant 0 : i32
    %dma_start3A_142 = tpu.memref_slice %arg11[%dma_start3A_112, %dma_start3A_140, %dma_start3A_141] : memref<2x128x128xf32, #tpu.memory_space<vmem>> -> memref<1x128x128xf32, #tpu.memory_space<vmem>>
    %dma_start3A_143 = tpu.memref_squeeze %dma_start3A_142 : memref<1x128x128xf32, #tpu.memory_space<vmem>> -> memref<128x128xf32, #tpu.memory_space<vmem>>
    tpu.enqueue_dma source(%dma_start3A_143 : memref<128x128xf32, #tpu.memory_space<vmem>>) target(%dma_start3A_139 : memref<128x128xf32, #tpu.memory_space<hbm>>) target_semaphore(%arg15 : memref<!tpu.dma_semaphore, #tpu.memory_space<semaphore_mem>>)
    %mul3A_144 = arith.constant 256 : i32
    %mul3A_145 = arith.muli %arg1, %mul3A_144 : i32
    %add3A_146 = arith.constant 128 : i32
    %add3A_147 = arith.addi %mul3A_145, %add3A_146 : i32
    %add3A_148 = arith.constant 0 : i32
    %add3A_149 = arith.addi %add3A_148, %add3A_147 : i32
    %multiple_of3A_150 = tpu.assume_multiple %add3A_149, 8 : i32
    %run_scoped3A_151 = arith.constant 1 : i32
    "tpu.region"() ({
      %run_scoped3A_505 = tpu.sem_alloc : memref<!tpu.dma_semaphore, #tpu.memory_space<semaphore_mem>>
      %dma_start3A_506 = arith.constant 0 : i32
      %dma_start3A_507 = tpu.memref_slice %arg9[%run_scoped3A_151, %dma_start3A_506] : memref<40x128xi32, #tpu.memory_space<vmem>> -> memref<1x128xi32, #tpu.memory_space<vmem>>
      %dma_start3A_508 = tpu.memref_squeeze %dma_start3A_507 : memref<1x128xi32, #tpu.memory_space<vmem>> -> memref<128xi32, #tpu.memory_space<vmem>>
      %dma_start3A_509 = tpu.memref_slice %arg5[%multiple_of3A_150] : memref<8192xi32, #tpu.memory_space<hbm>> -> memref<128xi32, #tpu.memory_space<hbm>>
      %dma_start3A_510 = arith.constant 0 : i32
      %dma_start3A_511 = tpu.memref_slice %arg9[%run_scoped3A_151, %dma_start3A_510] : memref<40x128xi32, #tpu.memory_space<vmem>> -> memref<1x128xi32, #tpu.memory_space<vmem>>
      %dma_start3A_512 = tpu.memref_squeeze %dma_start3A_511 : memref<1x128xi32, #tpu.memory_space<vmem>> -> memref<128xi32, #tpu.memory_space<vmem>>
      %dma_start3A_513 = tpu.memref_slice %arg5[%multiple_of3A_150] : memref<8192xi32, #tpu.memory_space<hbm>> -> memref<128xi32, #tpu.memory_space<hbm>>
      tpu.enqueue_dma source(%dma_start3A_513 : memref<128xi32, #tpu.memory_space<hbm>>) target(%dma_start3A_512 : memref<128xi32, #tpu.memory_space<vmem>>) target_semaphore(%run_scoped3A_505 : memref<!tpu.dma_semaphore, #tpu.memory_space<semaphore_mem>>)
      %dma_wait3A_514 = arith.constant 0 : i32
      %dma_wait3A_515 = tpu.memref_slice %arg9[%run_scoped3A_151, %dma_wait3A_514] : memref<40x128xi32, #tpu.memory_space<vmem>> -> memref<1x128xi32, #tpu.memory_space<vmem>>
      %dma_wait3A_516 = tpu.memref_squeeze %dma_wait3A_515 : memref<1x128xi32, #tpu.memory_space<vmem>> -> memref<128xi32, #tpu.memory_space<vmem>>
      %dma_wait3A_517 = tpu.memref_slice %arg5[%multiple_of3A_150] : memref<8192xi32, #tpu.memory_space<hbm>> -> memref<128xi32, #tpu.memory_space<hbm>>
      %dma_wait3A_518 = arith.constant 0 : i32
      %dma_wait3A_519 = tpu.memref_slice %arg9[%run_scoped3A_151, %dma_wait3A_518] : memref<40x128xi32, #tpu.memory_space<vmem>> -> memref<1x128xi32, #tpu.memory_space<vmem>>
      %dma_wait3A_520 = tpu.memref_squeeze %dma_wait3A_519 : memref<1x128xi32, #tpu.memory_space<vmem>> -> memref<128xi32, #tpu.memory_space<vmem>>
      %dma_wait3A_521 = tpu.memref_slice %arg5[%multiple_of3A_150] : memref<8192xi32, #tpu.memory_space<hbm>> -> memref<128xi32, #tpu.memory_space<hbm>>
      tpu.wait_dma2 semaphore(%run_scoped3A_505 : memref<!tpu.dma_semaphore, #tpu.memory_space<semaphore_mem>>) src(%dma_wait3A_521 : memref<128xi32, #tpu.memory_space<hbm>>) dst(%dma_wait3A_520 : memref<128xi32, #tpu.memory_space<vmem>>)
      tpu.yield
    }) : () -> ()
    %dma_start3A_152 = arith.constant 1 : i32
    %dma_start3A_153 = arith.constant 1 : i32
    %dma_start3A_154 = arith.constant 0 : i32
    %dma_start3A_155 = arith.constant 0 : i32
    %dma_start3A_156 = tpu.memref_slice %arg11[%dma_start3A_153, %dma_start3A_154, %dma_start3A_155] : memref<2x128x128xf32, #tpu.memory_space<vmem>> -> memref<1x128x128xf32, #tpu.memory_space<vmem>>
    %dma_start3A_157 = tpu.memref_squeeze %dma_start3A_156 : memref<1x128x128xf32, #tpu.memory_space<vmem>> -> memref<128x128xf32, #tpu.memory_space<vmem>>
    %dma_start3A_158 = arith.constant 0 : i32
    %dma_start3A_159 = tpu.memref_slice %arg9[%dma_start3A_152, %dma_start3A_158] : memref<40x128xi32, #tpu.memory_space<vmem>> -> memref<1x128xi32, #tpu.memory_space<vmem>>
    %dma_start3A_160 = tpu.memref_squeeze %dma_start3A_159 : memref<1x128xi32, #tpu.memory_space<vmem>> -> memref<128xi32, #tpu.memory_space<vmem>>
    %dma_start3A_161 = arith.constant 0 : i32
    %dma_start3A_162 = arith.constant 0 : i32
    %dma_start3A_163 = tpu.memref_slice %arg13[%dma_start3A_161, %dma_start3A_162] : memref<10016x128xf32, #tpu.memory_space<vmem_shared>> -> memref<10016x128xf32, #tpu.memory_space<vmem_shared>>
    tpu.enqueue_indirect_dma source(%dma_start3A_163 : memref<10016x128xf32, #tpu.memory_space<vmem_shared>>) target(%dma_start3A_157 : memref<128x128xf32, #tpu.memory_space<vmem>>) offsets(%dma_start3A_160 : memref<128xi32, #tpu.memory_space<vmem>>) semaphore(%arg14 : memref<!tpu.dma_semaphore, #tpu.memory_space<semaphore_mem>>)
    %dma_wait3A_164 = arith.constant 1 : i32
    %dma_wait3A_165 = arith.constant 1 : i32
    %dma_wait3A_166 = arith.constant 0 : i32
    %dma_wait3A_167 = arith.constant 0 : i32
    %dma_wait3A_168 = tpu.memref_slice %arg11[%dma_wait3A_165, %dma_wait3A_166, %dma_wait3A_167] : memref<2x128x128xf32, #tpu.memory_space<vmem>> -> memref<1x128x128xf32, #tpu.memory_space<vmem>>
    %dma_wait3A_169 = tpu.memref_squeeze %dma_wait3A_168 : memref<1x128x128xf32, #tpu.memory_space<vmem>> -> memref<128x128xf32, #tpu.memory_space<vmem>>
    %dma_wait3A_170 = arith.constant 0 : i32
    %dma_wait3A_171 = tpu.memref_slice %arg9[%dma_wait3A_164, %dma_wait3A_170] : memref<40x128xi32, #tpu.memory_space<vmem>> -> memref<1x128xi32, #tpu.memory_space<vmem>>
    %dma_wait3A_172 = tpu.memref_squeeze %dma_wait3A_171 : memref<1x128xi32, #tpu.memory_space<vmem>> -> memref<128xi32, #tpu.memory_space<vmem>>
    %dma_wait3A_173 = arith.constant 0 : i32
    %dma_wait3A_174 = arith.constant 0 : i32
    %dma_wait3A_175 = tpu.memref_slice %arg13[%dma_wait3A_173, %dma_wait3A_174] : memref<10016x128xf32, #tpu.memory_space<vmem_shared>> -> memref<10016x128xf32, #tpu.memory_space<vmem_shared>>
    tpu.wait_indirect_dma semaphore(%arg14 : memref<!tpu.dma_semaphore, #tpu.memory_space<semaphore_mem>>) src(%dma_wait3A_175 : memref<10016x128xf32, #tpu.memory_space<vmem_shared>>) dst(%dma_wait3A_169 : memref<128x128xf32, #tpu.memory_space<vmem>>)
    %eq3A_176 = arith.constant 0 : i32
    %eq3A_177 = arith.cmpi eq, %arg0, %eq3A_176 : i32
    %convert_element_type3A_178 = arith.extui %eq3A_177 : i1 to i32
    %cond3A_179 = arith.constant 0 : i32
    %cond3A_180 = arith.cmpi ne, %convert_element_type3A_178, %cond3A_179 : i32
    scf.if %cond3A_180 {
      %dma_start3A_505 = arith.constant 1 : i32
      %dma_start3A_506 = arith.constant 1 : i32
      %dma_start3A_507 = arith.constant 0 : i32
      %dma_start3A_508 = tpu.memref_slice %arg16[%dma_start3A_506, %dma_start3A_507] : memref<4x128xf32, #tpu.memory_space<vmem>> -> memref<1x128xf32, #tpu.memory_space<vmem>>
      %dma_start3A_509 = tpu.memref_squeeze %dma_start3A_508 : memref<1x128xf32, #tpu.memory_space<vmem>> -> memref<128xf32, #tpu.memory_space<vmem>>
      %dma_start3A_510 = arith.constant 0 : i32
      %dma_start3A_511 = tpu.memref_slice %arg9[%dma_start3A_505, %dma_start3A_510] : memref<40x128xi32, #tpu.memory_space<vmem>> -> memref<1x128xi32, #tpu.memory_space<vmem>>
      %dma_start3A_512 = tpu.memref_squeeze %dma_start3A_511 : memref<1x128xi32, #tpu.memory_space<vmem>> -> memref<128xi32, #tpu.memory_space<vmem>>
      %dma_start3A_513 = arith.constant 0 : i32
      %dma_start3A_514 = tpu.memref_slice %arg6[%dma_start3A_513] : memref<10000xf32, #tpu.memory_space<hbm>> -> memref<10000xf32, #tpu.memory_space<hbm>>
      tpu.enqueue_indirect_dma source(%dma_start3A_514 : memref<10000xf32, #tpu.memory_space<hbm>>) target(%dma_start3A_509 : memref<128xf32, #tpu.memory_space<vmem>>) offsets(%dma_start3A_512 : memref<128xi32, #tpu.memory_space<vmem>>) semaphore(%arg17 : memref<!tpu.dma_semaphore, #tpu.memory_space<semaphore_mem>>)
    } else {
    }
    %multiple_of3A_181 = tpu.assume_multiple %add3A_147, 8 : i32
    %dma_start3A_182 = arith.constant 1 : i32
    %dma_start3A_183 = arith.constant 0 : i32
    %dma_start3A_184 = arith.constant 0 : i32
    %dma_start3A_185 = arith.constant 0 : i32
    %dma_start3A_186 = tpu.memref_slice %arg11[%dma_start3A_182, %dma_start3A_184, %dma_start3A_185] : memref<2x128x128xf32, #tpu.memory_space<vmem>> -> memref<1x128x128xf32, #tpu.memory_space<vmem>>
    %dma_start3A_187 = tpu.memref_squeeze %dma_start3A_186 : memref<1x128x128xf32, #tpu.memory_space<vmem>> -> memref<128x128xf32, #tpu.memory_space<vmem>>
    %dma_start3A_188 = arith.constant 0 : i32
    %dma_start3A_189 = arith.constant 0 : i32
    %dma_start3A_190 = arith.constant 0 : i32
    %dma_start3A_191 = tpu.memref_slice %arg7[%dma_start3A_183, %dma_start3A_188, %dma_start3A_189, %dma_start3A_190] : memref<2x2x4096x128xf32, #tpu.memory_space<hbm>> -> memref<1x2x4096x128xf32, #tpu.memory_space<hbm>>
    %dma_start3A_192 = tpu.memref_squeeze %dma_start3A_191 : memref<1x2x4096x128xf32, #tpu.memory_space<hbm>> -> memref<2x4096x128xf32, #tpu.memory_space<hbm>>
    %dma_start3A_193 = arith.constant 0 : i32
    %dma_start3A_194 = arith.constant 0 : i32
    %dma_start3A_195 = tpu.memref_slice %dma_start3A_192[%arg0, %dma_start3A_193, %dma_start3A_194] : memref<2x4096x128xf32, #tpu.memory_space<hbm>> -> memref<1x4096x128xf32, #tpu.memory_space<hbm>>
    %dma_start3A_196 = tpu.memref_squeeze %dma_start3A_195 : memref<1x4096x128xf32, #tpu.memory_space<hbm>> -> memref<4096x128xf32, #tpu.memory_space<hbm>>
    %dma_start3A_197 = arith.constant 0 : i32
    %dma_start3A_198 = tpu.memref_slice %dma_start3A_196[%multiple_of3A_181, %dma_start3A_197] : memref<4096x128xf32, #tpu.memory_space<hbm>> -> memref<128x128xf32, #tpu.memory_space<hbm>>
    %dma_start3A_199 = arith.constant 0 : i32
    %dma_start3A_200 = arith.constant 0 : i32
    %dma_start3A_201 = arith.constant 0 : i32
    %dma_start3A_202 = tpu.memref_slice %arg7[%dma_start3A_183, %dma_start3A_199, %dma_start3A_200, %dma_start3A_201] : memref<2x2x4096x128xf32, #tpu.memory_space<hbm>> -> memref<1x2x4096x128xf32, #tpu.memory_space<hbm>>
    %dma_start3A_203 = tpu.memref_squeeze %dma_start3A_202 : memref<1x2x4096x128xf32, #tpu.memory_space<hbm>> -> memref<2x4096x128xf32, #tpu.memory_space<hbm>>
    %dma_start3A_204 = arith.constant 0 : i32
    %dma_start3A_205 = arith.constant 0 : i32
    %dma_start3A_206 = tpu.memref_slice %dma_start3A_203[%arg0, %dma_start3A_204, %dma_start3A_205] : memref<2x4096x128xf32, #tpu.memory_space<hbm>> -> memref<1x4096x128xf32, #tpu.memory_space<hbm>>
    %dma_start3A_207 = tpu.memref_squeeze %dma_start3A_206 : memref<1x4096x128xf32, #tpu.memory_space<hbm>> -> memref<4096x128xf32, #tpu.memory_space<hbm>>
    %dma_start3A_208 = arith.constant 0 : i32
    %dma_start3A_209 = tpu.memref_slice %dma_start3A_207[%multiple_of3A_181, %dma_start3A_208] : memref<4096x128xf32, #tpu.memory_space<hbm>> -> memref<128x128xf32, #tpu.memory_space<hbm>>
    %dma_start3A_210 = arith.constant 0 : i32
    %dma_start3A_211 = arith.constant 0 : i32
    %dma_start3A_212 = tpu.memref_slice %arg11[%dma_start3A_182, %dma_start3A_210, %dma_start3A_211] : memref<2x128x128xf32, #tpu.memory_space<vmem>> -> memref<1x128x128xf32, #tpu.memory_space<vmem>>
    %dma_start3A_213 = tpu.memref_squeeze %dma_start3A_212 : memref<1x128x128xf32, #tpu.memory_space<vmem>> -> memref<128x128xf32, #tpu.memory_space<vmem>>
    tpu.enqueue_dma source(%dma_start3A_213 : memref<128x128xf32, #tpu.memory_space<vmem>>) target(%dma_start3A_209 : memref<128x128xf32, #tpu.memory_space<hbm>>) target_semaphore(%arg15 : memref<!tpu.dma_semaphore, #tpu.memory_space<semaphore_mem>>)
    %mul3A_214 = arith.constant 256 : i32
    %mul3A_215 = arith.muli %arg1, %mul3A_214 : i32
    %add3A_216 = arith.constant 0 : i32
    %add3A_217 = arith.addi %mul3A_215, %add3A_216 : i32
    %eq3A_218 = arith.constant 0 : i32
    %eq3A_219 = arith.cmpi eq, %arg0, %eq3A_218 : i32
    %convert_element_type3A_220 = arith.extui %eq3A_219 : i1 to i32
    %cond3A_221 = arith.constant 0 : i32
    %cond3A_222 = arith.cmpi ne, %convert_element_type3A_220, %cond3A_221 : i32
    scf.if %cond3A_222 {
      %dma_wait3A_505 = arith.constant 0 : i32
      %dma_wait3A_506 = arith.constant 0 : i32
      %dma_wait3A_507 = arith.constant 0 : i32
      %dma_wait3A_508 = tpu.memref_slice %arg16[%dma_wait3A_506, %dma_wait3A_507] : memref<4x128xf32, #tpu.memory_space<vmem>> -> memref<1x128xf32, #tpu.memory_space<vmem>>
      %dma_wait3A_509 = tpu.memref_squeeze %dma_wait3A_508 : memref<1x128xf32, #tpu.memory_space<vmem>> -> memref<128xf32, #tpu.memory_space<vmem>>
      %dma_wait3A_510 = arith.constant 0 : i32
      %dma_wait3A_511 = tpu.memref_slice %arg9[%dma_wait3A_505, %dma_wait3A_510] : memref<40x128xi32, #tpu.memory_space<vmem>> -> memref<1x128xi32, #tpu.memory_space<vmem>>
      %dma_wait3A_512 = tpu.memref_squeeze %dma_wait3A_511 : memref<1x128xi32, #tpu.memory_space<vmem>> -> memref<128xi32, #tpu.memory_space<vmem>>
      %dma_wait3A_513 = arith.constant 0 : i32
      %dma_wait3A_514 = tpu.memref_slice %arg6[%dma_wait3A_513] : memref<10000xf32, #tpu.memory_space<hbm>> -> memref<10000xf32, #tpu.memory_space<hbm>>
      tpu.wait_indirect_dma semaphore(%arg17 : memref<!tpu.dma_semaphore, #tpu.memory_space<semaphore_mem>>) src(%dma_wait3A_514 : memref<10000xf32, #tpu.memory_space<hbm>>) dst(%dma_wait3A_509 : memref<128xf32, #tpu.memory_space<vmem>>)
    } else {
    }
    %add3A_223 = arith.constant 4096 : i32
    %add3A_224 = arith.addi %add3A_223, %add3A_217 : i32
    %multiple_of3A_225 = tpu.assume_multiple %add3A_224, 8 : i32
    %run_scoped3A_226 = arith.constant 0 : i32
    "tpu.region"() ({
      %run_scoped3A_505 = tpu.sem_alloc : memref<!tpu.dma_semaphore, #tpu.memory_space<semaphore_mem>>
      %dma_start3A_506 = arith.constant 0 : i32
      %dma_start3A_507 = tpu.memref_slice %arg9[%run_scoped3A_226, %dma_start3A_506] : memref<40x128xi32, #tpu.memory_space<vmem>> -> memref<1x128xi32, #tpu.memory_space<vmem>>
      %dma_start3A_508 = tpu.memref_squeeze %dma_start3A_507 : memref<1x128xi32, #tpu.memory_space<vmem>> -> memref<128xi32, #tpu.memory_space<vmem>>
      %dma_start3A_509 = tpu.memref_slice %arg5[%multiple_of3A_225] : memref<8192xi32, #tpu.memory_space<hbm>> -> memref<128xi32, #tpu.memory_space<hbm>>
      %dma_start3A_510 = arith.constant 0 : i32
      %dma_start3A_511 = tpu.memref_slice %arg9[%run_scoped3A_226, %dma_start3A_510] : memref<40x128xi32, #tpu.memory_space<vmem>> -> memref<1x128xi32, #tpu.memory_space<vmem>>
      %dma_start3A_512 = tpu.memref_squeeze %dma_start3A_511 : memref<1x128xi32, #tpu.memory_space<vmem>> -> memref<128xi32, #tpu.memory_space<vmem>>
      %dma_start3A_513 = tpu.memref_slice %arg5[%multiple_of3A_225] : memref<8192xi32, #tpu.memory_space<hbm>> -> memref<128xi32, #tpu.memory_space<hbm>>
      tpu.enqueue_dma source(%dma_start3A_513 : memref<128xi32, #tpu.memory_space<hbm>>) target(%dma_start3A_512 : memref<128xi32, #tpu.memory_space<vmem>>) target_semaphore(%run_scoped3A_505 : memref<!tpu.dma_semaphore, #tpu.memory_space<semaphore_mem>>)
      %dma_wait3A_514 = arith.constant 0 : i32
      %dma_wait3A_515 = tpu.memref_slice %arg9[%run_scoped3A_226, %dma_wait3A_514] : memref<40x128xi32, #tpu.memory_space<vmem>> -> memref<1x128xi32, #tpu.memory_space<vmem>>
      %dma_wait3A_516 = tpu.memref_squeeze %dma_wait3A_515 : memref<1x128xi32, #tpu.memory_space<vmem>> -> memref<128xi32, #tpu.memory_space<vmem>>
      %dma_wait3A_517 = tpu.memref_slice %arg5[%multiple_of3A_225] : memref<8192xi32, #tpu.memory_space<hbm>> -> memref<128xi32, #tpu.memory_space<hbm>>
      %dma_wait3A_518 = arith.constant 0 : i32
      %dma_wait3A_519 = tpu.memref_slice %arg9[%run_scoped3A_226, %dma_wait3A_518] : memref<40x128xi32, #tpu.memory_space<vmem>> -> memref<1x128xi32, #tpu.memory_space<vmem>>
      %dma_wait3A_520 = tpu.memref_squeeze %dma_wait3A_519 : memref<1x128xi32, #tpu.memory_space<vmem>> -> memref<128xi32, #tpu.memory_space<vmem>>
      %dma_wait3A_521 = tpu.memref_slice %arg5[%multiple_of3A_225] : memref<8192xi32, #tpu.memory_space<hbm>> -> memref<128xi32, #tpu.memory_space<hbm>>
      tpu.wait_dma2 semaphore(%run_scoped3A_505 : memref<!tpu.dma_semaphore, #tpu.memory_space<semaphore_mem>>) src(%dma_wait3A_521 : memref<128xi32, #tpu.memory_space<hbm>>) dst(%dma_wait3A_520 : memref<128xi32, #tpu.memory_space<vmem>>)
      tpu.yield
    }) : () -> ()
    %dma_start3A_227 = arith.constant 0 : i32
    %dma_start3A_228 = arith.constant 0 : i32
    %dma_start3A_229 = arith.constant 0 : i32
    %dma_start3A_230 = arith.constant 0 : i32
    %dma_start3A_231 = tpu.memref_slice %arg11[%dma_start3A_228, %dma_start3A_229, %dma_start3A_230] : memref<2x128x128xf32, #tpu.memory_space<vmem>> -> memref<1x128x128xf32, #tpu.memory_space<vmem>>
    %dma_start3A_232 = tpu.memref_squeeze %dma_start3A_231 : memref<1x128x128xf32, #tpu.memory_space<vmem>> -> memref<128x128xf32, #tpu.memory_space<vmem>>
    %dma_start3A_233 = arith.constant 0 : i32
    %dma_start3A_234 = tpu.memref_slice %arg9[%dma_start3A_227, %dma_start3A_233] : memref<40x128xi32, #tpu.memory_space<vmem>> -> memref<1x128xi32, #tpu.memory_space<vmem>>
    %dma_start3A_235 = tpu.memref_squeeze %dma_start3A_234 : memref<1x128xi32, #tpu.memory_space<vmem>> -> memref<128xi32, #tpu.memory_space<vmem>>
    %dma_start3A_236 = arith.constant 0 : i32
    %dma_start3A_237 = arith.constant 0 : i32
    %dma_start3A_238 = tpu.memref_slice %arg13[%dma_start3A_236, %dma_start3A_237] : memref<10016x128xf32, #tpu.memory_space<vmem_shared>> -> memref<10016x128xf32, #tpu.memory_space<vmem_shared>>
    tpu.enqueue_indirect_dma source(%dma_start3A_238 : memref<10016x128xf32, #tpu.memory_space<vmem_shared>>) target(%dma_start3A_232 : memref<128x128xf32, #tpu.memory_space<vmem>>) offsets(%dma_start3A_235 : memref<128xi32, #tpu.memory_space<vmem>>) semaphore(%arg14 : memref<!tpu.dma_semaphore, #tpu.memory_space<semaphore_mem>>)
    %dma_wait3A_239 = arith.constant 0 : i32
    %dma_wait3A_240 = arith.constant 0 : i32
    %dma_wait3A_241 = arith.constant 0 : i32
    %dma_wait3A_242 = arith.constant 0 : i32
    %dma_wait3A_243 = tpu.memref_slice %arg11[%dma_wait3A_240, %dma_wait3A_241, %dma_wait3A_242] : memref<2x128x128xf32, #tpu.memory_space<vmem>> -> memref<1x128x128xf32, #tpu.memory_space<vmem>>
    %dma_wait3A_244 = tpu.memref_squeeze %dma_wait3A_243 : memref<1x128x128xf32, #tpu.memory_space<vmem>> -> memref<128x128xf32, #tpu.memory_space<vmem>>
    %dma_wait3A_245 = arith.constant 0 : i32
    %dma_wait3A_246 = tpu.memref_slice %arg9[%dma_wait3A_239, %dma_wait3A_245] : memref<40x128xi32, #tpu.memory_space<vmem>> -> memref<1x128xi32, #tpu.memory_space<vmem>>
    %dma_wait3A_247 = tpu.memref_squeeze %dma_wait3A_246 : memref<1x128xi32, #tpu.memory_space<vmem>> -> memref<128xi32, #tpu.memory_space<vmem>>
    %dma_wait3A_248 = arith.constant 0 : i32
    %dma_wait3A_249 = arith.constant 0 : i32
    %dma_wait3A_250 = tpu.memref_slice %arg13[%dma_wait3A_248, %dma_wait3A_249] : memref<10016x128xf32, #tpu.memory_space<vmem_shared>> -> memref<10016x128xf32, #tpu.memory_space<vmem_shared>>
    tpu.wait_indirect_dma semaphore(%arg14 : memref<!tpu.dma_semaphore, #tpu.memory_space<semaphore_mem>>) src(%dma_wait3A_250 : memref<10016x128xf32, #tpu.memory_space<vmem_shared>>) dst(%dma_wait3A_244 : memref<128x128xf32, #tpu.memory_space<vmem>>)
    %eq3A_251 = arith.constant 0 : i32
    %eq3A_252 = arith.cmpi eq, %arg0, %eq3A_251 : i32
    %convert_element_type3A_253 = arith.extui %eq3A_252 : i1 to i32
    %cond3A_254 = arith.constant 0 : i32
    %cond3A_255 = arith.cmpi ne, %convert_element_type3A_253, %cond3A_254 : i32
    scf.if %cond3A_255 {
      %dma_start3A_505 = arith.constant 0 : i32
      %dma_start3A_506 = arith.constant 2 : i32
      %dma_start3A_507 = arith.constant 0 : i32
      %dma_start3A_508 = tpu.memref_slice %arg16[%dma_start3A_506, %dma_start3A_507] : memref<4x128xf32, #tpu.memory_space<vmem>> -> memref<1x128xf32, #tpu.memory_space<vmem>>
      %dma_start3A_509 = tpu.memref_squeeze %dma_start3A_508 : memref<1x128xf32, #tpu.memory_space<vmem>> -> memref<128xf32, #tpu.memory_space<vmem>>
      %dma_start3A_510 = arith.constant 0 : i32
      %dma_start3A_511 = tpu.memref_slice %arg9[%dma_start3A_505, %dma_start3A_510] : memref<40x128xi32, #tpu.memory_space<vmem>> -> memref<1x128xi32, #tpu.memory_space<vmem>>
      %dma_start3A_512 = tpu.memref_squeeze %dma_start3A_511 : memref<1x128xi32, #tpu.memory_space<vmem>> -> memref<128xi32, #tpu.memory_space<vmem>>
      %dma_start3A_513 = arith.constant 0 : i32
      %dma_start3A_514 = tpu.memref_slice %arg6[%dma_start3A_513] : memref<10000xf32, #tpu.memory_space<hbm>> -> memref<10000xf32, #tpu.memory_space<hbm>>
      tpu.enqueue_indirect_dma source(%dma_start3A_514 : memref<10000xf32, #tpu.memory_space<hbm>>) target(%dma_start3A_509 : memref<128xf32, #tpu.memory_space<vmem>>) offsets(%dma_start3A_512 : memref<128xi32, #tpu.memory_space<vmem>>) semaphore(%arg17 : memref<!tpu.dma_semaphore, #tpu.memory_space<semaphore_mem>>)
    } else {
    }
    %dma_wait3A_256 = arith.constant 0 : i32
    %dma_wait3A_257 = arith.constant 0 : i32
    %dma_wait3A_258 = arith.constant 0 : i32
    %dma_wait3A_259 = arith.constant 0 : i32
    %dma_wait3A_260 = tpu.memref_slice %arg11[%dma_wait3A_256, %dma_wait3A_258, %dma_wait3A_259] : memref<2x128x128xf32, #tpu.memory_space<vmem>> -> memref<1x128x128xf32, #tpu.memory_space<vmem>>
    %dma_wait3A_261 = tpu.memref_squeeze %dma_wait3A_260 : memref<1x128x128xf32, #tpu.memory_space<vmem>> -> memref<128x128xf32, #tpu.memory_space<vmem>>
    %dma_wait3A_262 = arith.constant 0 : i32
    %dma_wait3A_263 = arith.constant 0 : i32
    %dma_wait3A_264 = arith.constant 0 : i32
    %dma_wait3A_265 = tpu.memref_slice %arg7[%dma_wait3A_257, %dma_wait3A_262, %dma_wait3A_263, %dma_wait3A_264] : memref<2x2x4096x128xf32, #tpu.memory_space<hbm>> -> memref<1x2x4096x128xf32, #tpu.memory_space<hbm>>
    %dma_wait3A_266 = tpu.memref_squeeze %dma_wait3A_265 : memref<1x2x4096x128xf32, #tpu.memory_space<hbm>> -> memref<2x4096x128xf32, #tpu.memory_space<hbm>>
    %dma_wait3A_267 = arith.constant 0 : i32
    %dma_wait3A_268 = arith.constant 0 : i32
    %dma_wait3A_269 = tpu.memref_slice %dma_wait3A_266[%arg0, %dma_wait3A_267, %dma_wait3A_268] : memref<2x4096x128xf32, #tpu.memory_space<hbm>> -> memref<1x4096x128xf32, #tpu.memory_space<hbm>>
    %dma_wait3A_270 = tpu.memref_squeeze %dma_wait3A_269 : memref<1x4096x128xf32, #tpu.memory_space<hbm>> -> memref<4096x128xf32, #tpu.memory_space<hbm>>
    %dma_wait3A_271 = arith.constant 0 : i32
    %dma_wait3A_272 = arith.constant 0 : i32
    %dma_wait3A_273 = tpu.memref_slice %dma_wait3A_270[%dma_wait3A_271, %dma_wait3A_272] : memref<4096x128xf32, #tpu.memory_space<hbm>> -> memref<128x128xf32, #tpu.memory_space<hbm>>
    %dma_wait3A_274 = arith.constant 0 : i32
    %dma_wait3A_275 = arith.constant 0 : i32
    %dma_wait3A_276 = arith.constant 0 : i32
    %dma_wait3A_277 = tpu.memref_slice %arg7[%dma_wait3A_257, %dma_wait3A_274, %dma_wait3A_275, %dma_wait3A_276] : memref<2x2x4096x128xf32, #tpu.memory_space<hbm>> -> memref<1x2x4096x128xf32, #tpu.memory_space<hbm>>
    %dma_wait3A_278 = tpu.memref_squeeze %dma_wait3A_277 : memref<1x2x4096x128xf32, #tpu.memory_space<hbm>> -> memref<2x4096x128xf32, #tpu.memory_space<hbm>>
    %dma_wait3A_279 = arith.constant 0 : i32
    %dma_wait3A_280 = arith.constant 0 : i32
    %dma_wait3A_281 = tpu.memref_slice %dma_wait3A_278[%arg0, %dma_wait3A_279, %dma_wait3A_280] : memref<2x4096x128xf32, #tpu.memory_space<hbm>> -> memref<1x4096x128xf32, #tpu.memory_space<hbm>>
    %dma_wait3A_282 = tpu.memref_squeeze %dma_wait3A_281 : memref<1x4096x128xf32, #tpu.memory_space<hbm>> -> memref<4096x128xf32, #tpu.memory_space<hbm>>
    %dma_wait3A_283 = arith.constant 0 : i32
    %dma_wait3A_284 = arith.constant 0 : i32
    %dma_wait3A_285 = tpu.memref_slice %dma_wait3A_282[%dma_wait3A_283, %dma_wait3A_284] : memref<4096x128xf32, #tpu.memory_space<hbm>> -> memref<128x128xf32, #tpu.memory_space<hbm>>
    %dma_wait3A_286 = arith.constant 0 : i32
    %dma_wait3A_287 = arith.constant 0 : i32
    %dma_wait3A_288 = tpu.memref_slice %arg11[%dma_wait3A_256, %dma_wait3A_286, %dma_wait3A_287] : memref<2x128x128xf32, #tpu.memory_space<vmem>> -> memref<1x128x128xf32, #tpu.memory_space<vmem>>
    %dma_wait3A_289 = tpu.memref_squeeze %dma_wait3A_288 : memref<1x128x128xf32, #tpu.memory_space<vmem>> -> memref<128x128xf32, #tpu.memory_space<vmem>>
    tpu.wait_dma2 semaphore(%arg15 : memref<!tpu.dma_semaphore, #tpu.memory_space<semaphore_mem>>) src(%dma_wait3A_289 : memref<128x128xf32, #tpu.memory_space<vmem>>) dst(%dma_wait3A_285 : memref<128x128xf32, #tpu.memory_space<hbm>>)
    %multiple_of3A_290 = tpu.assume_multiple %add3A_217, 8 : i32
    %dma_start3A_291 = arith.constant 0 : i32
    %dma_start3A_292 = arith.constant 1 : i32
    %dma_start3A_293 = arith.constant 0 : i32
    %dma_start3A_294 = arith.constant 0 : i32
    %dma_start3A_295 = tpu.memref_slice %arg11[%dma_start3A_291, %dma_start3A_293, %dma_start3A_294] : memref<2x128x128xf32, #tpu.memory_space<vmem>> -> memref<1x128x128xf32, #tpu.memory_space<vmem>>
    %dma_start3A_296 = tpu.memref_squeeze %dma_start3A_295 : memref<1x128x128xf32, #tpu.memory_space<vmem>> -> memref<128x128xf32, #tpu.memory_space<vmem>>
    %dma_start3A_297 = arith.constant 0 : i32
    %dma_start3A_298 = arith.constant 0 : i32
    %dma_start3A_299 = arith.constant 0 : i32
    %dma_start3A_300 = tpu.memref_slice %arg7[%dma_start3A_292, %dma_start3A_297, %dma_start3A_298, %dma_start3A_299] : memref<2x2x4096x128xf32, #tpu.memory_space<hbm>> -> memref<1x2x4096x128xf32, #tpu.memory_space<hbm>>
    %dma_start3A_301 = tpu.memref_squeeze %dma_start3A_300 : memref<1x2x4096x128xf32, #tpu.memory_space<hbm>> -> memref<2x4096x128xf32, #tpu.memory_space<hbm>>
    %dma_start3A_302 = arith.constant 0 : i32
    %dma_start3A_303 = arith.constant 0 : i32
    %dma_start3A_304 = tpu.memref_slice %dma_start3A_301[%arg0, %dma_start3A_302, %dma_start3A_303] : memref<2x4096x128xf32, #tpu.memory_space<hbm>> -> memref<1x4096x128xf32, #tpu.memory_space<hbm>>
    %dma_start3A_305 = tpu.memref_squeeze %dma_start3A_304 : memref<1x4096x128xf32, #tpu.memory_space<hbm>> -> memref<4096x128xf32, #tpu.memory_space<hbm>>
    %dma_start3A_306 = arith.constant 0 : i32
    %dma_start3A_307 = tpu.memref_slice %dma_start3A_305[%multiple_of3A_290, %dma_start3A_306] : memref<4096x128xf32, #tpu.memory_space<hbm>> -> memref<128x128xf32, #tpu.memory_space<hbm>>
    %dma_start3A_308 = arith.constant 0 : i32
    %dma_start3A_309 = arith.constant 0 : i32
    %dma_start3A_310 = arith.constant 0 : i32
    %dma_start3A_311 = tpu.memref_slice %arg7[%dma_start3A_292, %dma_start3A_308, %dma_start3A_309, %dma_start3A_310] : memref<2x2x4096x128xf32, #tpu.memory_space<hbm>> -> memref<1x2x4096x128xf32, #tpu.memory_space<hbm>>
    %dma_start3A_312 = tpu.memref_squeeze %dma_start3A_311 : memref<1x2x4096x128xf32, #tpu.memory_space<hbm>> -> memref<2x4096x128xf32, #tpu.memory_space<hbm>>
    %dma_start3A_313 = arith.constant 0 : i32
    %dma_start3A_314 = arith.constant 0 : i32
    %dma_start3A_315 = tpu.memref_slice %dma_start3A_312[%arg0, %dma_start3A_313, %dma_start3A_314] : memref<2x4096x128xf32, #tpu.memory_space<hbm>> -> memref<1x4096x128xf32, #tpu.memory_space<hbm>>
    %dma_start3A_316 = tpu.memref_squeeze %dma_start3A_315 : memref<1x4096x128xf32, #tpu.memory_space<hbm>> -> memref<4096x128xf32, #tpu.memory_space<hbm>>
    %dma_start3A_317 = arith.constant 0 : i32
    %dma_start3A_318 = tpu.memref_slice %dma_start3A_316[%multiple_of3A_290, %dma_start3A_317] : memref<4096x128xf32, #tpu.memory_space<hbm>> -> memref<128x128xf32, #tpu.memory_space<hbm>>
    %dma_start3A_319 = arith.constant 0 : i32
    %dma_start3A_320 = arith.constant 0 : i32
    %dma_start3A_321 = tpu.memref_slice %arg11[%dma_start3A_291, %dma_start3A_319, %dma_start3A_320] : memref<2x128x128xf32, #tpu.memory_space<vmem>> -> memref<1x128x128xf32, #tpu.memory_space<vmem>>
    %dma_start3A_322 = tpu.memref_squeeze %dma_start3A_321 : memref<1x128x128xf32, #tpu.memory_space<vmem>> -> memref<128x128xf32, #tpu.memory_space<vmem>>
    tpu.enqueue_dma source(%dma_start3A_322 : memref<128x128xf32, #tpu.memory_space<vmem>>) target(%dma_start3A_318 : memref<128x128xf32, #tpu.memory_space<hbm>>) target_semaphore(%arg15 : memref<!tpu.dma_semaphore, #tpu.memory_space<semaphore_mem>>)
    %mul3A_323 = arith.constant 256 : i32
    %mul3A_324 = arith.muli %arg1, %mul3A_323 : i32
    %add3A_325 = arith.constant 128 : i32
    %add3A_326 = arith.addi %mul3A_324, %add3A_325 : i32
    %eq3A_327 = arith.constant 0 : i32
    %eq3A_328 = arith.cmpi eq, %arg0, %eq3A_327 : i32
    %convert_element_type3A_329 = arith.extui %eq3A_328 : i1 to i32
    %cond3A_330 = arith.constant 0 : i32
    %cond3A_331 = arith.cmpi ne, %convert_element_type3A_329, %cond3A_330 : i32
    scf.if %cond3A_331 {
      %dma_wait3A_505 = arith.constant 1 : i32
      %dma_wait3A_506 = arith.constant 0 : i32
      %dma_wait3A_507 = arith.constant 0 : i32
      %dma_wait3A_508 = tpu.memref_slice %arg16[%dma_wait3A_506, %dma_wait3A_507] : memref<4x128xf32, #tpu.memory_space<vmem>> -> memref<1x128xf32, #tpu.memory_space<vmem>>
      %dma_wait3A_509 = tpu.memref_squeeze %dma_wait3A_508 : memref<1x128xf32, #tpu.memory_space<vmem>> -> memref<128xf32, #tpu.memory_space<vmem>>
      %dma_wait3A_510 = arith.constant 0 : i32
      %dma_wait3A_511 = tpu.memref_slice %arg9[%dma_wait3A_505, %dma_wait3A_510] : memref<40x128xi32, #tpu.memory_space<vmem>> -> memref<1x128xi32, #tpu.memory_space<vmem>>
      %dma_wait3A_512 = tpu.memref_squeeze %dma_wait3A_511 : memref<1x128xi32, #tpu.memory_space<vmem>> -> memref<128xi32, #tpu.memory_space<vmem>>
      %dma_wait3A_513 = arith.constant 0 : i32
      %dma_wait3A_514 = tpu.memref_slice %arg6[%dma_wait3A_513] : memref<10000xf32, #tpu.memory_space<hbm>> -> memref<10000xf32, #tpu.memory_space<hbm>>
      tpu.wait_indirect_dma semaphore(%arg17 : memref<!tpu.dma_semaphore, #tpu.memory_space<semaphore_mem>>) src(%dma_wait3A_514 : memref<10000xf32, #tpu.memory_space<hbm>>) dst(%dma_wait3A_509 : memref<128xf32, #tpu.memory_space<vmem>>)
    } else {
    }
    %add3A_332 = arith.constant 4096 : i32
    %add3A_333 = arith.addi %add3A_332, %add3A_326 : i32
    %multiple_of3A_334 = tpu.assume_multiple %add3A_333, 8 : i32
    %run_scoped3A_335 = arith.constant 1 : i32
    "tpu.region"() ({
      %run_scoped3A_505 = tpu.sem_alloc : memref<!tpu.dma_semaphore, #tpu.memory_space<semaphore_mem>>
      %dma_start3A_506 = arith.constant 0 : i32
      %dma_start3A_507 = tpu.memref_slice %arg9[%run_scoped3A_335, %dma_start3A_506] : memref<40x128xi32, #tpu.memory_space<vmem>> -> memref<1x128xi32, #tpu.memory_space<vmem>>
      %dma_start3A_508 = tpu.memref_squeeze %dma_start3A_507 : memref<1x128xi32, #tpu.memory_space<vmem>> -> memref<128xi32, #tpu.memory_space<vmem>>
      %dma_start3A_509 = tpu.memref_slice %arg5[%multiple_of3A_334] : memref<8192xi32, #tpu.memory_space<hbm>> -> memref<128xi32, #tpu.memory_space<hbm>>
      %dma_start3A_510 = arith.constant 0 : i32
      %dma_start3A_511 = tpu.memref_slice %arg9[%run_scoped3A_335, %dma_start3A_510] : memref<40x128xi32, #tpu.memory_space<vmem>> -> memref<1x128xi32, #tpu.memory_space<vmem>>
      %dma_start3A_512 = tpu.memref_squeeze %dma_start3A_511 : memref<1x128xi32, #tpu.memory_space<vmem>> -> memref<128xi32, #tpu.memory_space<vmem>>
      %dma_start3A_513 = tpu.memref_slice %arg5[%multiple_of3A_334] : memref<8192xi32, #tpu.memory_space<hbm>> -> memref<128xi32, #tpu.memory_space<hbm>>
      tpu.enqueue_dma source(%dma_start3A_513 : memref<128xi32, #tpu.memory_space<hbm>>) target(%dma_start3A_512 : memref<128xi32, #tpu.memory_space<vmem>>) target_semaphore(%run_scoped3A_505 : memref<!tpu.dma_semaphore, #tpu.memory_space<semaphore_mem>>)
      %dma_wait3A_514 = arith.constant 0 : i32
      %dma_wait3A_515 = tpu.memref_slice %arg9[%run_scoped3A_335, %dma_wait3A_514] : memref<40x128xi32, #tpu.memory_space<vmem>> -> memref<1x128xi32, #tpu.memory_space<vmem>>
      %dma_wait3A_516 = tpu.memref_squeeze %dma_wait3A_515 : memref<1x128xi32, #tpu.memory_space<vmem>> -> memref<128xi32, #tpu.memory_space<vmem>>
      %dma_wait3A_517 = tpu.memref_slice %arg5[%multiple_of3A_334] : memref<8192xi32, #tpu.memory_space<hbm>> -> memref<128xi32, #tpu.memory_space<hbm>>
      %dma_wait3A_518 = arith.constant 0 : i32
      %dma_wait3A_519 = tpu.memref_slice %arg9[%run_scoped3A_335, %dma_wait3A_518] : memref<40x128xi32, #tpu.memory_space<vmem>> -> memref<1x128xi32, #tpu.memory_space<vmem>>
      %dma_wait3A_520 = tpu.memref_squeeze %dma_wait3A_519 : memref<1x128xi32, #tpu.memory_space<vmem>> -> memref<128xi32, #tpu.memory_space<vmem>>
      %dma_wait3A_521 = tpu.memref_slice %arg5[%multiple_of3A_334] : memref<8192xi32, #tpu.memory_space<hbm>> -> memref<128xi32, #tpu.memory_space<hbm>>
      tpu.wait_dma2 semaphore(%run_scoped3A_505 : memref<!tpu.dma_semaphore, #tpu.memory_space<semaphore_mem>>) src(%dma_wait3A_521 : memref<128xi32, #tpu.memory_space<hbm>>) dst(%dma_wait3A_520 : memref<128xi32, #tpu.memory_space<vmem>>)
      tpu.yield
    }) : () -> ()
    %dma_start3A_336 = arith.constant 1 : i32
    %dma_start3A_337 = arith.constant 1 : i32
    %dma_start3A_338 = arith.constant 0 : i32
    %dma_start3A_339 = arith.constant 0 : i32
    %dma_start3A_340 = tpu.memref_slice %arg11[%dma_start3A_337, %dma_start3A_338, %dma_start3A_339] : memref<2x128x128xf32, #tpu.memory_space<vmem>> -> memref<1x128x128xf32, #tpu.memory_space<vmem>>
    %dma_start3A_341 = tpu.memref_squeeze %dma_start3A_340 : memref<1x128x128xf32, #tpu.memory_space<vmem>> -> memref<128x128xf32, #tpu.memory_space<vmem>>
    %dma_start3A_342 = arith.constant 0 : i32
    %dma_start3A_343 = tpu.memref_slice %arg9[%dma_start3A_336, %dma_start3A_342] : memref<40x128xi32, #tpu.memory_space<vmem>> -> memref<1x128xi32, #tpu.memory_space<vmem>>
    %dma_start3A_344 = tpu.memref_squeeze %dma_start3A_343 : memref<1x128xi32, #tpu.memory_space<vmem>> -> memref<128xi32, #tpu.memory_space<vmem>>
    %dma_start3A_345 = arith.constant 0 : i32
    %dma_start3A_346 = arith.constant 0 : i32
    %dma_start3A_347 = tpu.memref_slice %arg13[%dma_start3A_345, %dma_start3A_346] : memref<10016x128xf32, #tpu.memory_space<vmem_shared>> -> memref<10016x128xf32, #tpu.memory_space<vmem_shared>>
    tpu.enqueue_indirect_dma source(%dma_start3A_347 : memref<10016x128xf32, #tpu.memory_space<vmem_shared>>) target(%dma_start3A_341 : memref<128x128xf32, #tpu.memory_space<vmem>>) offsets(%dma_start3A_344 : memref<128xi32, #tpu.memory_space<vmem>>) semaphore(%arg14 : memref<!tpu.dma_semaphore, #tpu.memory_space<semaphore_mem>>)
    %dma_wait3A_348 = arith.constant 1 : i32
    %dma_wait3A_349 = arith.constant 1 : i32
    %dma_wait3A_350 = arith.constant 0 : i32
    %dma_wait3A_351 = arith.constant 0 : i32
    %dma_wait3A_352 = tpu.memref_slice %arg11[%dma_wait3A_349, %dma_wait3A_350, %dma_wait3A_351] : memref<2x128x128xf32, #tpu.memory_space<vmem>> -> memref<1x128x128xf32, #tpu.memory_space<vmem>>
    %dma_wait3A_353 = tpu.memref_squeeze %dma_wait3A_352 : memref<1x128x128xf32, #tpu.memory_space<vmem>> -> memref<128x128xf32, #tpu.memory_space<vmem>>
    %dma_wait3A_354 = arith.constant 0 : i32
    %dma_wait3A_355 = tpu.memref_slice %arg9[%dma_wait3A_348, %dma_wait3A_354] : memref<40x128xi32, #tpu.memory_space<vmem>> -> memref<1x128xi32, #tpu.memory_space<vmem>>
    %dma_wait3A_356 = tpu.memref_squeeze %dma_wait3A_355 : memref<1x128xi32, #tpu.memory_space<vmem>> -> memref<128xi32, #tpu.memory_space<vmem>>
    %dma_wait3A_357 = arith.constant 0 : i32
    %dma_wait3A_358 = arith.constant 0 : i32
    %dma_wait3A_359 = tpu.memref_slice %arg13[%dma_wait3A_357, %dma_wait3A_358] : memref<10016x128xf32, #tpu.memory_space<vmem_shared>> -> memref<10016x128xf32, #tpu.memory_space<vmem_shared>>
    tpu.wait_indirect_dma semaphore(%arg14 : memref<!tpu.dma_semaphore, #tpu.memory_space<semaphore_mem>>) src(%dma_wait3A_359 : memref<10016x128xf32, #tpu.memory_space<vmem_shared>>) dst(%dma_wait3A_353 : memref<128x128xf32, #tpu.memory_space<vmem>>)
    %eq3A_360 = arith.constant 0 : i32
    %eq3A_361 = arith.cmpi eq, %arg0, %eq3A_360 : i32
    %convert_element_type3A_362 = arith.extui %eq3A_361 : i1 to i32
    %cond3A_363 = arith.constant 0 : i32
    %cond3A_364 = arith.cmpi ne, %convert_element_type3A_362, %cond3A_363 : i32
    scf.if %cond3A_364 {
      %dma_start3A_505 = arith.constant 1 : i32
      %dma_start3A_506 = arith.constant 3 : i32
      %dma_start3A_507 = arith.constant 0 : i32
      %dma_start3A_508 = tpu.memref_slice %arg16[%dma_start3A_506, %dma_start3A_507] : memref<4x128xf32, #tpu.memory_space<vmem>> -> memref<1x128xf32, #tpu.memory_space<vmem>>
      %dma_start3A_509 = tpu.memref_squeeze %dma_start3A_508 : memref<1x128xf32, #tpu.memory_space<vmem>> -> memref<128xf32, #tpu.memory_space<vmem>>
      %dma_start3A_510 = arith.constant 0 : i32
      %dma_start3A_511 = tpu.memref_slice %arg9[%dma_start3A_505, %dma_start3A_510] : memref<40x128xi32, #tpu.memory_space<vmem>> -> memref<1x128xi32, #tpu.memory_space<vmem>>
      %dma_start3A_512 = tpu.memref_squeeze %dma_start3A_511 : memref<1x128xi32, #tpu.memory_space<vmem>> -> memref<128xi32, #tpu.memory_space<vmem>>
      %dma_start3A_513 = arith.constant 0 : i32
      %dma_start3A_514 = tpu.memref_slice %arg6[%dma_start3A_513] : memref<10000xf32, #tpu.memory_space<hbm>> -> memref<10000xf32, #tpu.memory_space<hbm>>
      tpu.enqueue_indirect_dma source(%dma_start3A_514 : memref<10000xf32, #tpu.memory_space<hbm>>) target(%dma_start3A_509 : memref<128xf32, #tpu.memory_space<vmem>>) offsets(%dma_start3A_512 : memref<128xi32, #tpu.memory_space<vmem>>) semaphore(%arg17 : memref<!tpu.dma_semaphore, #tpu.memory_space<semaphore_mem>>)
    } else {
    }
    %dma_wait3A_365 = arith.constant 1 : i32
    %dma_wait3A_366 = arith.constant 0 : i32
    %dma_wait3A_367 = arith.constant 0 : i32
    %dma_wait3A_368 = arith.constant 0 : i32
    %dma_wait3A_369 = tpu.memref_slice %arg11[%dma_wait3A_365, %dma_wait3A_367, %dma_wait3A_368] : memref<2x128x128xf32, #tpu.memory_space<vmem>> -> memref<1x128x128xf32, #tpu.memory_space<vmem>>
    %dma_wait3A_370 = tpu.memref_squeeze %dma_wait3A_369 : memref<1x128x128xf32, #tpu.memory_space<vmem>> -> memref<128x128xf32, #tpu.memory_space<vmem>>
    %dma_wait3A_371 = arith.constant 0 : i32
    %dma_wait3A_372 = arith.constant 0 : i32
    %dma_wait3A_373 = arith.constant 0 : i32
    %dma_wait3A_374 = tpu.memref_slice %arg7[%dma_wait3A_366, %dma_wait3A_371, %dma_wait3A_372, %dma_wait3A_373] : memref<2x2x4096x128xf32, #tpu.memory_space<hbm>> -> memref<1x2x4096x128xf32, #tpu.memory_space<hbm>>
    %dma_wait3A_375 = tpu.memref_squeeze %dma_wait3A_374 : memref<1x2x4096x128xf32, #tpu.memory_space<hbm>> -> memref<2x4096x128xf32, #tpu.memory_space<hbm>>
    %dma_wait3A_376 = arith.constant 0 : i32
    %dma_wait3A_377 = arith.constant 0 : i32
    %dma_wait3A_378 = tpu.memref_slice %dma_wait3A_375[%arg0, %dma_wait3A_376, %dma_wait3A_377] : memref<2x4096x128xf32, #tpu.memory_space<hbm>> -> memref<1x4096x128xf32, #tpu.memory_space<hbm>>
    %dma_wait3A_379 = tpu.memref_squeeze %dma_wait3A_378 : memref<1x4096x128xf32, #tpu.memory_space<hbm>> -> memref<4096x128xf32, #tpu.memory_space<hbm>>
    %dma_wait3A_380 = arith.constant 0 : i32
    %dma_wait3A_381 = arith.constant 0 : i32
    %dma_wait3A_382 = tpu.memref_slice %dma_wait3A_379[%dma_wait3A_380, %dma_wait3A_381] : memref<4096x128xf32, #tpu.memory_space<hbm>> -> memref<128x128xf32, #tpu.memory_space<hbm>>
    %dma_wait3A_383 = arith.constant 0 : i32
    %dma_wait3A_384 = arith.constant 0 : i32
    %dma_wait3A_385 = arith.constant 0 : i32
    %dma_wait3A_386 = tpu.memref_slice %arg7[%dma_wait3A_366, %dma_wait3A_383, %dma_wait3A_384, %dma_wait3A_385] : memref<2x2x4096x128xf32, #tpu.memory_space<hbm>> -> memref<1x2x4096x128xf32, #tpu.memory_space<hbm>>
    %dma_wait3A_387 = tpu.memref_squeeze %dma_wait3A_386 : memref<1x2x4096x128xf32, #tpu.memory_space<hbm>> -> memref<2x4096x128xf32, #tpu.memory_space<hbm>>
    %dma_wait3A_388 = arith.constant 0 : i32
    %dma_wait3A_389 = arith.constant 0 : i32
    %dma_wait3A_390 = tpu.memref_slice %dma_wait3A_387[%arg0, %dma_wait3A_388, %dma_wait3A_389] : memref<2x4096x128xf32, #tpu.memory_space<hbm>> -> memref<1x4096x128xf32, #tpu.memory_space<hbm>>
    %dma_wait3A_391 = tpu.memref_squeeze %dma_wait3A_390 : memref<1x4096x128xf32, #tpu.memory_space<hbm>> -> memref<4096x128xf32, #tpu.memory_space<hbm>>
    %dma_wait3A_392 = arith.constant 0 : i32
    %dma_wait3A_393 = arith.constant 0 : i32
    %dma_wait3A_394 = tpu.memref_slice %dma_wait3A_391[%dma_wait3A_392, %dma_wait3A_393] : memref<4096x128xf32, #tpu.memory_space<hbm>> -> memref<128x128xf32, #tpu.memory_space<hbm>>
    %dma_wait3A_395 = arith.constant 0 : i32
    %dma_wait3A_396 = arith.constant 0 : i32
    %dma_wait3A_397 = tpu.memref_slice %arg11[%dma_wait3A_365, %dma_wait3A_395, %dma_wait3A_396] : memref<2x128x128xf32, #tpu.memory_space<vmem>> -> memref<1x128x128xf32, #tpu.memory_space<vmem>>
    %dma_wait3A_398 = tpu.memref_squeeze %dma_wait3A_397 : memref<1x128x128xf32, #tpu.memory_space<vmem>> -> memref<128x128xf32, #tpu.memory_space<vmem>>
    tpu.wait_dma2 semaphore(%arg15 : memref<!tpu.dma_semaphore, #tpu.memory_space<semaphore_mem>>) src(%dma_wait3A_398 : memref<128x128xf32, #tpu.memory_space<vmem>>) dst(%dma_wait3A_394 : memref<128x128xf32, #tpu.memory_space<hbm>>)
    %multiple_of3A_399 = tpu.assume_multiple %add3A_326, 8 : i32
    %dma_start3A_400 = arith.constant 1 : i32
    %dma_start3A_401 = arith.constant 1 : i32
    %dma_start3A_402 = arith.constant 0 : i32
    %dma_start3A_403 = arith.constant 0 : i32
    %dma_start3A_404 = tpu.memref_slice %arg11[%dma_start3A_400, %dma_start3A_402, %dma_start3A_403] : memref<2x128x128xf32, #tpu.memory_space<vmem>> -> memref<1x128x128xf32, #tpu.memory_space<vmem>>
    %dma_start3A_405 = tpu.memref_squeeze %dma_start3A_404 : memref<1x128x128xf32, #tpu.memory_space<vmem>> -> memref<128x128xf32, #tpu.memory_space<vmem>>
    %dma_start3A_406 = arith.constant 0 : i32
    %dma_start3A_407 = arith.constant 0 : i32
    %dma_start3A_408 = arith.constant 0 : i32
    %dma_start3A_409 = tpu.memref_slice %arg7[%dma_start3A_401, %dma_start3A_406, %dma_start3A_407, %dma_start3A_408] : memref<2x2x4096x128xf32, #tpu.memory_space<hbm>> -> memref<1x2x4096x128xf32, #tpu.memory_space<hbm>>
    %dma_start3A_410 = tpu.memref_squeeze %dma_start3A_409 : memref<1x2x4096x128xf32, #tpu.memory_space<hbm>> -> memref<2x4096x128xf32, #tpu.memory_space<hbm>>
    %dma_start3A_411 = arith.constant 0 : i32
    %dma_start3A_412 = arith.constant 0 : i32
    %dma_start3A_413 = tpu.memref_slice %dma_start3A_410[%arg0, %dma_start3A_411, %dma_start3A_412] : memref<2x4096x128xf32, #tpu.memory_space<hbm>> -> memref<1x4096x128xf32, #tpu.memory_space<hbm>>
    %dma_start3A_414 = tpu.memref_squeeze %dma_start3A_413 : memref<1x4096x128xf32, #tpu.memory_space<hbm>> -> memref<4096x128xf32, #tpu.memory_space<hbm>>
    %dma_start3A_415 = arith.constant 0 : i32
    %dma_start3A_416 = tpu.memref_slice %dma_start3A_414[%multiple_of3A_399, %dma_start3A_415] : memref<4096x128xf32, #tpu.memory_space<hbm>> -> memref<128x128xf32, #tpu.memory_space<hbm>>
    %dma_start3A_417 = arith.constant 0 : i32
    %dma_start3A_418 = arith.constant 0 : i32
    %dma_start3A_419 = arith.constant 0 : i32
    %dma_start3A_420 = tpu.memref_slice %arg7[%dma_start3A_401, %dma_start3A_417, %dma_start3A_418, %dma_start3A_419] : memref<2x2x4096x128xf32, #tpu.memory_space<hbm>> -> memref<1x2x4096x128xf32, #tpu.memory_space<hbm>>
    %dma_start3A_421 = tpu.memref_squeeze %dma_start3A_420 : memref<1x2x4096x128xf32, #tpu.memory_space<hbm>> -> memref<2x4096x128xf32, #tpu.memory_space<hbm>>
    %dma_start3A_422 = arith.constant 0 : i32
    %dma_start3A_423 = arith.constant 0 : i32
    %dma_start3A_424 = tpu.memref_slice %dma_start3A_421[%arg0, %dma_start3A_422, %dma_start3A_423] : memref<2x4096x128xf32, #tpu.memory_space<hbm>> -> memref<1x4096x128xf32, #tpu.memory_space<hbm>>
    %dma_start3A_425 = tpu.memref_squeeze %dma_start3A_424 : memref<1x4096x128xf32, #tpu.memory_space<hbm>> -> memref<4096x128xf32, #tpu.memory_space<hbm>>
    %dma_start3A_426 = arith.constant 0 : i32
    %dma_start3A_427 = tpu.memref_slice %dma_start3A_425[%multiple_of3A_399, %dma_start3A_426] : memref<4096x128xf32, #tpu.memory_space<hbm>> -> memref<128x128xf32, #tpu.memory_space<hbm>>
    %dma_start3A_428 = arith.constant 0 : i32
    %dma_start3A_429 = arith.constant 0 : i32
    %dma_start3A_430 = tpu.memref_slice %arg11[%dma_start3A_400, %dma_start3A_428, %dma_start3A_429] : memref<2x128x128xf32, #tpu.memory_space<vmem>> -> memref<1x128x128xf32, #tpu.memory_space<vmem>>
    %dma_start3A_431 = tpu.memref_squeeze %dma_start3A_430 : memref<1x128x128xf32, #tpu.memory_space<vmem>> -> memref<128x128xf32, #tpu.memory_space<vmem>>
    tpu.enqueue_dma source(%dma_start3A_431 : memref<128x128xf32, #tpu.memory_space<vmem>>) target(%dma_start3A_427 : memref<128x128xf32, #tpu.memory_space<hbm>>) target_semaphore(%arg15 : memref<!tpu.dma_semaphore, #tpu.memory_space<semaphore_mem>>)
    %dma_wait3A_432 = arith.constant 0 : i32
    %dma_wait3A_433 = arith.constant 0 : i32
    %dma_wait3A_434 = arith.constant 0 : i32
    %dma_wait3A_435 = arith.constant 0 : i32
    %dma_wait3A_436 = tpu.memref_slice %arg11[%dma_wait3A_432, %dma_wait3A_434, %dma_wait3A_435] : memref<2x128x128xf32, #tpu.memory_space<vmem>> -> memref<1x128x128xf32, #tpu.memory_space<vmem>>
    %dma_wait3A_437 = tpu.memref_squeeze %dma_wait3A_436 : memref<1x128x128xf32, #tpu.memory_space<vmem>> -> memref<128x128xf32, #tpu.memory_space<vmem>>
    %dma_wait3A_438 = arith.constant 0 : i32
    %dma_wait3A_439 = arith.constant 0 : i32
    %dma_wait3A_440 = arith.constant 0 : i32
    %dma_wait3A_441 = tpu.memref_slice %arg7[%dma_wait3A_433, %dma_wait3A_438, %dma_wait3A_439, %dma_wait3A_440] : memref<2x2x4096x128xf32, #tpu.memory_space<hbm>> -> memref<1x2x4096x128xf32, #tpu.memory_space<hbm>>
    %dma_wait3A_442 = tpu.memref_squeeze %dma_wait3A_441 : memref<1x2x4096x128xf32, #tpu.memory_space<hbm>> -> memref<2x4096x128xf32, #tpu.memory_space<hbm>>
    %dma_wait3A_443 = arith.constant 0 : i32
    %dma_wait3A_444 = arith.constant 0 : i32
    %dma_wait3A_445 = tpu.memref_slice %dma_wait3A_442[%arg0, %dma_wait3A_443, %dma_wait3A_444] : memref<2x4096x128xf32, #tpu.memory_space<hbm>> -> memref<1x4096x128xf32, #tpu.memory_space<hbm>>
    %dma_wait3A_446 = tpu.memref_squeeze %dma_wait3A_445 : memref<1x4096x128xf32, #tpu.memory_space<hbm>> -> memref<4096x128xf32, #tpu.memory_space<hbm>>
    %dma_wait3A_447 = arith.constant 0 : i32
    %dma_wait3A_448 = arith.constant 0 : i32
    %dma_wait3A_449 = tpu.memref_slice %dma_wait3A_446[%dma_wait3A_447, %dma_wait3A_448] : memref<4096x128xf32, #tpu.memory_space<hbm>> -> memref<128x128xf32, #tpu.memory_space<hbm>>
    %dma_wait3A_450 = arith.constant 0 : i32
    %dma_wait3A_451 = arith.constant 0 : i32
    %dma_wait3A_452 = arith.constant 0 : i32
    %dma_wait3A_453 = tpu.memref_slice %arg7[%dma_wait3A_433, %dma_wait3A_450, %dma_wait3A_451, %dma_wait3A_452] : memref<2x2x4096x128xf32, #tpu.memory_space<hbm>> -> memref<1x2x4096x128xf32, #tpu.memory_space<hbm>>
    %dma_wait3A_454 = tpu.memref_squeeze %dma_wait3A_453 : memref<1x2x4096x128xf32, #tpu.memory_space<hbm>> -> memref<2x4096x128xf32, #tpu.memory_space<hbm>>
    %dma_wait3A_455 = arith.constant 0 : i32
    %dma_wait3A_456 = arith.constant 0 : i32
    %dma_wait3A_457 = tpu.memref_slice %dma_wait3A_454[%arg0, %dma_wait3A_455, %dma_wait3A_456] : memref<2x4096x128xf32, #tpu.memory_space<hbm>> -> memref<1x4096x128xf32, #tpu.memory_space<hbm>>
    %dma_wait3A_458 = tpu.memref_squeeze %dma_wait3A_457 : memref<1x4096x128xf32, #tpu.memory_space<hbm>> -> memref<4096x128xf32, #tpu.memory_space<hbm>>
    %dma_wait3A_459 = arith.constant 0 : i32
    %dma_wait3A_460 = arith.constant 0 : i32
    %dma_wait3A_461 = tpu.memref_slice %dma_wait3A_458[%dma_wait3A_459, %dma_wait3A_460] : memref<4096x128xf32, #tpu.memory_space<hbm>> -> memref<128x128xf32, #tpu.memory_space<hbm>>
    %dma_wait3A_462 = arith.constant 0 : i32
    %dma_wait3A_463 = arith.constant 0 : i32
    %dma_wait3A_464 = tpu.memref_slice %arg11[%dma_wait3A_432, %dma_wait3A_462, %dma_wait3A_463] : memref<2x128x128xf32, #tpu.memory_space<vmem>> -> memref<1x128x128xf32, #tpu.memory_space<vmem>>
    %dma_wait3A_465 = tpu.memref_squeeze %dma_wait3A_464 : memref<1x128x128xf32, #tpu.memory_space<vmem>> -> memref<128x128xf32, #tpu.memory_space<vmem>>
    tpu.wait_dma2 semaphore(%arg15 : memref<!tpu.dma_semaphore, #tpu.memory_space<semaphore_mem>>) src(%dma_wait3A_465 : memref<128x128xf32, #tpu.memory_space<vmem>>) dst(%dma_wait3A_461 : memref<128x128xf32, #tpu.memory_space<hbm>>)
    %dma_wait3A_466 = arith.constant 1 : i32
    %dma_wait3A_467 = arith.constant 0 : i32
    %dma_wait3A_468 = arith.constant 0 : i32
    %dma_wait3A_469 = arith.constant 0 : i32
    %dma_wait3A_470 = tpu.memref_slice %arg11[%dma_wait3A_466, %dma_wait3A_468, %dma_wait3A_469] : memref<2x128x128xf32, #tpu.memory_space<vmem>> -> memref<1x128x128xf32, #tpu.memory_space<vmem>>
    %dma_wait3A_471 = tpu.memref_squeeze %dma_wait3A_470 : memref<1x128x128xf32, #tpu.memory_space<vmem>> -> memref<128x128xf32, #tpu.memory_space<vmem>>
    %dma_wait3A_472 = arith.constant 0 : i32
    %dma_wait3A_473 = arith.constant 0 : i32
    %dma_wait3A_474 = arith.constant 0 : i32
    %dma_wait3A_475 = tpu.memref_slice %arg7[%dma_wait3A_467, %dma_wait3A_472, %dma_wait3A_473, %dma_wait3A_474] : memref<2x2x4096x128xf32, #tpu.memory_space<hbm>> -> memref<1x2x4096x128xf32, #tpu.memory_space<hbm>>
    %dma_wait3A_476 = tpu.memref_squeeze %dma_wait3A_475 : memref<1x2x4096x128xf32, #tpu.memory_space<hbm>> -> memref<2x4096x128xf32, #tpu.memory_space<hbm>>
    %dma_wait3A_477 = arith.constant 0 : i32
    %dma_wait3A_478 = arith.constant 0 : i32
    %dma_wait3A_479 = tpu.memref_slice %dma_wait3A_476[%arg0, %dma_wait3A_477, %dma_wait3A_478] : memref<2x4096x128xf32, #tpu.memory_space<hbm>> -> memref<1x4096x128xf32, #tpu.memory_space<hbm>>
    %dma_wait3A_480 = tpu.memref_squeeze %dma_wait3A_479 : memref<1x4096x128xf32, #tpu.memory_space<hbm>> -> memref<4096x128xf32, #tpu.memory_space<hbm>>
    %dma_wait3A_481 = arith.constant 0 : i32
    %dma_wait3A_482 = arith.constant 0 : i32
    %dma_wait3A_483 = tpu.memref_slice %dma_wait3A_480[%dma_wait3A_481, %dma_wait3A_482] : memref<4096x128xf32, #tpu.memory_space<hbm>> -> memref<128x128xf32, #tpu.memory_space<hbm>>
    %dma_wait3A_484 = arith.constant 0 : i32
    %dma_wait3A_485 = arith.constant 0 : i32
    %dma_wait3A_486 = arith.constant 0 : i32
    %dma_wait3A_487 = tpu.memref_slice %arg7[%dma_wait3A_467, %dma_wait3A_484, %dma_wait3A_485, %dma_wait3A_486] : memref<2x2x4096x128xf32, #tpu.memory_space<hbm>> -> memref<1x2x4096x128xf32, #tpu.memory_space<hbm>>
    %dma_wait3A_488 = tpu.memref_squeeze %dma_wait3A_487 : memref<1x2x4096x128xf32, #tpu.memory_space<hbm>> -> memref<2x4096x128xf32, #tpu.memory_space<hbm>>
    %dma_wait3A_489 = arith.constant 0 : i32
    %dma_wait3A_490 = arith.constant 0 : i32
    %dma_wait3A_491 = tpu.memref_slice %dma_wait3A_488[%arg0, %dma_wait3A_489, %dma_wait3A_490] : memref<2x4096x128xf32, #tpu.memory_space<hbm>> -> memref<1x4096x128xf32, #tpu.memory_space<hbm>>
    %dma_wait3A_492 = tpu.memref_squeeze %dma_wait3A_491 : memref<1x4096x128xf32, #tpu.memory_space<hbm>> -> memref<4096x128xf32, #tpu.memory_space<hbm>>
    %dma_wait3A_493 = arith.constant 0 : i32
    %dma_wait3A_494 = arith.constant 0 : i32
    %dma_wait3A_495 = tpu.memref_slice %dma_wait3A_492[%dma_wait3A_493, %dma_wait3A_494] : memref<4096x128xf32, #tpu.memory_space<hbm>> -> memref<128x128xf32, #tpu.memory_space<hbm>>
    %dma_wait3A_496 = arith.constant 0 : i32
    %dma_wait3A_497 = arith.constant 0 : i32
    %dma_wait3A_498 = tpu.memref_slice %arg11[%dma_wait3A_466, %dma_wait3A_496, %dma_wait3A_497] : memref<2x128x128xf32, #tpu.memory_space<vmem>> -> memref<1x128x128xf32, #tpu.memory_space<vmem>>
    %dma_wait3A_499 = tpu.memref_squeeze %dma_wait3A_498 : memref<1x128x128xf32, #tpu.memory_space<vmem>> -> memref<128x128xf32, #tpu.memory_space<vmem>>
    tpu.wait_dma2 semaphore(%arg15 : memref<!tpu.dma_semaphore, #tpu.memory_space<semaphore_mem>>) src(%dma_wait3A_499 : memref<128x128xf32, #tpu.memory_space<vmem>>) dst(%dma_wait3A_495 : memref<128x128xf32, #tpu.memory_space<hbm>>)
    %eq3A_500 = arith.constant 0 : i32
    %eq3A_501 = arith.cmpi eq, %arg0, %eq3A_500 : i32
    %convert_element_type3A_502 = arith.extui %eq3A_501 : i1 to i32
    %cond3A_503 = arith.constant 0 : i32
    %cond3A_504 = arith.cmpi ne, %convert_element_type3A_502, %cond3A_503 : i32
    scf.if %cond3A_504 {
      %dma_wait3A_505 = arith.constant 0 : i32
      %dma_wait3A_506 = arith.constant 0 : i32
      %dma_wait3A_507 = arith.constant 0 : i32
      %dma_wait3A_508 = tpu.memref_slice %arg16[%dma_wait3A_506, %dma_wait3A_507] : memref<4x128xf32, #tpu.memory_space<vmem>> -> memref<1x128xf32, #tpu.memory_space<vmem>>
      %dma_wait3A_509 = tpu.memref_squeeze %dma_wait3A_508 : memref<1x128xf32, #tpu.memory_space<vmem>> -> memref<128xf32, #tpu.memory_space<vmem>>
      %dma_wait3A_510 = arith.constant 0 : i32
      %dma_wait3A_511 = tpu.memref_slice %arg9[%dma_wait3A_505, %dma_wait3A_510] : memref<40x128xi32, #tpu.memory_space<vmem>> -> memref<1x128xi32, #tpu.memory_space<vmem>>
      %dma_wait3A_512 = tpu.memref_squeeze %dma_wait3A_511 : memref<1x128xi32, #tpu.memory_space<vmem>> -> memref<128xi32, #tpu.memory_space<vmem>>
      %dma_wait3A_513 = arith.constant 0 : i32
      %dma_wait3A_514 = tpu.memref_slice %arg6[%dma_wait3A_513] : memref<10000xf32, #tpu.memory_space<hbm>> -> memref<10000xf32, #tpu.memory_space<hbm>>
      tpu.wait_indirect_dma semaphore(%arg17 : memref<!tpu.dma_semaphore, #tpu.memory_space<semaphore_mem>>) src(%dma_wait3A_514 : memref<10000xf32, #tpu.memory_space<hbm>>) dst(%dma_wait3A_509 : memref<128xf32, #tpu.memory_space<vmem>>)
      %dma_wait3A_515 = arith.constant 0 : i32
      %dma_wait3A_516 = arith.constant 0 : i32
      %dma_wait3A_517 = arith.constant 0 : i32
      %dma_wait3A_518 = tpu.memref_slice %arg16[%dma_wait3A_516, %dma_wait3A_517] : memref<4x128xf32, #tpu.memory_space<vmem>> -> memref<1x128xf32, #tpu.memory_space<vmem>>
      %dma_wait3A_519 = tpu.memref_squeeze %dma_wait3A_518 : memref<1x128xf32, #tpu.memory_space<vmem>> -> memref<128xf32, #tpu.memory_space<vmem>>
      %dma_wait3A_520 = arith.constant 0 : i32
      %dma_wait3A_521 = tpu.memref_slice %arg9[%dma_wait3A_515, %dma_wait3A_520] : memref<40x128xi32, #tpu.memory_space<vmem>> -> memref<1x128xi32, #tpu.memory_space<vmem>>
      %dma_wait3A_522 = tpu.memref_squeeze %dma_wait3A_521 : memref<1x128xi32, #tpu.memory_space<vmem>> -> memref<128xi32, #tpu.memory_space<vmem>>
      %dma_wait3A_523 = arith.constant 0 : i32
      %dma_wait3A_524 = tpu.memref_slice %arg6[%dma_wait3A_523] : memref<10000xf32, #tpu.memory_space<hbm>> -> memref<10000xf32, #tpu.memory_space<hbm>>
      tpu.wait_indirect_dma semaphore(%arg17 : memref<!tpu.dma_semaphore, #tpu.memory_space<semaphore_mem>>) src(%dma_wait3A_524 : memref<10000xf32, #tpu.memory_space<hbm>>) dst(%dma_wait3A_519 : memref<128xf32, #tpu.memory_space<vmem>>)
      "tpu.region"() ({
        %run_scoped3A_525 = tpu.sem_alloc : memref<!tpu.dma_semaphore, #tpu.memory_space<semaphore_mem>>
        %dma_start3A_526 = arith.constant 0 : i32
        %dma_start3A_527 = arith.constant 0 : i32
        %dma_start3A_528 = tpu.memref_slice %arg8[%arg1, %dma_start3A_526, %dma_start3A_527] : memref<16x4x128xf32, #tpu.memory_space<hbm>> -> memref<1x4x128xf32, #tpu.memory_space<hbm>>
        %dma_start3A_529 = tpu.memref_squeeze %dma_start3A_528 : memref<1x4x128xf32, #tpu.memory_space<hbm>> -> memref<4x128xf32, #tpu.memory_space<hbm>>
        %dma_start3A_530 = arith.constant 0 : i32
        %dma_start3A_531 = arith.constant 0 : i32
        %dma_start3A_532 = tpu.memref_slice %arg8[%arg1, %dma_start3A_530, %dma_start3A_531] : memref<16x4x128xf32, #tpu.memory_space<hbm>> -> memref<1x4x128xf32, #tpu.memory_space<hbm>>
        %dma_start3A_533 = tpu.memref_squeeze %dma_start3A_532 : memref<1x4x128xf32, #tpu.memory_space<hbm>> -> memref<4x128xf32, #tpu.memory_space<hbm>>
        tpu.enqueue_dma source(%arg16 : memref<4x128xf32, #tpu.memory_space<vmem>>) target(%dma_start3A_533 : memref<4x128xf32, #tpu.memory_space<hbm>>) target_semaphore(%run_scoped3A_525 : memref<!tpu.dma_semaphore, #tpu.memory_space<semaphore_mem>>)
        %dma_wait3A_534 = arith.constant 0 : i32
        %dma_wait3A_535 = arith.constant 0 : i32
        %dma_wait3A_536 = tpu.memref_slice %arg8[%arg1, %dma_wait3A_534, %dma_wait3A_535] : memref<16x4x128xf32, #tpu.memory_space<hbm>> -> memref<1x4x128xf32, #tpu.memory_space<hbm>>
        %dma_wait3A_537 = tpu.memref_squeeze %dma_wait3A_536 : memref<1x4x128xf32, #tpu.memory_space<hbm>> -> memref<4x128xf32, #tpu.memory_space<hbm>>
        %dma_wait3A_538 = arith.constant 0 : i32
        %dma_wait3A_539 = arith.constant 0 : i32
        %dma_wait3A_540 = tpu.memref_slice %arg8[%arg1, %dma_wait3A_538, %dma_wait3A_539] : memref<16x4x128xf32, #tpu.memory_space<hbm>> -> memref<1x4x128xf32, #tpu.memory_space<hbm>>
        %dma_wait3A_541 = tpu.memref_squeeze %dma_wait3A_540 : memref<1x4x128xf32, #tpu.memory_space<hbm>> -> memref<4x128xf32, #tpu.memory_space<hbm>>
        tpu.wait_dma2 semaphore(%run_scoped3A_525 : memref<!tpu.dma_semaphore, #tpu.memory_space<semaphore_mem>>) src(%arg16 : memref<4x128xf32, #tpu.memory_space<vmem>>) dst(%dma_wait3A_541 : memref<4x128xf32, #tpu.memory_space<hbm>>)
        tpu.yield
      }) : () -> ()
    } else {
    }
    return
  }
}

module attributes {stable_mosaic.version = 14 : i64} {
  func.func @_tc1_body(%arg0: memref<10000x128xf32, #tpu.memory_space<vmem>>, %arg1: memref<10000x4xf32, #tpu.memory_space<vmem>>, %arg2: memref<128x128xf32, #tpu.memory_space<vmem>>, %arg3: memref<10016x128xf32, #tpu.memory_space<vmem>>, %arg4: memref<10000x2xf32, #tpu.memory_space<vmem>>) attributes {dimension_semantics = [], scalar_prefetch = 0 : i64, scratch_operands = 0 : i64, tpu.core_type = #tpu.core_type<tc>} {
    %get3A = arith.constant 0 : index
    %get3A_0 = arith.constant 0 : index
    %get3A_1 = vector.load %arg1[%get3A, %get3A_0] : memref<10000x4xf32, #tpu.memory_space<vmem>>, vector<10000x4xf32>
    %slice3A = vector.extract_strided_slice %get3A_1 {offsets = [0, 0], sizes = [10000, 1], strides = [1, 1]} : vector<10000x4xf32> to vector<10000x1xf32>
    %slice3A_2 = vector.extract_strided_slice %get3A_1 {offsets = [0, 2], sizes = [10000, 1], strides = [1, 1]} : vector<10000x4xf32> to vector<10000x1xf32>
    %add3A = arith.addf %slice3A, %slice3A_2 : vector<10000x1xf32>
    %slice3A_3 = vector.extract_strided_slice %get3A_1 {offsets = [0, 1], sizes = [10000, 1], strides = [1, 1]} : vector<10000x4xf32> to vector<10000x1xf32>
    %slice3A_4 = vector.extract_strided_slice %get3A_1 {offsets = [0, 3], sizes = [10000, 1], strides = [1, 1]} : vector<10000x4xf32> to vector<10000x1xf32>
    %add3A_5 = arith.addf %slice3A_3, %slice3A_4 : vector<10000x1xf32>
    %max3A = arith.constant 1.000000e+00 : f32
    %max3A_6 = vector.broadcast %max3A : f32 to vector<10000x1xf32>
    %max3A_7 = arith.maximumf %add3A, %max3A_6 : vector<10000x1xf32>
    %rsqrt3A = math.rsqrt %max3A_7 : vector<10000x1xf32>
    %max3A_8 = arith.constant 1.000000e+00 : f32
    %max3A_9 = vector.broadcast %max3A_8 : f32 to vector<10000x1xf32>
    %max3A_10 = arith.maximumf %add3A_5, %max3A_9 : vector<10000x1xf32>
    %rsqrt3A_11 = math.rsqrt %max3A_10 : vector<10000x1xf32>
    %get3A_12 = arith.constant 0 : index
    %get3A_13 = arith.constant 0 : index
    %get3A_14 = vector.load %arg0[%get3A_12, %get3A_13] : memref<10000x128xf32, #tpu.memory_space<vmem>>, vector<10000x128xf32>
    %mul3A = vector.broadcast %rsqrt3A : vector<10000x1xf32> to vector<10000x128xf32>
    %mul3A_15 = arith.mulf %get3A_14, %mul3A : vector<10000x128xf32>
    %get3A_16 = arith.constant 0 : index
    %get3A_17 = arith.constant 0 : index
    %get3A_18 = vector.load %arg2[%get3A_16, %get3A_17] : memref<128x128xf32, #tpu.memory_space<vmem>>, vector<128x128xf32>
    %dot_general3A = arith.constant dense<0.000000e+00> : vector<10000x128xf32>
    %dot_general3A_19 = tpu.matmul %mul3A_15, %get3A_18, %dot_general3A {dimension_numbers = #tpu.dot_dimension_numbers<[1], [0], [0], [1], [0, 0, 1, 1], [], []>, transpose_lhs_hint = false} : vector<10000x128xf32>, vector<128x128xf32>, vector<10000x128xf32> -> vector<10000x128xf32>
    %swap3A = arith.constant 0 : index
    %swap3A_20 = arith.constant 0 : index
    %swap3A_21 = vector.load %arg3[%swap3A, %swap3A_20] : memref<10016x128xf32, #tpu.memory_space<vmem>>, vector<10000x128xf32>
    tpu.vector_store %arg3[%swap3A, %swap3A_20], %dot_general3A_19 {strides = array<i32>} : memref<10016x128xf32, #tpu.memory_space<vmem>>, vector<10000x128xf32>,
    %broadcast_in_dim3A = arith.constant 0.000000e+00 : f32
    %broadcast_in_dim3A_22 = vector.broadcast %broadcast_in_dim3A : f32 to vector<16x128xf32>
    %swap3A_23 = arith.constant 10000 : index
    %swap3A_24 = arith.constant 0 : index
    %swap3A_25 = vector.load %arg3[%swap3A_23, %swap3A_24] : memref<10016x128xf32, #tpu.memory_space<vmem>>, vector<16x128xf32>
    tpu.vector_store %arg3[%swap3A_23, %swap3A_24], %broadcast_in_dim3A_22 {strides = array<i32>} : memref<10016x128xf32, #tpu.memory_space<vmem>>, vector<16x128xf32>,
    %concatenate3A = tpu.concatenate %rsqrt3A, %rsqrt3A_11 in 1 : vector<10000x1xf32>, vector<10000x1xf32> -> vector<10000x2xf32>
    %swap3A_26 = arith.constant 0 : index
    %swap3A_27 = arith.constant 0 : index
    %swap3A_28 = vector.load %arg4[%swap3A_26, %swap3A_27] : memref<10000x2xf32, #tpu.memory_space<vmem>>, vector<10000x2xf32>
    tpu.vector_store %arg4[%swap3A_26, %swap3A_27], %concatenate3A {strides = array<i32>} : memref<10000x2xf32, #tpu.memory_space<vmem>>, vector<10000x2xf32>,
    return
  }
}

module attributes {stable_mosaic.version = 14 : i64} {
  func.func @_tc2_body(%arg0: memref<2x10000x128xf32, #tpu.memory_space<vmem>>, %arg1: memref<10000x2xf32, #tpu.memory_space<vmem>>, %arg2: memref<1x128xf32, #tpu.memory_space<vmem>>, %arg3: memref<1x128xf32, #tpu.memory_space<vmem>>, %arg4: memref<1x128xf32, #tpu.memory_space<vmem>>, %arg5: memref<128x128xf32, #tpu.memory_space<vmem>>, %arg6: memref<10016x128xf32, #tpu.memory_space<vmem>>) attributes {dimension_semantics = [], scalar_prefetch = 0 : i64, scratch_operands = 0 : i64, tpu.core_type = #tpu.core_type<tc>} {
    %get3A = arith.constant 0 : index
    %get3A_0 = arith.constant 0 : index
    %get3A_1 = vector.load %arg1[%get3A, %get3A_0] : memref<10000x2xf32, #tpu.memory_space<vmem>>, vector<10000x1xf32>
    %get3A_2 = arith.constant 0 : index
    %get3A_3 = arith.constant 1 : index
    %get3A_4 = vector.load %arg1[%get3A_2, %get3A_3] : memref<10000x2xf32, #tpu.memory_space<vmem>>, vector<10000x1xf32>
    %get3A_5 = arith.constant 0 : index
    %get3A_6 = arith.constant 0 : index
    %get3A_7 = arith.constant 0 : index
    %get3A_8 = vector.load %arg0[%get3A_5, %get3A_6, %get3A_7] : memref<2x10000x128xf32, #tpu.memory_space<vmem>>, vector<1x10000x128xf32>
    %get3A_9 = vector.shape_cast %get3A_8 : vector<1x10000x128xf32> to vector<10000x128xf32>
    %get3A_10 = arith.constant 1 : index
    %get3A_11 = arith.constant 0 : index
    %get3A_12 = arith.constant 0 : index
    %get3A_13 = vector.load %arg0[%get3A_10, %get3A_11, %get3A_12] : memref<2x10000x128xf32, #tpu.memory_space<vmem>>, vector<1x10000x128xf32>
    %get3A_14 = vector.shape_cast %get3A_13 : vector<1x10000x128xf32> to vector<10000x128xf32>
    %add3A = arith.addf %get3A_9, %get3A_14 : vector<10000x128xf32>
    %mul3A = vector.broadcast %get3A_4 : vector<10000x1xf32> to vector<10000x128xf32>
    %mul3A_15 = arith.mulf %add3A, %mul3A : vector<10000x128xf32>
    %get3A_16 = arith.constant 0 : index
    %get3A_17 = arith.constant 0 : index
    %get3A_18 = vector.load %arg2[%get3A_16, %get3A_17] : memref<1x128xf32, #tpu.memory_space<vmem>>, vector<1x128xf32>
    %add3A_19 = vector.broadcast %get3A_18 : vector<1x128xf32> to vector<10000x128xf32>
    %add3A_20 = arith.addf %mul3A_15, %add3A_19 : vector<10000x128xf32>
    %get3A_21 = arith.constant 0 : index
    %get3A_22 = arith.constant 0 : index
    %get3A_23 = vector.load %arg3[%get3A_21, %get3A_22] : memref<1x128xf32, #tpu.memory_space<vmem>>, vector<1x128xf32>
    %get3A_24 = arith.constant 0 : index
    %get3A_25 = arith.constant 0 : index
    %get3A_26 = vector.load %arg4[%get3A_24, %get3A_25] : memref<1x128xf32, #tpu.memory_space<vmem>>, vector<1x128xf32>
    %reduce_sum3A = arith.constant dense<0.000000e+00> : vector<128xf32>
    %reduce_sum3A_27 = vector.multi_reduction <add>, %add3A_20, %reduce_sum3A [0] : vector<10000x128xf32> to vector<128xf32>
    %broadcast_in_dim3A = vector.shape_cast %reduce_sum3A_27 : vector<128xf32> to vector<1x128xf32>
    %div3A = arith.constant 1.000000e+04 : f32
    %div3A_28 = vector.broadcast %div3A : f32 to vector<1x128xf32>
    %div3A_29 = arith.divf %broadcast_in_dim3A, %div3A_28 : vector<1x128xf32>
    %sub3A = vector.broadcast %div3A_29 : vector<1x128xf32> to vector<10000x128xf32>
    %sub3A_30 = arith.subf %add3A_20, %sub3A : vector<10000x128xf32>
    %integer_pow3A = arith.mulf %sub3A_30, %sub3A_30 : vector<10000x128xf32>
    %reduce_sum3A_31 = arith.constant dense<0.000000e+00> : vector<128xf32>
    %reduce_sum3A_32 = vector.multi_reduction <add>, %integer_pow3A, %reduce_sum3A_31 [0] : vector<10000x128xf32> to vector<128xf32>
    %broadcast_in_dim3A_33 = vector.shape_cast %reduce_sum3A_32 : vector<128xf32> to vector<1x128xf32>
    %div3A_34 = arith.constant 1.000000e+04 : f32
    %div3A_35 = vector.broadcast %div3A_34 : f32 to vector<1x128xf32>
    %div3A_36 = arith.divf %broadcast_in_dim3A_33, %div3A_35 : vector<1x128xf32>
    %sub3A_37 = vector.broadcast %div3A_29 : vector<1x128xf32> to vector<10000x128xf32>
    %sub3A_38 = arith.subf %add3A_20, %sub3A_37 : vector<10000x128xf32>
    %mul3A_39 = vector.broadcast %get3A_23 : vector<1x128xf32> to vector<10000x128xf32>
    %mul3A_40 = arith.mulf %mul3A_39, %sub3A_38 : vector<10000x128xf32>
    %add3A_41 = arith.constant 9.99999974E-6 : f32
    %add3A_42 = vector.broadcast %add3A_41 : f32 to vector<1x128xf32>
    %add3A_43 = arith.addf %div3A_36, %add3A_42 : vector<1x128xf32>
    %sqrt3A = math.sqrt %add3A_43 : vector<1x128xf32>
    %div3A_44 = vector.broadcast %sqrt3A : vector<1x128xf32> to vector<10000x128xf32>
    %div3A_45 = arith.divf %mul3A_40, %div3A_44 : vector<10000x128xf32>
    %add3A_46 = vector.broadcast %get3A_26 : vector<1x128xf32> to vector<10000x128xf32>
    %add3A_47 = arith.addf %div3A_45, %add3A_46 : vector<10000x128xf32>
    %gt3A = arith.constant 0.000000e+00 : f32
    %gt3A_48 = vector.broadcast %gt3A : f32 to vector<10000x128xf32>
    %gt3A_49 = arith.cmpf ogt, %add3A_47, %gt3A_48 : vector<10000x128xf32>
    %mul3A_50 = arith.constant 0.00999999977 : f32
    %mul3A_51 = vector.broadcast %mul3A_50 : f32 to vector<10000x128xf32>
    %mul3A_52 = arith.mulf %mul3A_51, %add3A_47 : vector<10000x128xf32>
    %select_n3A = arith.select %gt3A_49, %add3A_47, %mul3A_52 : vector<10000x128xi1>, vector<10000x128xf32>
    %mul3A_53 = vector.broadcast %get3A_1 : vector<10000x1xf32> to vector<10000x128xf32>
    %mul3A_54 = arith.mulf %select_n3A, %mul3A_53 : vector<10000x128xf32>
    %get3A_55 = arith.constant 0 : index
    %get3A_56 = arith.constant 0 : index
    %get3A_57 = vector.load %arg5[%get3A_55, %get3A_56] : memref<128x128xf32, #tpu.memory_space<vmem>>, vector<128x128xf32>
    %dot_general3A = arith.constant dense<0.000000e+00> : vector<10000x128xf32>
    %dot_general3A_58 = tpu.matmul %mul3A_54, %get3A_57, %dot_general3A {dimension_numbers = #tpu.dot_dimension_numbers<[1], [0], [0], [1], [0, 0, 1, 1], [], []>, transpose_lhs_hint = false} : vector<10000x128xf32>, vector<128x128xf32>, vector<10000x128xf32> -> vector<10000x128xf32>
    %swap3A = arith.constant 0 : index
    %swap3A_59 = arith.constant 0 : index
    %swap3A_60 = vector.load %arg6[%swap3A, %swap3A_59] : memref<10016x128xf32, #tpu.memory_space<vmem>>, vector<10000x128xf32>
    tpu.vector_store %arg6[%swap3A, %swap3A_59], %dot_general3A_58 {strides = array<i32>} : memref<10016x128xf32, #tpu.memory_space<vmem>>, vector<10000x128xf32>,
    %broadcast_in_dim3A_61 = arith.constant 0.000000e+00 : f32
    %broadcast_in_dim3A_62 = vector.broadcast %broadcast_in_dim3A_61 : f32 to vector<16x128xf32>
    %swap3A_63 = arith.constant 10000 : index
    %swap3A_64 = arith.constant 0 : index
    %swap3A_65 = vector.load %arg6[%swap3A_63, %swap3A_64] : memref<10016x128xf32, #tpu.memory_space<vmem>>, vector<16x128xf32>
    tpu.vector_store %arg6[%swap3A_63, %swap3A_64], %broadcast_in_dim3A_62 {strides = array<i32>} : memref<10016x128xf32, #tpu.memory_space<vmem>>, vector<16x128xf32>,
    return
  }
}

module attributes {stable_mosaic.version = 14 : i64} {
  func.func @_tc4_body(%arg0: memref<2x2x4096x128xf32, #tpu.memory_space<vmem>>, %arg1: memref<2x4096xf32, #tpu.memory_space<vmem>>, %arg2: memref<1x128xf32, #tpu.memory_space<vmem>>, %arg3: memref<128x64xf32, #tpu.memory_space<vmem>>, %arg4: memref<1x64xf32, #tpu.memory_space<vmem>>, %arg5: memref<1x64xf32, #tpu.memory_space<vmem>>, %arg6: memref<1x64xf32, #tpu.memory_space<vmem>>, %arg7: memref<64x64xf32, #tpu.memory_space<vmem>>, %arg8: memref<1x64xf32, #tpu.memory_space<vmem>>, %arg9: memref<64x1xf32, #tpu.memory_space<vmem>>, %arg10: memref<1x1xf32, #tpu.memory_space<vmem>>, %arg11: memref<4096x1xf32, #tpu.memory_space<vmem>>) attributes {dimension_semantics = [], scalar_prefetch = 0 : i64, scratch_operands = 0 : i64, tpu.core_type = #tpu.core_type<tc>} {
    %get3A = arith.constant 0 : index
    %get3A_0 = arith.constant 0 : index
    %get3A_1 = arith.constant 0 : index
    %get3A_2 = arith.constant 0 : index
    %get3A_3 = vector.load %arg0[%get3A, %get3A_0, %get3A_1, %get3A_2] : memref<2x2x4096x128xf32, #tpu.memory_space<vmem>>, vector<1x1x4096x128xf32>
    %get3A_4 = vector.shape_cast %get3A_3 : vector<1x1x4096x128xf32> to vector<4096x128xf32>
    %get3A_5 = arith.constant 0 : index
    %get3A_6 = arith.constant 1 : index
    %get3A_7 = arith.constant 0 : index
    %get3A_8 = arith.constant 0 : index
    %get3A_9 = vector.load %arg0[%get3A_5, %get3A_6, %get3A_7, %get3A_8] : memref<2x2x4096x128xf32, #tpu.memory_space<vmem>>, vector<1x1x4096x128xf32>
    %get3A_10 = vector.shape_cast %get3A_9 : vector<1x1x4096x128xf32> to vector<4096x128xf32>
    %add3A = arith.addf %get3A_4, %get3A_10 : vector<4096x128xf32>
    %get3A_11 = arith.constant 0 : index
    %get3A_12 = arith.constant 0 : index
    %get3A_13 = vector.load %arg1[%get3A_11, %get3A_12] : memref<2x4096xf32, #tpu.memory_space<vmem>>, vector<1x4096xf32>
    %get3A_14 = vector.shape_cast %get3A_13 : vector<1x4096xf32> to vector<4096xf32>
    %broadcast_in_dim3A = vector.shape_cast %get3A_14 : vector<4096xf32> to vector<4096x1xf32>
    %mul3A = vector.broadcast %broadcast_in_dim3A : vector<4096x1xf32> to vector<4096x128xf32>
    %mul3A_15 = arith.mulf %add3A, %mul3A : vector<4096x128xf32>
    %get3A_16 = arith.constant 0 : index
    %get3A_17 = arith.constant 0 : index
    %get3A_18 = vector.load %arg2[%get3A_16, %get3A_17] : memref<1x128xf32, #tpu.memory_space<vmem>>, vector<1x128xf32>
    %add3A_19 = vector.broadcast %get3A_18 : vector<1x128xf32> to vector<4096x128xf32>
    %add3A_20 = arith.addf %mul3A_15, %add3A_19 : vector<4096x128xf32>
    %max3A = arith.constant 0.000000e+00 : f32
    %max3A_21 = vector.broadcast %max3A : f32 to vector<4096x128xf32>
    %max3A_22 = arith.maximumf %add3A_20, %max3A_21 : vector<4096x128xf32>
    %get3A_23 = arith.constant 1 : index
    %get3A_24 = arith.constant 0 : index
    %get3A_25 = arith.constant 0 : index
    %get3A_26 = arith.constant 0 : index
    %get3A_27 = vector.load %arg0[%get3A_23, %get3A_24, %get3A_25, %get3A_26] : memref<2x2x4096x128xf32, #tpu.memory_space<vmem>>, vector<1x1x4096x128xf32>
    %get3A_28 = vector.shape_cast %get3A_27 : vector<1x1x4096x128xf32> to vector<4096x128xf32>
    %get3A_29 = arith.constant 1 : index
    %get3A_30 = arith.constant 1 : index
    %get3A_31 = arith.constant 0 : index
    %get3A_32 = arith.constant 0 : index
    %get3A_33 = vector.load %arg0[%get3A_29, %get3A_30, %get3A_31, %get3A_32] : memref<2x2x4096x128xf32, #tpu.memory_space<vmem>>, vector<1x1x4096x128xf32>
    %get3A_34 = vector.shape_cast %get3A_33 : vector<1x1x4096x128xf32> to vector<4096x128xf32>
    %add3A_35 = arith.addf %get3A_28, %get3A_34 : vector<4096x128xf32>
    %get3A_36 = arith.constant 1 : index
    %get3A_37 = arith.constant 0 : index
    %get3A_38 = vector.load %arg1[%get3A_36, %get3A_37] : memref<2x4096xf32, #tpu.memory_space<vmem>>, vector<1x4096xf32>
    %get3A_39 = vector.shape_cast %get3A_38 : vector<1x4096xf32> to vector<4096xf32>
    %broadcast_in_dim3A_40 = vector.shape_cast %get3A_39 : vector<4096xf32> to vector<4096x1xf32>
    %mul3A_41 = vector.broadcast %broadcast_in_dim3A_40 : vector<4096x1xf32> to vector<4096x128xf32>
    %mul3A_42 = arith.mulf %add3A_35, %mul3A_41 : vector<4096x128xf32>
    %get3A_43 = arith.constant 0 : index
    %get3A_44 = arith.constant 0 : index
    %get3A_45 = vector.load %arg2[%get3A_43, %get3A_44] : memref<1x128xf32, #tpu.memory_space<vmem>>, vector<1x128xf32>
    %add3A_46 = vector.broadcast %get3A_45 : vector<1x128xf32> to vector<4096x128xf32>
    %add3A_47 = arith.addf %mul3A_42, %add3A_46 : vector<4096x128xf32>
    %max3A_48 = arith.constant 0.000000e+00 : f32
    %max3A_49 = vector.broadcast %max3A_48 : f32 to vector<4096x128xf32>
    %max3A_50 = arith.maximumf %add3A_47, %max3A_49 : vector<4096x128xf32>
    %sub3A = arith.subf %max3A_22, %max3A_50 : vector<4096x128xf32>
    %get3A_51 = arith.constant 0 : index
    %get3A_52 = arith.constant 0 : index
    %get3A_53 = vector.load %arg3[%get3A_51, %get3A_52] : memref<128x64xf32, #tpu.memory_space<vmem>>, vector<128x64xf32>
    %dot_general3A = arith.constant dense<0.000000e+00> : vector<4096x64xf32>
    %dot_general3A_54 = tpu.matmul %sub3A, %get3A_53, %dot_general3A {dimension_numbers = #tpu.dot_dimension_numbers<[1], [0], [0], [1], [0, 0, 1, 1], [], []>, transpose_lhs_hint = false} : vector<4096x128xf32>, vector<128x64xf32>, vector<4096x64xf32> -> vector<4096x64xf32>
    %get3A_55 = arith.constant 0 : index
    %get3A_56 = arith.constant 0 : index
    %get3A_57 = vector.load %arg4[%get3A_55, %get3A_56] : memref<1x64xf32, #tpu.memory_space<vmem>>, vector<1x64xf32>
    %add3A_58 = vector.broadcast %get3A_57 : vector<1x64xf32> to vector<4096x64xf32>
    %add3A_59 = arith.addf %dot_general3A_54, %add3A_58 : vector<4096x64xf32>
    %get3A_60 = arith.constant 0 : index
    %get3A_61 = arith.constant 0 : index
    %get3A_62 = vector.load %arg5[%get3A_60, %get3A_61] : memref<1x64xf32, #tpu.memory_space<vmem>>, vector<1x64xf32>
    %get3A_63 = arith.constant 0 : index
    %get3A_64 = arith.constant 0 : index
    %get3A_65 = vector.load %arg6[%get3A_63, %get3A_64] : memref<1x64xf32, #tpu.memory_space<vmem>>, vector<1x64xf32>
    %reduce_sum3A = arith.constant dense<0.000000e+00> : vector<64xf32>
    %reduce_sum3A_66 = vector.multi_reduction <add>, %add3A_59, %reduce_sum3A [0] : vector<4096x64xf32> to vector<64xf32>
    %broadcast_in_dim3A_67 = vector.shape_cast %reduce_sum3A_66 : vector<64xf32> to vector<1x64xf32>
    %div3A = arith.constant 4.096000e+03 : f32
    %div3A_68 = vector.broadcast %div3A : f32 to vector<1x64xf32>
    %div3A_69 = arith.divf %broadcast_in_dim3A_67, %div3A_68 : vector<1x64xf32>
    %sub3A_70 = vector.broadcast %div3A_69 : vector<1x64xf32> to vector<4096x64xf32>
    %sub3A_71 = arith.subf %add3A_59, %sub3A_70 : vector<4096x64xf32>
    %integer_pow3A = arith.mulf %sub3A_71, %sub3A_71 : vector<4096x64xf32>
    %reduce_sum3A_72 = arith.constant dense<0.000000e+00> : vector<64xf32>
    %reduce_sum3A_73 = vector.multi_reduction <add>, %integer_pow3A, %reduce_sum3A_72 [0] : vector<4096x64xf32> to vector<64xf32>
    %broadcast_in_dim3A_74 = vector.shape_cast %reduce_sum3A_73 : vector<64xf32> to vector<1x64xf32>
    %div3A_75 = arith.constant 4.096000e+03 : f32
    %div3A_76 = vector.broadcast %div3A_75 : f32 to vector<1x64xf32>
    %div3A_77 = arith.divf %broadcast_in_dim3A_74, %div3A_76 : vector<1x64xf32>
    %sub3A_78 = vector.broadcast %div3A_69 : vector<1x64xf32> to vector<4096x64xf32>
    %sub3A_79 = arith.subf %add3A_59, %sub3A_78 : vector<4096x64xf32>
    %mul3A_80 = vector.broadcast %get3A_62 : vector<1x64xf32> to vector<4096x64xf32>
    %mul3A_81 = arith.mulf %mul3A_80, %sub3A_79 : vector<4096x64xf32>
    %add3A_82 = arith.constant 9.99999974E-6 : f32
    %add3A_83 = vector.broadcast %add3A_82 : f32 to vector<1x64xf32>
    %add3A_84 = arith.addf %div3A_77, %add3A_83 : vector<1x64xf32>
    %sqrt3A = math.sqrt %add3A_84 : vector<1x64xf32>
    %div3A_85 = vector.broadcast %sqrt3A : vector<1x64xf32> to vector<4096x64xf32>
    %div3A_86 = arith.divf %mul3A_81, %div3A_85 : vector<4096x64xf32>
    %add3A_87 = vector.broadcast %get3A_65 : vector<1x64xf32> to vector<4096x64xf32>
    %add3A_88 = arith.addf %div3A_86, %add3A_87 : vector<4096x64xf32>
    %gt3A = arith.constant 0.000000e+00 : f32
    %gt3A_89 = vector.broadcast %gt3A : f32 to vector<4096x64xf32>
    %gt3A_90 = arith.cmpf ogt, %add3A_88, %gt3A_89 : vector<4096x64xf32>
    %mul3A_91 = arith.constant 0.00999999977 : f32
    %mul3A_92 = vector.broadcast %mul3A_91 : f32 to vector<4096x64xf32>
    %mul3A_93 = arith.mulf %mul3A_92, %add3A_88 : vector<4096x64xf32>
    %select_n3A = arith.select %gt3A_90, %add3A_88, %mul3A_93 : vector<4096x64xi1>, vector<4096x64xf32>
    %get3A_94 = arith.constant 0 : index
    %get3A_95 = arith.constant 0 : index
    %get3A_96 = vector.load %arg7[%get3A_94, %get3A_95] : memref<64x64xf32, #tpu.memory_space<vmem>>, vector<64x64xf32>
    %dot_general3A_97 = arith.constant dense<0.000000e+00> : vector<4096x64xf32>
    %dot_general3A_98 = tpu.matmul %select_n3A, %get3A_96, %dot_general3A_97 {dimension_numbers = #tpu.dot_dimension_numbers<[1], [0], [0], [1], [0, 0, 1, 1], [], []>, transpose_lhs_hint = false} : vector<4096x64xf32>, vector<64x64xf32>, vector<4096x64xf32> -> vector<4096x64xf32>
    %get3A_99 = arith.constant 0 : index
    %get3A_100 = arith.constant 0 : index
    %get3A_101 = vector.load %arg8[%get3A_99, %get3A_100] : memref<1x64xf32, #tpu.memory_space<vmem>>, vector<1x64xf32>
    %add3A_102 = vector.broadcast %get3A_101 : vector<1x64xf32> to vector<4096x64xf32>
    %add3A_103 = arith.addf %dot_general3A_98, %add3A_102 : vector<4096x64xf32>
    %gt3A_104 = arith.constant 0.000000e+00 : f32
    %gt3A_105 = vector.broadcast %gt3A_104 : f32 to vector<4096x64xf32>
    %gt3A_106 = arith.cmpf ogt, %add3A_103, %gt3A_105 : vector<4096x64xf32>
    %mul3A_107 = arith.constant 0.00999999977 : f32
    %mul3A_108 = vector.broadcast %mul3A_107 : f32 to vector<4096x64xf32>
    %mul3A_109 = arith.mulf %mul3A_108, %add3A_103 : vector<4096x64xf32>
    %select_n3A_110 = arith.select %gt3A_106, %add3A_103, %mul3A_109 : vector<4096x64xi1>, vector<4096x64xf32>
    %get3A_111 = arith.constant 0 : index
    %get3A_112 = arith.constant 0 : index
    %get3A_113 = vector.load %arg9[%get3A_111, %get3A_112] : memref<64x1xf32, #tpu.memory_space<vmem>>, vector<64x1xf32>
    %dot_general3A_114 = arith.constant dense<0.000000e+00> : vector<4096x1xf32>
    %dot_general3A_115 = tpu.matmul %select_n3A_110, %get3A_113, %dot_general3A_114 {dimension_numbers = #tpu.dot_dimension_numbers<[1], [0], [0], [1], [0, 0, 1, 1], [], []>, transpose_lhs_hint = false} : vector<4096x64xf32>, vector<64x1xf32>, vector<4096x1xf32> -> vector<4096x1xf32>
    %get3A_116 = arith.constant 0 : index
    %get3A_117 = arith.constant 0 : index
    %get3A_118 = vector.load %arg10[%get3A_116, %get3A_117] : memref<1x1xf32, #tpu.memory_space<vmem>>, vector<1x1xf32>
    %add3A_119 = vector.broadcast %get3A_118 : vector<1x1xf32> to vector<4096x1xf32>
    %add3A_120 = arith.addf %dot_general3A_115, %add3A_119 : vector<4096x1xf32>
    %swap3A = arith.constant 0 : index
    %swap3A_121 = arith.constant 0 : index
    %swap3A_122 = vector.load %arg11[%swap3A, %swap3A_121] : memref<4096x1xf32, #tpu.memory_space<vmem>>, vector<4096x1xf32>
    tpu.vector_store %arg11[%swap3A, %swap3A_121], %add3A_120 {strides = array<i32>} : memref<4096x1xf32, #tpu.memory_space<vmem>>, vector<4096x1xf32>,
    return
  }
}

</mosaic_0001>

<sc_bundles>
// kernel: kernel.11.cloned.1.call-start
scs
__scs_entry_jumppad:
0x0: {  	(pc) =	sbr.rel $0x88, $3  }
0x1: {  	(tag) =	ssettag $0x0;
	lr =	simm.s32 $0x1  }
0x2: {  	[smem:$0x3F90] =	sst lr;
	_ =	strace $0xD0000000  }
0x3: {  	_ = 	snop  }
0x4: {  	_ = 	snop  }
0x5: {  	_ = 	snop  }
0x6: {  	_ = 	snop  }
0x7: {  	_ = 	snop  }
__scs_overlays_trampoline_lowered:
0x8: {  	[smem:$0x3F9F] =	sst s0  }
0x9: {  	[smem:$0x3FA0] =	sst s1  }
0xa: {  	[smem:$0x3FA1] =	sst s2  }
0xb: {  	[smem:$0x3FA2] =	sst s3  }
0xc: {  	[smem:$0x3FA3] =	sst s4  }
0xd: {  	[smem:$0x3FA4] =	sst s5  }
0xe: {  	[smem:$0x3FA5] =	sst s6  }
0xf: {  	[smem:$0x3FA6] =	sst s7  }
0x10: {  	[smem:$0x3FA7] =	sst s8  }
0x11: {  	[smem:$0x3FA8] =	sst s9;
	s0 =	simm.s32 @!p0 $0x0  }
0x12: {  	s1 =	sld [smem:$0x3F8E];
	s0 =	simm.s32 @p0 $0x1  }
0x13: {  	[smem:$0x3FA9] =	sst s0;
	s0 =	simm.s32 @!p1 $0x0  }
0x14: {  	s2 =	sld [smem:$0x3F8D];
	s0 =	simm.s32 @p1 $0x1  }
0x15: {  	[smem:$0x3FAA] =	sst s0;
	s0 =	simm.s32 @!p2 $0x0  }
0x16: {  	s3 =	sld [smem:$0x3FDB];
	s0 =	simm.s32 @p2 $0x1  }
0x17: {  	s4 =	simm.s32 $0x1BF5;
	[smem:$0x3FAC] =	sst s0  }
0x18: {  	s0 =	sld [smem:$0x3F8F];
	_ =	swait.ge [sflag:s4], $0x0  }
0x19: {  	s7 =	sld [smem:$0x3F90]  }
0x1a: {  	s8 =	sadd.s32 $0xFFFFE003, lr  }
0x1b: {  	s9 =	sadd.s32 $0xFFFFFEF7, lr;
	s5 =	simm.s32 $0xFFFFFFFF;
	p2 =	slt.u32 s8, $0xFFFFF086  }
0x1c: {  	p1 =	slt.u32 s9, $0xF7A;
	s5 =	simm.s32 @!p2 $0x0  }
0x1d: {  	s5 =	simm.s32 @p1 $0x1;
	p0 =	seq.s32 s7, s2  }
0x1e: {  	s7 =	smul.u32 @!p0 $0xF7A, s2;
	p2 =	seq.s32 @!p0 s5, $0x0  }
0x1f: {  	s9 =	smul.u32 $0xF7A, s1;
	s8 =	simm.s32 @!p0 $0x1BF5;
	p2 =	por !p2, p0  }
0x20: {  	[sflag:s8] =	ssyncset.s32 @!p0 $0xFFFFF086;
	s6 =	sadd.s32 @!p0 s3, s7;
	s7 =	simm.s32 @!p0 $0x108  }
0x21: {  	s3 =	sadd.s32 s3, s9;
	s6 =	sadd.s32 @!p0 $0x88, s6;
	s7 =	simm.s32 @p2 $0x1082  }
0x22: {  	[simem:s7], [sflag:s8] =	dma.local @!p0 [hbm:s6], $0xF7A  }
0x23: {  	s9 =	sor.u32 $0xD0000000, s2;
	s6 =	simm.s32 $0x108;
	_ =	swait.ge @!p0 [sflag:s8], $0x0  }
0x24: {  	s3 =	sadd.s32 $0x88, s3;
	s6 =	simm.s32 @!p1 $0x1082;
	[sflag:s4] =	ssyncset.s32 $0xFFFFF086  }
0x25: {  	[simem:s6], [sflag:s4] =	dma.local [hbm:s3], $0xF7A  }
0x26: {  	[smem:$0x3F90] =	sst s1;
	(tag) =	ssettag s2;
	_ =	strace s9  }
0x27: {  	s1 =	sld [smem:$0x3FA0]  }
0x28: {  	s2 =	sld [smem:$0x3FA1]  }
0x29: {  	s4 =	sld [smem:$0x3FA3]  }
0x2a: {  	p0 =	seq.s32 s5, $0x0;
	s5 =	sld [smem:$0x3FA4]  }
0x2b: {  	s6 =	sld [smem:$0x3FA5]  }
0x2c: {  	s7 =	sld [smem:$0x3FA6]  }
0x2d: {  	s3 =	simm.s32 $0x108;
	s8 =	sld [smem:$0x3FA7]  }
0x2e: {  	s3 =	simm.s32 @!p0 $0x1082;
	s9 =	sld [smem:$0x3FA8]  }
0x2f: {  	lr =	sadd.s32 s0, s3;
	s0 =	sld [smem:$0x3F9F]  }
0x30: {  	s3 =	sld [smem:$0x3FA2]  }
0x31: {  	[smem:$0x3FAB] =	sst s10  }
0x32: {  	s10 =	sld [smem:$0x3FA9];
	_ =	sdelay $0x3  }
0x33: {  	p0 =	seq.s32 s10, $0x1;
	s10 =	sld [smem:$0x3FAB];
	_ =	sdelay $0x3  }
0x34: {  	[smem:$0x3FAB] =	sst s10  }
0x35: {  	s10 =	sld [smem:$0x3FAA];
	_ =	sdelay $0x3  }
0x36: {  	p1 =	seq.s32 s10, $0x1;
	s10 =	sld [smem:$0x3FAB];
	_ =	sdelay $0x3  }
0x37: {  	[smem:$0x3FAB] =	sst s10  }
0x38: {  	s10 =	sld [smem:$0x3FAC]  }
0x39: {  	_ = 	snop;
	(pc) =	sbr.ind lr, $3  }
0x3a: {  	_ = 	snop  }
0x3b: {  	_ = 	snop  }
0x3c: {  	p2 =	seq.s32 s10, $0x1;
	s10 =	sld [smem:$0x3FAB]  }
0x3d: {  	_ =	shalt  }
0x3e: {  	_ =	shalt  }
0x3f: {  	_ =	shalt  }
0x40: {  	_ =	shalt  }
0x41: {  	_ =	shalt  }
0x42: {  	_ =	shalt  }
0x43: {  	_ =	shalt  }
0x44: {  	_ =	shalt  }
0x45: {  	_ =	shalt  }
0x46: {  	_ =	shalt  }
0x47: {  	_ =	shalt  }
0x48: {  	_ =	shalt  }
0x49: {  	_ =	shalt  }
0x4a: {  	_ =	shalt  }
0x4b: {  	_ =	shalt  }
0x4c: {  	_ =	shalt  }
0x4d: {  	_ =	shalt  }
0x4e: {  	_ =	shalt  }
0x4f: {  	_ =	shalt  }
0x50: {  	_ =	shalt  }
0x51: {  	_ =	shalt  }
0x52: {  	_ =	shalt  }
0x53: {  	_ =	shalt  }
0x54: {  	_ =	shalt  }
0x55: {  	_ =	shalt  }
0x56: {  	_ =	shalt  }
0x57: {  	_ =	shalt  }
0x58: {  	_ =	shalt  }
0x59: {  	_ =	shalt  }
0x5a: {  	_ =	shalt  }
0x5b: {  	_ =	shalt  }
0x5c: {  	_ =	shalt  }
0x5d: {  	_ =	shalt  }
0x5e: {  	_ =	shalt  }
0x5f: {  	_ =	shalt  }
0x60: {  	_ =	shalt  }
0x61: {  	_ =	shalt  }
0x62: {  	_ =	shalt  }
0x63: {  	_ =	shalt  }
0x64: {  	_ =	shalt  }
0x65: {  	_ =	shalt  }
0x66: {  	_ =	shalt  }
0x67: {  	_ =	shalt  }
0x68: {  	_ =	shalt  }
0x69: {  	_ =	shalt  }
0x6a: {  	_ =	shalt  }
0x6b: {  	_ =	shalt  }
0x6c: {  	_ =	shalt  }
0x6d: {  	_ =	shalt  }
0x6e: {  	_ =	shalt  }
0x6f: {  	_ =	shalt  }
0x70: {  	_ =	shalt  }
0x71: {  	_ =	shalt  }
0x72: {  	_ =	shalt  }
0x73: {  	_ =	shalt  }
0x74: {  	_ =	shalt  }
0x75: {  	_ =	shalt  }
0x76: {  	_ =	shalt  }
0x77: {  	_ =	shalt  }
0x78: {  	_ =	shalt  }
0x79: {  	_ =	shalt  }
0x7a: {  	_ =	shalt  }
0x7b: {  	_ =	shalt  }
0x7c: {  	_ =	shalt  }
0x7d: {  	_ =	shalt  }
0x7e: {  	_ =	shalt  }
0x7f: {  	_ =	shalt  }
0x80: {  	_ =	shalt  }
0x81: {  	_ =	shalt  }
0x82: {  	_ =	shalt  }
0x83: {  	_ =	shalt  }
0x84: {  	_ =	shalt  }
0x85: {  	_ =	shalt  }
0x86: {  	_ =	shalt  }
0x87: {  	_ =	shalt  }
.Lfunc_end0:
.L_simem_size_0:
called_computation.1_lowered:
.L_overlay_start_0:
0x88: {  	s2 =	sld [smem:$0x3FD9]  }
0x89: {  	s3 =	sld [smem:$0x3FFE];
	_ =	sdelay $0x1  }
0x8a: {  	s1 =	srdreg.scid  }
0x8b: {  	s0 =	sand.u32 $0x1, s1  }
0x8c: {  	s16 =	sshll.u32 s0, $0xA;
	s2 =	sadd.s32 s3, s2  }
0x8d: {  	s2 =	sadd.s32 s2, s16  }
0x8e: {  	[smem:$0x3FB7] =	sst s2  }
0x8f: {  	_ = 	snop  }
0x90: {  	(tm) =	ssettm $0x1  }
0x91: {  	s17 =	sld [smem:$0x3FFB];
	_ =	sdelay $0x3  }
0x92: {  	_ =	strace s17  }
0x93: {  	s2 =	sld [smem:$0x3FFC];
	_ =	sdelay $0x3  }
0x94: {  	_ =	strace s2  }
0x95: {  	s2 =	sld [smem:$0x3FFD];
	_ =	sdelay $0x3  }
0x96: {  	_ =	strace s2  }
0x97: {  	_ =	strace $0x8FFFFFFF  }
0x98: {  	s18 =	sld [smem:$0x3FDB];
	_ =	sdelay $0x1  }
0x99: {  	s19 =	simm.s32 $_scs_section_size  }
0x9a: {  	s4 =	simm.s32 $_size__tile_overlayer_lowered;
	s5 =	simm.s32 $_tile_overlayer_lowered  }
0x9b: {  	s22 =	simm.s32 $0x1BFF;
	s21 =	sshll.u32 s5, $0x1;
	s2 =	sadd.s32 s19, s18  }
0x9c: {  	s6 =	simm.s32 $0x0;
	s20 =	sshll.u32 s4, $0x1;
	s4 =	sadd.s32 s21, s2  }
0x9d: {  	[timem:s6], [sflag:s22] =	dma.local [hbm:s4], s20  }
0x9e: {  	_ =	swait.ge [sflag:s22], s20  }
0x9f: {  	s3 =	ssub.s32 $0x0, s20;
	[sflag:s22] =	ssyncset.done $0x0  }
0xa0: {  	[sflag:s22] =	ssyncadd.s32 s3;
	_ =	sdelay $0x1  }
0xa1: {  	s23 =	simm.s32 $0x1B8B  }
0xa2: {  	_ =	swait.ge [sflag:s23], $0x1  }
0xa3: {  	[sflag:s23] =	ssyncset.done $0x0  }
0xa4: {  	s25 =	simm.s32 $0x1B8E;
	s24 =	sld [smem:$0x3FFE];
	[sflag:s23] =	ssyncadd.s32 $0xFFFFFFFF  }
0xa5: {  	s26 =	simm.s32 $execute0_lowered;
	[smem:$0x3FD2] =	sst s25  }
0xa6: {  	s4 =	sshll.u32 s26, $0x1;
	_ =	strace $0x80000049;
	[dreg:$0x1] =	wrdreg $0xFFFFFFFF  }
0xa7: {  	s28 =	simm.s32 $_size_execute0_lowered;
	s2 =	sadd.s32 s2, s4;
	[dreg:$0x0] =	wrdreg $0x0  }
0xa8: {  	s4 =	sshll.u32 s28, $0x1;
	[dreg:$0x2] =	wrdreg s2  }
0xa9: {  	[dreg:$0x3] =	wrdreg s4  }
0xaa: {  	[dreg:$0x4] =	wrdreg $0xC0  }
0xab: {  	_ =	task [dreg:s6], $0x5FFFF  }
0xac: {  	[dreg:$0x1] =	wrdreg $0xFFFFFFFF  }
0xad: {  	[dreg:$0x0] =	wrdreg $0x60  }
0xae: {  	[dreg:$0x2] =	wrdreg s24  }
0xaf: {  	[dreg:$0x3] =	wrdreg $0xB0000  }
0xb0: {  	[dreg:$0x4] =	wrdreg $0x9  }
0xb1: {  	_ =	task.clear_ibuf [dreg:s6], $0x5FFFF;
	_ =	strace $0x90000049  }
0xb2: {  	s29 =	simm.s32 $0x9;
	_ =	strace $0x8000004B  }
0xb3: {  	_ =	swait.ge [sflag:s29], $0x1  }
0xb4: {  	[sflag:s29] =	ssyncadd.s32 $0xFFFFFFFF  }
0xb5: {  	_ =	strace $0x9000004B  }
0xb6: {  	_ =	sfence  }
0xb7: {  	s30 =	sld [smem:$0x0];
	_ =	sdelay $0x2  }
0xb8: {  	s31 =	sshll.u32 s1, $0xD;
	s1 =	sshrl.u32 s1, $0x2  }
0xb9: {  	s3 =	sand.u32 $0x4000, s31;
	s1 =	sadd.s32 s1, s30  }
0xba: {  	s0 =	sor.u32 s3, s0;
	s1 =	sshll.u32 s1, $0x11  }
0xbb: {  	s0 =	sor.u32 s1, s0  }
0xbc: {  	s0 =	sadd.s32 $0x8F2B, s0  }
0xbd: {  	[sflag:s0] =	ssyncadd.remote.s32 $0x1  }
0xbe: {  	_ =	sfence.sel $0xFFFF  }
0xbf: {  	[dreg:$0x0] =	wrdreg $0xFFFFFFFF;
	(pc) =	sbr.abs _section_cstart, $3  }
0xc0: {  	[dreg:$0x1] =	wrdreg $0xFFFFFFFF  }
0xc1: {  	_ =	task.clear_ibuf [dreg:s6], $0x2FFFF;
	_ =	strace $0x9FFFFFFF  }
0xc2: {  	(tm) =	ssettm $0x7FFFFFFF  }
0xc3: {  	_ =	shalt  }
tec
execute0_lowered:
.L_overlay_start_1:
0x0: {  	(tag) =	ssettag $0x1  }
0x1: {  	s0 =	srdreg.scid;
	s5 =	rddreg [dreg:$0x0]  }
0x2: {  	s2 =	rddreg [dreg:$0x1];
	s1 =	stileid.u32;
	s3 =	simm.s32 $0x0  }
0x3: {  	s13 =	simm.s32 $0x1400;
	s14 =	simm.s32 $0x80;
	s15 =	simm.s32 $0x2800  }
0x4: {  	s16 =	simm.s32 $0x1;
	s6 =	sand.u32 $0x1, s0;
	s0 =	rddreg [dreg:$0x2]  }
0x5: {  	s17 =	simm.s32 $0x2;
	[smem:$0x7FF] =	sst s3;
	s9 =	smul.u32 $0x4E000, s1  }
0x6: {  	p0 =	seq.s32 s1, $0xF;
	s19 =	smul.u32 $0x2700, s1;
	s18 =	sadd.s32 $0x124800, s2  }
0x7: {  	s4 =	sshll.u32 s6, $0x4;
	_ =	strace $0x8000004A;
	s8 =	smul.u32 $0x27100, s6  }
0x8: {  	s6 =	ssub.s32 $0x2, s6;
	s18 =	sshrl.u32 @p0 s18, $0x3;
	s4 =	sor.u32 s1, s4  }
0x9: {  	s30 =	sshrl.u32 s6, $0x1;
	s31 =	sshrl.u32 s9, $0x2;
	s7 =	smul.u32 $0x500, s4  }
.Ltmp0:
0xa: {  	s4 =	sadd.s32 $0x17200, s5;
	s11 =	sadd.s32 s8, s5;
	(pc) =	sbr.rel .LBB2_1-.Ltmp0, $4  }
0xb: {  	s12 =	ssub.s32 s6, s30;
	s6 =	sadd.s32 s31, s2;
	s9 =	sadd.s32 $0x3E400, s11  }
0xc: {  	s11 =	simm.s32 $0xA800;
	s10 =	sadd.s32 s7, s5;
	s5 =	simm.s32 $0x29  }
0xd: {  	s19 =	sadd.s32 @!p0 s19, s9;
	s5 =	simm.s32 @!p0 $0x27;
	s7 =	sadd.s32 $0x3200, s10  }
0xe: {  	v0 =	vimm.f32 $0.0e+00;
	s8 =	sadd.s32 $0xD200, s10;
	s10 =	smax.u32 s12, $0x1;
	s12 =	simm.s32 $0x3  }
.LBB2_13:
0xf: {  	_ =	swait.ge [sflag:s17], $0x4000  }
0x10: {  	[sflag:s17] =	ssyncset.done $0x0  }
0x11: {  	[sflag:s17] =	ssyncadd.s32 $0xFFFFC000  }
0x12: {  	s20 =	sadd.s32 @p0 $0x24900, s9;
	s21 =	simm.s32 @p0 $0x1FC3;
	[bflag:$0x0] =	sbarrier.arrive $0xFFFF  }
0x13: {  	[hbm:s20], [sflag:s21] =	dma.local @p0 [spmem:s18], $0x2800  }
0x14: {  	s20 =	simm.s32 @p0 $0x3  }
0x15: {  	s3 =	sadd.s32 $0x1, s3;
	_ =	swait.ge @p0 [sflag:s20], $0x2800  }
0x16: {  	p1 =	sne.s32 s3, s10;
	s21 =	sshll.u32 @!p0 s1, $0x6;
	[sflag:s20] =	ssyncset.done @p0 $0x0  }
0x17: {  	[sflag:s20] =	ssyncadd.s32 @p0 $0xFFFFD800;
	s20 =	sor.u32 @!p0 $0x1C03, s21;
	s21 =	sshrl.u32 @!p0 s6, $0x3  }
0x18: {  	[hbm:s19], [sflag:s20] =	dma.local @!p0 [spmem:s21], $0x2700  }
.Ltmp1:
0x19: {  	_ = 	snop;
	(pc) =	sbr.rel @!p1 .LBB2_14-.Ltmp1, $4  }
0x1a: {  	s20 =	simm.s32 @!p0 $0x3  }
0x1b: {  	_ =	swait.ge @!p0 [sflag:s20], $0x2700  }
0x1c: {  	[sflag:s20] =	ssyncset.done @!p0 $0x0  }
0x1d: {  	[sflag:s20] =	ssyncadd.s32 @!p0 $0xFFFFD900  }
.LBB2_1:
0x1e: {  	s20 =	simm.s32 $0x0;
	s21 =	simm.s32 $0x200  }
.LBB2_2:
0x1f: {  	p1 =	sne.s32 s21, $0x1E00;
	[tilespmem:s20+$0xA870] =	vst v0  }
0x20: {  	[tilespmem:s20+$0xA800] =	vst v0  }
0x21: {  	[tilespmem:s20+$0xA810] =	vst v0  }
.Ltmp2:
0x22: {  	[tilespmem:s20+$0xA820] =	vst v0;
	(pc) =	sbr.rel @p1 .LBB2_2-.Ltmp2, $4  }
0x23: {  	[tilespmem:s20+$0xA830] =	vst v0  }
0x24: {  	[tilespmem:s20+$0xA840] =	vst v0  }
0x25: {  	[tilespmem:s20+$0xA850] =	vst v0  }
0x26: {  	[tilespmem:s20+$0xA860] =	vst v0;
	s20 =	sshra.s32 s21, $0x2;
	s21 =	sadd.s32 $0x200, s21  }
0x27: {  	[tilespmem:s20+$0xA870] =	vst v0  }
0x28: {  	[tilespmem:s20+$0xA800] =	vst v0  }
0x29: {  	[tilespmem:s20+$0xA810] =	vst v0  }
0x2a: {  	[tilespmem:s20+$0xA820] =	vst v0  }
0x2b: {  	[tilespmem:s20+$0xA830] =	vst v0  }
0x2c: {  	[tilespmem:s20+$0xA840] =	vst v0;
	p1 =	sne.s32 s5, $0x1  }
.Ltmp3:
0x2d: {  	[tilespmem:s20+$0xA850] =	vst v0;
	(pc) =	sbr.rel @!p1 .LBB2_5-.Ltmp3, $4  }
0x2e: {  	[tilespmem:s20+$0xA860] =	vst v0  }
0x2f: {  	[spmem:s6] =	stream.linear.scatter [tilespmem:s11], [sflag:$0x3], $0x800, $0x38;
	[tilespmem:$0x1E900] =	vst v63  }
0x30: {  	_ =	swait.ge [sflag:s12], $0x800  }
0x31: {  	s20 =	sadd.s32 $0xFFFFFFFF, s5;
	s21 =	smov.u32 s6;
	[sflag:s12] =	ssyncset.done $0x0  }
.LBB2_4:
0x32: {  	p1 =	sne.s32 s20, $0x1;
	[sflag:s12] =	ssyncadd.s32 $0xFFFFF800;
	s21 =	sadd.s32 $0x800, s21  }
.Ltmp4:
0x33: {  	s20 =	sadd.s32 $0xFFFFFFFF, s20;
	(pc) =	sbr.rel @p1 .LBB2_4-.Ltmp4, $4  }
0x34: {  	_ = 	snop  }
0x35: {  	[spmem:s21] =	stream.linear.scatter [tilespmem:s11], [sflag:$0x3], $0x800, $0x38;
	[tilespmem:$0x1E900] =	vst v63  }
0x36: {  	_ =	swait.ge [sflag:s12], $0x800  }
0x37: {  	[sflag:s12] =	ssyncset.done $0x0  }
.LBB2_5:
0x38: {  	[sflag:s12] =	ssyncadd.s32 $0xFFFFF800  }
0x39: {  	s20 =	simm.s32 $0x0;
	[bflag:$0x0] =	sbarrier.arrive $0xFFFF  }
0x3a: {  	[tilespmem:s20], [sflag:$0x3] =	stream.linear.gather [hbm4b:s7+s20], $0x1400, $0x38;
	[tilespmem:$0x1E900] =	vst v63  }
0x3b: {  	_ =	swait.ge [sflag:s12], $0x1400  }
0x3c: {  	[sflag:s12] =	ssyncset.done $0x0  }
0x3d: {  	[sflag:s12] =	ssyncadd.s32 $0xFFFFEC00  }
0x3e: {  	[tilespmem:s13], [sflag:$0x3] =	stream.linear.gather [hbm4b:s8+s20], $0x1400, $0x38;
	[tilespmem:$0x1E900] =	vst v63  }
.Ltmp5:
0x3f: {  	_ = 	snop;
	(pc) =	sbr.rel .LBB2_6-.Ltmp5, $4  }
0x40: {  	_ =	swait.ge [sflag:s12], $0x1400  }
0x41: {  	[sflag:s12] =	ssyncset.done $0x0  }
0x42: {  	[sflag:s12] =	ssyncadd.s32 $0xFFFFEC00  }
0x43: {  	[tilespmem:s15], [sflag:$0x1] =	stream.indirect.gather [hbm4b:s4+s14], $0x80, s20, s14, $0xb8;
	[tilespmem:$0x1E900] =	vst v63  }
.LBB2_8:
0x44: {  	p1 =	slt.u32 s21, $0x28  }
.Ltmp6:
0x45: {  	_ =	swait.ge [sflag:s16], $0x4000;
	s20 =	sshll.u32 s20, $0x7;
	(pc) =	sbr.rel @!p1 .LBB2_9-.Ltmp6, $4  }
0x46: {  	s22 =	sshll.u32 s22, $0xE;
	[sflag:s16] =	ssyncset.done $0x0;
	s20 =	sand.u32 $0x3FFFFF80, s20  }
0x47: {  	s22 =	sor.u32 $0x2800, s22;
	[sflag:s16] =	ssyncadd.s32 $0xFFFFC000;
	s20 =	sadd.s32 $0x1400, s20  }
0x48: {  	[spmem:s2] =	stream.indirect.scatter.add.f32 [tilespmem:s22], [sflag:$0x2], $0x80, s20, s14, $0xb8;
	[tilespmem:$0x1E900] =	vst v63  }
0x49: {  	s20 =	smov.u32 s21  }
.LBB2_6:
0x4a: {  	p1 =	seq.s32 s20, $0x0  }
0x4b: {  	p2 =	seq.s32 @!p1 s20, $0x27  }
0x4c: {  	p2 =	por p1, !p2  }
.Ltmp7:
0x4d: {  	_ = 	snop;
	(pc) =	sbr.rel @!p2 .LBB2_8-.Ltmp7, $4  }
0x4e: {  	s21 =	simm.s32 @!p1 $0x2  }
0x4f: {  	_ =	swait.ge @!p1 [sflag:s21], $0x4000  }
0x50: {  	[sflag:s21] =	ssyncset.done @!p1 $0x0  }
0x51: {  	s22 =	sand.u32 $0x1, s20;
	[sflag:s21] =	ssyncadd.s32 @!p1 $0xFFFFC000;
	s21 =	simm.s32 @!p1 $0x28  }
.Ltmp8:
0x52: {  	s21 =	sadd.s32 @!p1 $0x1, s20;
	(pc) =	sbr.rel .LBB2_8-.Ltmp8, $4  }
0x53: {  	s21 =	simm.s32 @p1 $0x1  }
0x54: {  	s23 =	sshll.u32 s22, $0xE;
	s24 =	sshll.u32 s21, $0x7  }
0x55: {  	s23 =	sxor.u32 $0x6800, s23;
	s24 =	sand.u32 $0x3FFFFF80, s24  }
0x56: {  	[tilespmem:s23], [sflag:$0x1] =	stream.indirect.gather [hbm4b:s4+s14], $0x80, s24, s14, $0xb8;
	[tilespmem:$0x1E900] =	vst v63  }
.LBB2_9:
0x57: {  	_ =	swait.ge [sflag:s17], $0x4000  }
0x58: {  	[sflag:s17] =	ssyncset.done $0x0  }
0x59: {  	s21 =	sadd.s32 $0x280, s7;
	s20 =	simm.s32 $0x0;
	[sflag:s17] =	ssyncadd.s32 $0xFFFFC000  }
0x5a: {  	[tilespmem:s20], [sflag:$0x3] =	stream.linear.gather [hbm4b:s21+s20], $0x1380, $0x38;
	[tilespmem:$0x1E900] =	vst v63  }
0x5b: {  	_ =	swait.ge [sflag:s12], $0x1380  }
0x5c: {  	[sflag:s12] =	ssyncset.done $0x0  }
0x5d: {  	s31 =	sadd.s32 $0x280, s8;
	[sflag:s12] =	ssyncadd.s32 $0xFFFFEC80  }
0x5e: {  	[tilespmem:s13], [sflag:$0x3] =	stream.linear.gather [hbm4b:s31+s20], $0x1380, $0x38;
	[tilespmem:$0x1E900] =	vst v63  }
.Ltmp9:
0x5f: {  	_ = 	snop;
	(pc) =	sbr.rel .LBB2_10-.Ltmp9, $4  }
0x60: {  	_ =	swait.ge [sflag:s12], $0x1380  }
0x61: {  	[sflag:s12] =	ssyncset.done $0x0  }
0x62: {  	[sflag:s12] =	ssyncadd.s32 $0xFFFFEC80  }
0x63: {  	[tilespmem:s15], [sflag:$0x1] =	stream.indirect.gather [hbm4b:s4+s14], $0x80, s20, s14, $0xb8;
	[tilespmem:$0x1E900] =	vst v63  }
.LBB2_12:
0x64: {  	p1 =	slt.u32 s21, $0x27  }
.Ltmp10:
0x65: {  	_ =	swait.ge [sflag:s16], $0x4000;
	s20 =	sshll.u32 s20, $0x7;
	(pc) =	sbr.rel @!p1 .LBB2_13-.Ltmp10, $4  }
0x66: {  	s22 =	sshll.u32 s22, $0xE;
	[sflag:s16] =	ssyncset.done $0x0;
	s20 =	sand.u32 $0x3FFFFF80, s20  }
0x67: {  	s22 =	sor.u32 $0x2800, s22;
	[sflag:s16] =	ssyncadd.s32 $0xFFFFC000;
	s20 =	sadd.s32 $0x1400, s20  }
0x68: {  	[spmem:s2] =	stream.indirect.scatter.add.f32 [tilespmem:s22], [sflag:$0x2], $0x80, s20, s14, $0xb8;
	[tilespmem:$0x1E900] =	vst v63  }
0x69: {  	s20 =	smov.u32 s21  }
.LBB2_10:
0x6a: {  	p1 =	seq.s32 s20, $0x0  }
0x6b: {  	p2 =	seq.s32 @!p1 s20, $0x26  }
0x6c: {  	p2 =	por p1, !p2  }
.Ltmp11:
0x6d: {  	_ = 	snop;
	(pc) =	sbr.rel @!p2 .LBB2_12-.Ltmp11, $4  }
0x6e: {  	s21 =	simm.s32 @!p1 $0x2  }
0x6f: {  	_ =	swait.ge @!p1 [sflag:s21], $0x4000  }
0x70: {  	[sflag:s21] =	ssyncset.done @!p1 $0x0  }
0x71: {  	s22 =	sand.u32 $0x1, s20;
	[sflag:s21] =	ssyncadd.s32 @!p1 $0xFFFFC000;
	s21 =	simm.s32 @!p1 $0x27  }
.Ltmp12:
0x72: {  	s21 =	sadd.s32 @!p1 $0x1, s20;
	(pc) =	sbr.rel .LBB2_12-.Ltmp12, $4  }
0x73: {  	s21 =	simm.s32 @p1 $0x1  }
0x74: {  	s23 =	sshll.u32 s22, $0xE;
	s24 =	sshll.u32 s21, $0x7  }
0x75: {  	s23 =	sxor.u32 $0x6800, s23;
	s24 =	sand.u32 $0x3FFFFF80, s24  }
0x76: {  	[tilespmem:s23], [sflag:$0x1] =	stream.indirect.gather [hbm4b:s4+s14], $0x80, s24, s14, $0xb8;
	[tilespmem:$0x1E900] =	vst v63  }
.LBB2_14:
0x77: {  	_ =	sfence.sel $0x180000  }
0x78: {  	[bflag:$0x0] =	sbarrier.arrive $0xFFFF  }
0x79: {  	p0 =	sne.s32 s1, $0x0;
	_ =	strace $0x9000004A  }
0x7a: {  	s0 =	sadd.s32 @!p0 $0x100000, s0;
	[bflag:$0x2] =	sbarrier.arrive $0xFFFF  }
0x7b: {  	[sflag:s0] =	ssyncadd.tile.s32 @!p0 $0x1;
	_ =	shalt  }
.Lfunc_end2:
_tile_overlayer_lowered:
.L_overlay_start_2:
0x7c: {  	(tag) =	ssettag $0x2  }
0x7d: {  	s0 =	rddreg [dreg:$0x0];
	s2 =	stileid.u32  }
0x7e: {  	s1 =	rddreg [dreg:$0x1];
	p0 =	sne.s32 s2, $0x0  }
0x7f: {  	s3 =	rddreg [dreg:$0x2];
	[bflag:$0x3] =	sbarrier.arrive $0xFFFF;
	s2 =	simm.s32 @!p0 $0x1C03  }
0x80: {  	[timem:s3], [sflag:s2] =	dma.local @!p0 [hbm:s0], s1  }
0x81: {  	s0 =	simm.s32 @!p0 $0x3  }
0x82: {  	_ =	swait.ge @!p0 [sflag:s0], s1  }
0x83: {  	s1 =	ssub.s32 @!p0 $0x0, s1;
	[sflag:s0] =	ssyncset.done @!p0 $0x0  }
0x84: {  	[sflag:s0] =	ssyncadd.s32 @!p0 s1  }
0x85: {  	[bflag:$0x3] =	sbarrier.arrive $0xFFFF  }
0x86: {  	_ =	shalt  }

// kernel: kernel.14.cloned.1.call-start
scs
__scs_entry_jumppad:
0x0: {  	(pc) =	sbr.rel $0x88, $3  }
0x1: {  	(tag) =	ssettag $0x0;
	lr =	simm.s32 $0x1  }
0x2: {  	[smem:$0x3F90] =	sst lr;
	_ =	strace $0xD0000000  }
0x3: {  	_ = 	snop  }
0x4: {  	_ = 	snop  }
0x5: {  	_ = 	snop  }
0x6: {  	_ = 	snop  }
0x7: {  	_ = 	snop  }
__scs_overlays_trampoline_lowered:
0x8: {  	[smem:$0x3F9F] =	sst s0  }
0x9: {  	[smem:$0x3FA0] =	sst s1  }
0xa: {  	[smem:$0x3FA1] =	sst s2  }
0xb: {  	[smem:$0x3FA2] =	sst s3  }
0xc: {  	[smem:$0x3FA3] =	sst s4  }
0xd: {  	[smem:$0x3FA4] =	sst s5  }
0xe: {  	[smem:$0x3FA5] =	sst s6  }
0xf: {  	[smem:$0x3FA6] =	sst s7  }
0x10: {  	[smem:$0x3FA7] =	sst s8  }
0x11: {  	[smem:$0x3FA8] =	sst s9;
	s0 =	simm.s32 @!p0 $0x0  }
0x12: {  	s1 =	sld [smem:$0x3F8E];
	s0 =	simm.s32 @p0 $0x1  }
0x13: {  	[smem:$0x3FA9] =	sst s0;
	s0 =	simm.s32 @!p1 $0x0  }
0x14: {  	s2 =	sld [smem:$0x3F8D];
	s0 =	simm.s32 @p1 $0x1  }
0x15: {  	[smem:$0x3FAA] =	sst s0;
	s0 =	simm.s32 @!p2 $0x0  }
0x16: {  	s3 =	sld [smem:$0x3FDB];
	s0 =	simm.s32 @p2 $0x1  }
0x17: {  	s4 =	simm.s32 $0x1BF5;
	[smem:$0x3FAC] =	sst s0  }
0x18: {  	s0 =	sld [smem:$0x3F8F];
	_ =	swait.ge [sflag:s4], $0x0  }
0x19: {  	s7 =	sld [smem:$0x3F90]  }
0x1a: {  	s8 =	sadd.s32 $0xFFFFE003, lr  }
0x1b: {  	s9 =	sadd.s32 $0xFFFFFEF7, lr;
	s5 =	simm.s32 $0xFFFFFFFF;
	p2 =	slt.u32 s8, $0xFFFFF086  }
0x1c: {  	p1 =	slt.u32 s9, $0xF7A;
	s5 =	simm.s32 @!p2 $0x0  }
0x1d: {  	s5 =	simm.s32 @p1 $0x1;
	p0 =	seq.s32 s7, s2  }
0x1e: {  	s7 =	smul.u32 @!p0 $0xF7A, s2;
	p2 =	seq.s32 @!p0 s5, $0x0  }
0x1f: {  	s9 =	smul.u32 $0xF7A, s1;
	s8 =	simm.s32 @!p0 $0x1BF5;
	p2 =	por !p2, p0  }
0x20: {  	[sflag:s8] =	ssyncset.s32 @!p0 $0xFFFFF086;
	s6 =	sadd.s32 @!p0 s3, s7;
	s7 =	simm.s32 @!p0 $0x108  }
0x21: {  	s3 =	sadd.s32 s3, s9;
	s6 =	sadd.s32 @!p0 $0x88, s6;
	s7 =	simm.s32 @p2 $0x1082  }
0x22: {  	[simem:s7], [sflag:s8] =	dma.local @!p0 [hbm:s6], $0xF7A  }
0x23: {  	s9 =	sor.u32 $0xD0000000, s2;
	s6 =	simm.s32 $0x108;
	_ =	swait.ge @!p0 [sflag:s8], $0x0  }
0x24: {  	s3 =	sadd.s32 $0x88, s3;
	s6 =	simm.s32 @!p1 $0x1082;
	[sflag:s4] =	ssyncset.s32 $0xFFFFF086  }
0x25: {  	[simem:s6], [sflag:s4] =	dma.local [hbm:s3], $0xF7A  }
0x26: {  	[smem:$0x3F90] =	sst s1;
	(tag) =	ssettag s2;
	_ =	strace s9  }
0x27: {  	s1 =	sld [smem:$0x3FA0]  }
0x28: {  	s2 =	sld [smem:$0x3FA1]  }
0x29: {  	s4 =	sld [smem:$0x3FA3]  }
0x2a: {  	p0 =	seq.s32 s5, $0x0;
	s5 =	sld [smem:$0x3FA4]  }
0x2b: {  	s6 =	sld [smem:$0x3FA5]  }
0x2c: {  	s7 =	sld [smem:$0x3FA6]  }
0x2d: {  	s3 =	simm.s32 $0x108;
	s8 =	sld [smem:$0x3FA7]  }
0x2e: {  	s3 =	simm.s32 @!p0 $0x1082;
	s9 =	sld [smem:$0x3FA8]  }
0x2f: {  	lr =	sadd.s32 s0, s3;
	s0 =	sld [smem:$0x3F9F]  }
0x30: {  	s3 =	sld [smem:$0x3FA2]  }
0x31: {  	[smem:$0x3FAB] =	sst s10  }
0x32: {  	s10 =	sld [smem:$0x3FA9];
	_ =	sdelay $0x3  }
0x33: {  	p0 =	seq.s32 s10, $0x1;
	s10 =	sld [smem:$0x3FAB];
	_ =	sdelay $0x3  }
0x34: {  	[smem:$0x3FAB] =	sst s10  }
0x35: {  	s10 =	sld [smem:$0x3FAA];
	_ =	sdelay $0x3  }
0x36: {  	p1 =	seq.s32 s10, $0x1;
	s10 =	sld [smem:$0x3FAB];
	_ =	sdelay $0x3  }
0x37: {  	[smem:$0x3FAB] =	sst s10  }
0x38: {  	s10 =	sld [smem:$0x3FAC]  }
0x39: {  	_ = 	snop;
	(pc) =	sbr.ind lr, $3  }
0x3a: {  	_ = 	snop  }
0x3b: {  	_ = 	snop  }
0x3c: {  	p2 =	seq.s32 s10, $0x1;
	s10 =	sld [smem:$0x3FAB]  }
0x3d: {  	_ =	shalt  }
0x3e: {  	_ =	shalt  }
0x3f: {  	_ =	shalt  }
0x40: {  	_ =	shalt  }
0x41: {  	_ =	shalt  }
0x42: {  	_ =	shalt  }
0x43: {  	_ =	shalt  }
0x44: {  	_ =	shalt  }
0x45: {  	_ =	shalt  }
0x46: {  	_ =	shalt  }
0x47: {  	_ =	shalt  }
0x48: {  	_ =	shalt  }
0x49: {  	_ =	shalt  }
0x4a: {  	_ =	shalt  }
0x4b: {  	_ =	shalt  }
0x4c: {  	_ =	shalt  }
0x4d: {  	_ =	shalt  }
0x4e: {  	_ =	shalt  }
0x4f: {  	_ =	shalt  }
0x50: {  	_ =	shalt  }
0x51: {  	_ =	shalt  }
0x52: {  	_ =	shalt  }
0x53: {  	_ =	shalt  }
0x54: {  	_ =	shalt  }
0x55: {  	_ =	shalt  }
0x56: {  	_ =	shalt  }
0x57: {  	_ =	shalt  }
0x58: {  	_ =	shalt  }
0x59: {  	_ =	shalt  }
0x5a: {  	_ =	shalt  }
0x5b: {  	_ =	shalt  }
0x5c: {  	_ =	shalt  }
0x5d: {  	_ =	shalt  }
0x5e: {  	_ =	shalt  }
0x5f: {  	_ =	shalt  }
0x60: {  	_ =	shalt  }
0x61: {  	_ =	shalt  }
0x62: {  	_ =	shalt  }
0x63: {  	_ =	shalt  }
0x64: {  	_ =	shalt  }
0x65: {  	_ =	shalt  }
0x66: {  	_ =	shalt  }
0x67: {  	_ =	shalt  }
0x68: {  	_ =	shalt  }
0x69: {  	_ =	shalt  }
0x6a: {  	_ =	shalt  }
0x6b: {  	_ =	shalt  }
0x6c: {  	_ =	shalt  }
0x6d: {  	_ =	shalt  }
0x6e: {  	_ =	shalt  }
0x6f: {  	_ =	shalt  }
0x70: {  	_ =	shalt  }
0x71: {  	_ =	shalt  }
0x72: {  	_ =	shalt  }
0x73: {  	_ =	shalt  }
0x74: {  	_ =	shalt  }
0x75: {  	_ =	shalt  }
0x76: {  	_ =	shalt  }
0x77: {  	_ =	shalt  }
0x78: {  	_ =	shalt  }
0x79: {  	_ =	shalt  }
0x7a: {  	_ =	shalt  }
0x7b: {  	_ =	shalt  }
0x7c: {  	_ =	shalt  }
0x7d: {  	_ =	shalt  }
0x7e: {  	_ =	shalt  }
0x7f: {  	_ =	shalt  }
0x80: {  	_ =	shalt  }
0x81: {  	_ =	shalt  }
0x82: {  	_ =	shalt  }
0x83: {  	_ =	shalt  }
0x84: {  	_ =	shalt  }
0x85: {  	_ =	shalt  }
0x86: {  	_ =	shalt  }
0x87: {  	_ =	shalt  }
.Lfunc_end0:
.L_simem_size_0:
called_computation.2_lowered:
.L_overlay_start_0:
0x88: {  	s2 =	sld [smem:$0x3FD9]  }
0x89: {  	s3 =	sld [smem:$0x3FFE];
	_ =	sdelay $0x1  }
0x8a: {  	s1 =	srdreg.scid  }
0x8b: {  	s0 =	sand.u32 $0x1, s1  }
0x8c: {  	s16 =	sshll.u32 s0, $0xA;
	s2 =	sadd.s32 s3, s2  }
0x8d: {  	s2 =	sadd.s32 s2, s16  }
0x8e: {  	[smem:$0x3FB7] =	sst s2  }
0x8f: {  	_ = 	snop  }
0x90: {  	(tm) =	ssettm $0x1  }
0x91: {  	s17 =	sld [smem:$0x3FFB];
	_ =	sdelay $0x3  }
0x92: {  	_ =	strace s17  }
0x93: {  	s2 =	sld [smem:$0x3FFC];
	_ =	sdelay $0x3  }
0x94: {  	_ =	strace s2  }
0x95: {  	s2 =	sld [smem:$0x3FFD];
	_ =	sdelay $0x3  }
0x96: {  	_ =	strace s2  }
0x97: {  	_ =	strace $0x8FFFFFFF  }
0x98: {  	s18 =	sld [smem:$0x3FDB];
	_ =	sdelay $0x1  }
0x99: {  	s19 =	simm.s32 $_scs_section_size  }
0x9a: {  	s4 =	simm.s32 $_size__tile_overlayer_lowered;
	s5 =	simm.s32 $_tile_overlayer_lowered  }
0x9b: {  	s22 =	simm.s32 $0x1BFF;
	s21 =	sshll.u32 s5, $0x1;
	s2 =	sadd.s32 s19, s18  }
0x9c: {  	s6 =	simm.s32 $0x0;
	s20 =	sshll.u32 s4, $0x1;
	s4 =	sadd.s32 s21, s2  }
0x9d: {  	[timem:s6], [sflag:s22] =	dma.local [hbm:s4], s20  }
0x9e: {  	_ =	swait.ge [sflag:s22], s20  }
0x9f: {  	s3 =	ssub.s32 $0x0, s20;
	[sflag:s22] =	ssyncset.done $0x0  }
0xa0: {  	[sflag:s22] =	ssyncadd.s32 s3;
	_ =	sdelay $0x1  }
0xa1: {  	s23 =	simm.s32 $0x1B8B  }
0xa2: {  	_ =	swait.ge [sflag:s23], $0x1  }
0xa3: {  	[sflag:s23] =	ssyncset.done $0x0  }
0xa4: {  	s25 =	simm.s32 $0x1B8E;
	s24 =	sld [smem:$0x3FFE];
	[sflag:s23] =	ssyncadd.s32 $0xFFFFFFFF  }
0xa5: {  	s26 =	simm.s32 $execute0_lowered;
	[smem:$0x3FD2] =	sst s25  }
0xa6: {  	s4 =	sshll.u32 s26, $0x1;
	_ =	strace $0x8000004C;
	[dreg:$0x1] =	wrdreg $0xFFFFFFFF  }
0xa7: {  	s28 =	simm.s32 $_size_execute0_lowered;
	s2 =	sadd.s32 s2, s4;
	[dreg:$0x0] =	wrdreg $0x0  }
0xa8: {  	s4 =	sshll.u32 s28, $0x1;
	[dreg:$0x2] =	wrdreg s2  }
0xa9: {  	[dreg:$0x3] =	wrdreg s4  }
0xaa: {  	[dreg:$0x4] =	wrdreg $0xC0  }
0xab: {  	_ =	task [dreg:s6], $0x5FFFF  }
0xac: {  	[dreg:$0x1] =	wrdreg $0xFFFFFFFF  }
0xad: {  	[dreg:$0x0] =	wrdreg $0x60  }
0xae: {  	[dreg:$0x2] =	wrdreg s24  }
0xaf: {  	[dreg:$0x3] =	wrdreg $0xB0000  }
0xb0: {  	[dreg:$0x4] =	wrdreg $0x9  }
0xb1: {  	_ =	task.clear_ibuf [dreg:s6], $0x5FFFF;
	_ =	strace $0x9000004C  }
0xb2: {  	s29 =	simm.s32 $0x9;
	_ =	strace $0x8000004E  }
0xb3: {  	_ =	swait.ge [sflag:s29], $0x1  }
0xb4: {  	[sflag:s29] =	ssyncadd.s32 $0xFFFFFFFF  }
0xb5: {  	_ =	strace $0x9000004E  }
0xb6: {  	_ =	sfence  }
0xb7: {  	s30 =	sld [smem:$0x0];
	_ =	sdelay $0x2  }
0xb8: {  	s31 =	sshll.u32 s1, $0xD;
	s1 =	sshrl.u32 s1, $0x2  }
0xb9: {  	s3 =	sand.u32 $0x4000, s31;
	s1 =	sadd.s32 s1, s30  }
0xba: {  	s0 =	sor.u32 s3, s0;
	s1 =	sshll.u32 s1, $0x11  }
0xbb: {  	s0 =	sor.u32 s1, s0  }
0xbc: {  	s0 =	sadd.s32 $0x8F2B, s0  }
0xbd: {  	[sflag:s0] =	ssyncadd.remote.s32 $0x1  }
0xbe: {  	_ =	sfence.sel $0xFFFF  }
0xbf: {  	[dreg:$0x0] =	wrdreg $0xFFFFFFFF;
	(pc) =	sbr.abs _section_cstart, $3  }
0xc0: {  	[dreg:$0x1] =	wrdreg $0xFFFFFFFF  }
0xc1: {  	_ =	task.clear_ibuf [dreg:s6], $0x2FFFF;
	_ =	strace $0x9FFFFFFF  }
0xc2: {  	(tm) =	ssettm $0x7FFFFFFF  }
0xc3: {  	_ =	shalt  }
tec
execute0_lowered:
.L_overlay_start_1:
0x0: {  	(tag) =	ssettag $0x1  }
0x1: {  	s0 =	srdreg.scid;
	s16 =	rddreg [dreg:$0x0]  }
0x2: {  	s25 =	stileid.u32;
	s2 =	rddreg [dreg:$0x1]  }
0x3: {  	s19 =	simm.s32 $0xA800;
	s20 =	simm.s32 $0x4;
	s21 =	simm.s32 $0x1400  }
0x4: {  	s22 =	simm.s32 $0x80;
	s23 =	simm.s32 $0x2800;
	s28 =	simm.s32 $0x6800  }
0x5: {  	s29 =	simm.s32 $0x0;
	s1 =	sand.u32 $0x1, s0;
	s13 =	sadd.s32 $0x8C600, s16  }
0x6: {  	s6 =	sshll.u32 s25, $0x6;
	s8 =	smul.u32 $0x4E000, s25;
	p0 =	seq.s32 s25, $0xF  }
0x7: {  	s12 =	sshll.u32 s25, $0x8;
	s26 =	sshll.u32 s25, $0x5;
	s3 =	sshll.u32 s1, $0x4  }
0x8: {  	s24 =	sshll.u32 s1, $0x10;
	s7 =	ssub.s32 $0x2, s1;
	s17 =	sadd.s32 s6, s16  }
0x9: {  	s6 =	simm.s32 $0x29;
	s14 =	sor.u32 $0x80, s12;
	s12 =	sshll.u32 s25, $0xC  }
0xa: {  	s4 =	sor.u32 s25, s3;
	s3 =	simm.s32 $0x0;
	s11 =	sadd.s32 s24, s16  }
0xb: {  	s10 =	sshrl.u32 s7, $0x1;
	s8 =	sshrl.u32 s8, $0x2;
	s6 =	simm.s32 @!p0 $0x27  }
0xc: {  	s15 =	sshrl.u32 s14, $0x3;
	s14 =	sshll.u32 s14, $0x4;
	s25 =	sadd.s32 $0x5E800, s16  }
0xd: {  	s17 =	sadd.s32 $0x3E400, s17;
	p0 =	sne.s32 s1, $0x0;
	s5 =	smul.u32 $0x500, s4  }
0xe: {  	[smem:$0x7FF] =	sst s3;
	s4 =	sadd.s32 $0x17200, s16;
	s18 =	ssub.s32 s7, s10  }
0xf: {  	s7 =	sadd.s32 s8, s2;
	s10 =	sadd.s32 s13, s26;
	s11 =	sadd.s32 $0x3E800, s11  }
.Ltmp0:
0x10: {  	s30 =	sadd.s32 s13, s15;
	s24 =	sadd.s32 s24, s25;
	(pc) =	sbr.rel .LBB2_1-.Ltmp0, $4  }
0x11: {  	s25 =	simm.s32 $0x1;
	s26 =	simm.s32 $0x2;
	_ =	strace $0x8000004D  }
0x12: {  	[dreg:$0x3] =	wrdreg s30;
	s31 =	sadd.s32 $0x200, s10;
	s18 =	smax.u32 s18, $0x1  }
0x13: {  	s9 =	sadd.s32 s5, s16;
	s5 =	sadd.s32 $0x8CA00, s16;
	[dreg:$0x4] =	wrdreg s31  }
0x14: {  	v0 =	vimm.f32 $0.0e+00;
	s16 =	sadd.s32 $0x210, s10;
	s8 =	sadd.s32 $0x3200, s9;
	s9 =	sadd.s32 $0xD200, s9  }
.LBB2_13:
0x15: {  	_ =	swait.ge [sflag:s26], $0x4000  }
0x16: {  	[sflag:s26] =	ssyncset.done $0x0  }
0x17: {  	[sflag:s26] =	ssyncadd.s32 $0xFFFFC000  }
0x18: {  	[bflag:$0x0] =	sbarrier.arrive $0xFFFF  }
0x19: {  	[tilespmem:s3], [sflag:$0x4] =	stream.linear.gather [hbm4b:s10+s3], $0x80, $0x38;
	[tilespmem:$0x1EB00] =	vst v63  }
0x1a: {  	_ =	swait.ge [sflag:s20], $0x80  }
0x1b: {  	[sflag:s20] =	ssyncset.done $0x0  }
0x1c: {  	[sflag:s20] =	ssyncadd.s32 $0xFFFFFF80  }
0x1d: {  	[tilespmem:s23], [sflag:$0x1] =	stream.indirect.gather [spmem:s2], $0x80, s3, s22, $0xb8;
	[tilespmem:$0x1EB00] =	vst v63  }
0x1e: {  	_ =	swait.ge [sflag:s25], $0x4000  }
0x1f: {  	s0 =	simm.s32 @!p0 $0x80;
	[sflag:s25] =	ssyncset.done $0x0  }
0x20: {  	s30 =	simm.s32 @!p0 $0x0;
	s31 =	simm.s32 @!p0 $0x1E900;
	[sflag:s25] =	ssyncadd.s32 $0xFFFFC000  }
0x21: {  	[tilespmem:s31], [sflag:$0x3] =	stream.indirect.gather @!p0 [hbm4b:s5+s0], $0x1, s30, s0, $0xb8;
	[tilespmem:$0x1EB00] =	vst v63  }
0x22: {  	s1 =	sadd.s32 s12, s11  }
0x23: {  	[hbm4b:s1+s3] =	stream.linear.scatter [tilespmem:s23], [sflag:$0x2], $0x4000, $0x38;
	[tilespmem:$0x1EB00] =	vst v63  }
0x24: {  	s13 =	rddreg [dreg:$0x3]  }
0x25: {  	[tilespmem:s22], [sflag:$0x4] =	stream.linear.gather [hbm4b:s13+s3], $0x80, $0x38;
	[tilespmem:$0x1EB00] =	vst v63  }
0x26: {  	_ =	swait.ge [sflag:s20], $0x80  }
0x27: {  	[sflag:s20] =	ssyncset.done $0x0  }
0x28: {  	[sflag:s20] =	ssyncadd.s32 $0xFFFFFF80  }
0x29: {  	[tilespmem:s28], [sflag:$0x1] =	stream.indirect.gather [spmem:s2], $0x80, s22, s22, $0xb8;
	[tilespmem:$0x1EB00] =	vst v63  }
0x2a: {  	_ =	swait.ge [sflag:s25], $0x4000  }
0x2b: {  	s15 =	simm.s32 @p0 $0x6800;
	[sflag:s25] =	ssyncset.done $0x0  }
0x2c: {  	s1 =	sadd.s32 @p0 s14, s11;
	s13 =	simm.s32 @p0 $0x0;
	[sflag:s25] =	ssyncadd.s32 $0xFFFFC000  }
0x2d: {  	[hbm4b:s1+s13] =	stream.linear.scatter @p0 [tilespmem:s15], [sflag:$0x2], $0x4000, $0x38;
	[tilespmem:$0x1EB00] =	vst v63  }
0x2e: {  	s1 =	simm.s32 @!p0 $0x1E980  }
0x2f: {  	[tilespmem:s1], [sflag:$0x3] =	stream.indirect.gather @!p0 [hbm4b:s5+s0], $0x1, s0, s0, $0xb8;
	[tilespmem:$0x1EB00] =	vst v63  }
0x30: {  	s13 =	simm.s32 @!p0 $0x6800;
	s1 =	sadd.s32 @!p0 s14, s11  }
0x31: {  	[hbm4b:s1+s30] =	stream.linear.scatter @!p0 [tilespmem:s13], [sflag:$0x2], $0x4000, $0x38;
	[tilespmem:$0x1EB00] =	vst v63  }
0x32: {  	s1 =	simm.s32 @!p0 $0x3  }
0x33: {  	_ =	swait.ge @!p0 [sflag:s1], $0x80  }
0x34: {  	[sflag:s1] =	ssyncset.done @!p0 $0x0  }
0x35: {  	s15 =	rddreg [dreg:$0x4];
	[sflag:s1] =	ssyncadd.s32 @!p0 $0xFFFFFF80  }
0x36: {  	[tilespmem:s3], [sflag:$0x4] =	stream.linear.gather [hbm4b:s15+s3], $0x80, $0x38;
	[tilespmem:$0x1EB00] =	vst v63  }
0x37: {  	_ =	swait.ge [sflag:s20], $0x80  }
0x38: {  	[sflag:s20] =	ssyncset.done $0x0  }
0x39: {  	[sflag:s20] =	ssyncadd.s32 $0xFFFFFF80  }
0x3a: {  	[tilespmem:s23], [sflag:$0x1] =	stream.indirect.gather [spmem:s2], $0x80, s3, s22, $0xb8;
	[tilespmem:$0x1EB00] =	vst v63  }
0x3b: {  	_ =	swait.ge [sflag:s25], $0x4000  }
0x3c: {  	[sflag:s25] =	ssyncset.done $0x0  }
0x3d: {  	s13 =	simm.s32 @!p0 $0x1EA00;
	[sflag:s25] =	ssyncadd.s32 $0xFFFFC000  }
0x3e: {  	[tilespmem:s13], [sflag:$0x3] =	stream.indirect.gather @!p0 [hbm4b:s5+s0], $0x1, s30, s0, $0xb8;
	[tilespmem:$0x1EB00] =	vst v63  }
0x3f: {  	_ =	swait.ge [sflag:s26], $0x4000  }
0x40: {  	[sflag:s26] =	ssyncset.done $0x0  }
0x41: {  	s15 =	sadd.s32 s12, s24;
	[sflag:s26] =	ssyncadd.s32 $0xFFFFC000  }
0x42: {  	[hbm4b:s15+s3] =	stream.linear.scatter [tilespmem:s23], [sflag:$0x2], $0x4000, $0x38;
	[tilespmem:$0x1EB00] =	vst v63  }
0x43: {  	_ =	swait.ge @!p0 [sflag:s1], $0x80  }
0x44: {  	[sflag:s1] =	ssyncset.done @!p0 $0x0  }
0x45: {  	[sflag:s1] =	ssyncadd.s32 @!p0 $0xFFFFFF80  }
0x46: {  	[tilespmem:s22], [sflag:$0x4] =	stream.linear.gather [hbm4b:s16+s3], $0x80, $0x38;
	[tilespmem:$0x1EB00] =	vst v63  }
0x47: {  	_ =	swait.ge [sflag:s20], $0x80  }
0x48: {  	[sflag:s20] =	ssyncset.done $0x0  }
0x49: {  	[sflag:s20] =	ssyncadd.s32 $0xFFFFFF80  }
0x4a: {  	[tilespmem:s28], [sflag:$0x1] =	stream.indirect.gather [spmem:s2], $0x80, s22, s22, $0xb8;
	[tilespmem:$0x1EB00] =	vst v63  }
0x4b: {  	_ =	swait.ge [sflag:s25], $0x4000  }
0x4c: {  	[sflag:s25] =	ssyncset.done $0x0  }
0x4d: {  	s13 =	simm.s32 @!p0 $0x1EA80;
	[sflag:s25] =	ssyncadd.s32 $0xFFFFC000  }
0x4e: {  	[tilespmem:s13], [sflag:$0x3] =	stream.indirect.gather @!p0 [hbm4b:s5+s0], $0x1, s0, s0, $0xb8;
	[tilespmem:$0x1EB00] =	vst v63  }
0x4f: {  	_ =	swait.ge [sflag:s26], $0x4000  }
0x50: {  	[sflag:s26] =	ssyncset.done $0x0  }
0x51: {  	s15 =	sadd.s32 s14, s24;
	[sflag:s26] =	ssyncadd.s32 $0xFFFFC000  }
0x52: {  	[hbm4b:s15+s3] =	stream.linear.scatter [tilespmem:s28], [sflag:$0x2], $0x4000, $0x38;
	[tilespmem:$0x1EB00] =	vst v63  }
0x53: {  	_ =	swait.ge [sflag:s26], $0x4000  }
0x54: {  	[sflag:s26] =	ssyncset.done $0x0  }
0x55: {  	[sflag:s26] =	ssyncadd.s32 $0xFFFFC000  }
0x56: {  	_ =	swait.ge [sflag:s26], $0x4000  }
0x57: {  	[sflag:s26] =	ssyncset.done $0x0  }
0x58: {  	[sflag:s26] =	ssyncadd.s32 $0xFFFFC000  }
0x59: {  	_ =	swait.ge @!p0 [sflag:s1], $0x80  }
0x5a: {  	[sflag:s1] =	ssyncset.done @!p0 $0x0  }
0x5b: {  	[sflag:s1] =	ssyncadd.s32 @!p0 $0xFFFFFF80  }
0x5c: {  	s29 =	sadd.s32 $0x1, s29;
	_ =	swait.ge @!p0 [sflag:s1], $0x80  }
0x5d: {  	p1 =	sne.s32 s29, s18;
	[sflag:s1] =	ssyncset.done @!p0 $0x0  }
.Ltmp1:
0x5e: {  	s0 =	simm.s32 @!p0 $0x4;
	[sflag:s1] =	ssyncadd.s32 @!p0 $0xFFFFFF80;
	(pc) =	sbr.rel @!p1 .LBB2_14-.Ltmp1, $4  }
0x5f: {  	[hbm4b:s17+s30] =	stream.linear.scatter @!p0 [tilespmem:s31], [sflag:$0x4], $0x200, $0x38;
	[tilespmem:$0x1EB00] =	vst v63  }
0x60: {  	_ =	swait.ge @!p0 [sflag:s0], $0x200  }
0x61: {  	[sflag:s0] =	ssyncset.done @!p0 $0x0  }
0x62: {  	[sflag:s0] =	ssyncadd.s32 @!p0 $0xFFFFFE00  }
.LBB2_1:
0x63: {  	s30 =	simm.s32 $0x0;
	s31 =	simm.s32 $0x200  }
.LBB2_2:
0x64: {  	p1 =	sne.s32 s31, $0x1E00;
	[tilespmem:s30+$0xA870] =	vst v0  }
0x65: {  	[tilespmem:s30+$0xA800] =	vst v0  }
0x66: {  	[tilespmem:s30+$0xA810] =	vst v0  }
.Ltmp2:
0x67: {  	[tilespmem:s30+$0xA820] =	vst v0;
	(pc) =	sbr.rel @p1 .LBB2_2-.Ltmp2, $4  }
0x68: {  	[tilespmem:s30+$0xA830] =	vst v0  }
0x69: {  	[tilespmem:s30+$0xA840] =	vst v0  }
0x6a: {  	[tilespmem:s30+$0xA850] =	vst v0  }
0x6b: {  	[tilespmem:s30+$0xA860] =	vst v0;
	s30 =	sshra.s32 s31, $0x2;
	s31 =	sadd.s32 $0x200, s31  }
0x6c: {  	[tilespmem:s30+$0xA870] =	vst v0  }
0x6d: {  	[tilespmem:s30+$0xA800] =	vst v0  }
0x6e: {  	[tilespmem:s30+$0xA810] =	vst v0  }
0x6f: {  	[tilespmem:s30+$0xA820] =	vst v0  }
0x70: {  	[tilespmem:s30+$0xA830] =	vst v0  }
0x71: {  	[tilespmem:s30+$0xA840] =	vst v0;
	p1 =	sne.s32 s6, $0x1  }
.Ltmp3:
0x72: {  	[tilespmem:s30+$0xA850] =	vst v0;
	(pc) =	sbr.rel @!p1 .LBB2_5-.Ltmp3, $4  }
0x73: {  	[tilespmem:s30+$0xA860] =	vst v0  }
0x74: {  	[spmem:s7] =	stream.linear.scatter [tilespmem:s19], [sflag:$0x4], $0x800, $0x38;
	[tilespmem:$0x1EB00] =	vst v63  }
0x75: {  	_ =	swait.ge [sflag:s20], $0x800  }
0x76: {  	s30 =	sadd.s32 $0xFFFFFFFF, s6;
	s31 =	smov.u32 s7;
	[sflag:s20] =	ssyncset.done $0x0  }
.LBB2_4:
0x77: {  	p1 =	sne.s32 s30, $0x1;
	[sflag:s20] =	ssyncadd.s32 $0xFFFFF800;
	s31 =	sadd.s32 $0x800, s31  }
.Ltmp4:
0x78: {  	s30 =	sadd.s32 $0xFFFFFFFF, s30;
	(pc) =	sbr.rel @p1 .LBB2_4-.Ltmp4, $4  }
0x79: {  	_ = 	snop  }
0x7a: {  	[spmem:s31] =	stream.linear.scatter [tilespmem:s19], [sflag:$0x4], $0x800, $0x38;
	[tilespmem:$0x1EB00] =	vst v63  }
0x7b: {  	_ =	swait.ge [sflag:s20], $0x800  }
0x7c: {  	[sflag:s20] =	ssyncset.done $0x0  }
.LBB2_5:
0x7d: {  	[sflag:s20] =	ssyncadd.s32 $0xFFFFF800  }
0x7e: {  	s30 =	simm.s32 $0x0;
	[bflag:$0x0] =	sbarrier.arrive $0xFFFF  }
0x7f: {  	[tilespmem:s30], [sflag:$0x4] =	stream.linear.gather [hbm4b:s8+s30], $0x1400, $0x38;
	[tilespmem:$0x1EB00] =	vst v63  }
0x80: {  	_ =	swait.ge [sflag:s20], $0x1400  }
0x81: {  	[sflag:s20] =	ssyncset.done $0x0  }
0x82: {  	[sflag:s20] =	ssyncadd.s32 $0xFFFFEC00  }
0x83: {  	[tilespmem:s21], [sflag:$0x4] =	stream.linear.gather [hbm4b:s9+s30], $0x1400, $0x38;
	[tilespmem:$0x1EB00] =	vst v63  }
.Ltmp5:
0x84: {  	_ = 	snop;
	(pc) =	sbr.rel .LBB2_6-.Ltmp5, $4  }
0x85: {  	_ =	swait.ge [sflag:s20], $0x1400  }
0x86: {  	[sflag:s20] =	ssyncset.done $0x0  }
0x87: {  	[sflag:s20] =	ssyncadd.s32 $0xFFFFEC00  }
0x88: {  	[tilespmem:s23], [sflag:$0x1] =	stream.indirect.gather [hbm4b:s4+s22], $0x80, s30, s22, $0xb8;
	[tilespmem:$0x1EB00] =	vst v63  }
.LBB2_8:
0x89: {  	p1 =	slt.u32 s31, $0x28  }
.Ltmp6:
0x8a: {  	_ = 	snop;
	(pc) =	sbr.rel @!p1 .LBB2_9-.Ltmp6, $4  }
0x8b: {  	_ =	swait.ge [sflag:s25], $0x4000;
	s0 =	sshll.u32 s30, $0x7;
	s1 =	sshll.u32 s1, $0xE  }
0x8c: {  	s30 =	smov.u32 s31;
	[sflag:s25] =	ssyncset.done $0x0;
	s0 =	sand.u32 $0x3FFFFF80, s0  }
0x8d: {  	s1 =	sor.u32 $0x2800, s1;
	[sflag:s25] =	ssyncadd.s32 $0xFFFFC000;
	s0 =	sadd.s32 $0x1400, s0  }
0x8e: {  	[spmem:s2] =	stream.indirect.scatter.add.f32 [tilespmem:s1], [sflag:$0x2], $0x80, s0, s22, $0xb8;
	[tilespmem:$0x1EB00] =	vst v63  }
.LBB2_6:
0x8f: {  	p1 =	seq.s32 s30, $0x0  }
0x90: {  	p2 =	seq.s32 @!p1 s30, $0x27  }
0x91: {  	p2 =	por p1, !p2  }
.Ltmp7:
0x92: {  	_ = 	snop;
	(pc) =	sbr.rel @!p2 .LBB2_8-.Ltmp7, $4  }
0x93: {  	s31 =	simm.s32 @!p1 $0x2  }
0x94: {  	_ =	swait.ge @!p1 [sflag:s31], $0x4000  }
0x95: {  	[sflag:s31] =	ssyncset.done @!p1 $0x0  }
0x96: {  	s1 =	sand.u32 $0x1, s30;
	[sflag:s31] =	ssyncadd.s32 @!p1 $0xFFFFC000;
	s31 =	simm.s32 @!p1 $0x28  }
.Ltmp8:
0x97: {  	s31 =	sadd.s32 @!p1 $0x1, s30;
	(pc) =	sbr.rel .LBB2_8-.Ltmp8, $4  }
0x98: {  	s31 =	simm.s32 @p1 $0x1  }
0x99: {  	s0 =	sshll.u32 s1, $0xE;
	s13 =	sshll.u32 s31, $0x7  }
0x9a: {  	s0 =	sxor.u32 $0x6800, s0;
	s13 =	sand.u32 $0x3FFFFF80, s13  }
0x9b: {  	[tilespmem:s0], [sflag:$0x1] =	stream.indirect.gather [hbm4b:s4+s22], $0x80, s13, s22, $0xb8;
	[tilespmem:$0x1EB00] =	vst v63  }
.LBB2_9:
0x9c: {  	_ =	swait.ge [sflag:s26], $0x4000  }
0x9d: {  	[sflag:s26] =	ssyncset.done $0x0  }
0x9e: {  	s0 =	sadd.s32 $0x280, s8;
	s30 =	simm.s32 $0x0;
	[sflag:s26] =	ssyncadd.s32 $0xFFFFC000  }
0x9f: {  	[tilespmem:s30], [sflag:$0x4] =	stream.linear.gather [hbm4b:s0+s30], $0x1380, $0x38;
	[tilespmem:$0x1EB00] =	vst v63  }
0xa0: {  	_ =	swait.ge [sflag:s20], $0x1380  }
0xa1: {  	[sflag:s20] =	ssyncset.done $0x0  }
0xa2: {  	s31 =	sadd.s32 $0x280, s9;
	[sflag:s20] =	ssyncadd.s32 $0xFFFFEC80  }
0xa3: {  	[tilespmem:s21], [sflag:$0x4] =	stream.linear.gather [hbm4b:s31+s30], $0x1380, $0x38;
	[tilespmem:$0x1EB00] =	vst v63  }
.Ltmp9:
0xa4: {  	_ = 	snop;
	(pc) =	sbr.rel .LBB2_10-.Ltmp9, $4  }
0xa5: {  	_ =	swait.ge [sflag:s20], $0x1380  }
0xa6: {  	[sflag:s20] =	ssyncset.done $0x0  }
0xa7: {  	[sflag:s20] =	ssyncadd.s32 $0xFFFFEC80  }
0xa8: {  	[tilespmem:s23], [sflag:$0x1] =	stream.indirect.gather [hbm4b:s4+s22], $0x80, s30, s22, $0xb8;
	[tilespmem:$0x1EB00] =	vst v63  }
.LBB2_12:
0xa9: {  	p1 =	slt.u32 s31, $0x27  }
.Ltmp10:
0xaa: {  	_ = 	snop;
	(pc) =	sbr.rel @!p1 .LBB2_13-.Ltmp10, $4  }
0xab: {  	_ =	swait.ge [sflag:s25], $0x4000;
	s0 =	sshll.u32 s30, $0x7;
	s1 =	sshll.u32 s1, $0xE  }
0xac: {  	s30 =	smov.u32 s31;
	[sflag:s25] =	ssyncset.done $0x0;
	s0 =	sand.u32 $0x3FFFFF80, s0  }
0xad: {  	s1 =	sor.u32 $0x2800, s1;
	[sflag:s25] =	ssyncadd.s32 $0xFFFFC000;
	s0 =	sadd.s32 $0x1400, s0  }
0xae: {  	[spmem:s2] =	stream.indirect.scatter.add.f32 [tilespmem:s1], [sflag:$0x2], $0x80, s0, s22, $0xb8;
	[tilespmem:$0x1EB00] =	vst v63  }
.LBB2_10:
0xaf: {  	p1 =	seq.s32 s30, $0x0  }
0xb0: {  	p2 =	seq.s32 @!p1 s30, $0x26  }
0xb1: {  	p2 =	por p1, !p2  }
.Ltmp11:
0xb2: {  	_ = 	snop;
	(pc) =	sbr.rel @!p2 .LBB2_12-.Ltmp11, $4  }
0xb3: {  	s0 =	simm.s32 @!p1 $0x2  }
0xb4: {  	_ =	swait.ge @!p1 [sflag:s0], $0x4000  }
0xb5: {  	[sflag:s0] =	ssyncset.done @!p1 $0x0  }
0xb6: {  	s1 =	sand.u32 $0x1, s30;
	s31 =	simm.s32 @!p1 $0x27;
	[sflag:s0] =	ssyncadd.s32 @!p1 $0xFFFFC000  }
.Ltmp12:
0xb7: {  	s31 =	sadd.s32 @!p1 $0x1, s30;
	(pc) =	sbr.rel .LBB2_12-.Ltmp12, $4  }
0xb8: {  	s31 =	simm.s32 @p1 $0x1  }
0xb9: {  	s0 =	sshll.u32 s1, $0xE;
	s13 =	sshll.u32 s31, $0x7  }
0xba: {  	s0 =	sxor.u32 $0x6800, s0;
	s13 =	sand.u32 $0x3FFFFF80, s13  }
0xbb: {  	[tilespmem:s0], [sflag:$0x1] =	stream.indirect.gather [hbm4b:s4+s22], $0x80, s13, s22, $0xb8;
	[tilespmem:$0x1EB00] =	vst v63  }
.LBB2_14:
0xbc: {  	_ =	sfence.sel $0x180000  }
0xbd: {  	[bflag:$0x0] =	sbarrier.arrive $0xFFFF  }
0xbe: {  	_ =	strace $0x9000004D  }
0xbf: {  	s0 =	stileid.u32;
	[bflag:$0x2] =	sbarrier.arrive $0xFFFF  }
0xc0: {  	p0 =	sne.s32 s0, $0x0;
	s0 =	rddreg [dreg:$0x2]  }
0xc1: {  	s0 =	sadd.s32 @!p0 $0x100000, s0  }
0xc2: {  	[sflag:s0] =	ssyncadd.tile.s32 @!p0 $0x1;
	_ =	shalt  }
.Lfunc_end2:
_tile_overlayer_lowered:
.L_overlay_start_2:
0xc3: {  	(tag) =	ssettag $0x2  }
0xc4: {  	s0 =	rddreg [dreg:$0x0];
	s2 =	stileid.u32  }
0xc5: {  	s1 =	rddreg [dreg:$0x1];
	p0 =	sne.s32 s2, $0x0  }
0xc6: {  	s3 =	rddreg [dreg:$0x2];
	[bflag:$0x3] =	sbarrier.arrive $0xFFFF;
	s2 =	simm.s32 @!p0 $0x1C04  }
0xc7: {  	[timem:s3], [sflag:s2] =	dma.local @!p0 [hbm:s0], s1  }
0xc8: {  	s0 =	simm.s32 @!p0 $0x4  }
0xc9: {  	_ =	swait.ge @!p0 [sflag:s0], s1  }
0xca: {  	s1 =	ssub.s32 @!p0 $0x0, s1;
	[sflag:s0] =	ssyncset.done @!p0 $0x0  }
0xcb: {  	[sflag:s0] =	ssyncadd.s32 @!p0 s1  }
0xcc: {  	[bflag:$0x3] =	sbarrier.arrive $0xFFFF  }
0xcd: {  	_ =	shalt  }

// kernel: kernel.8.cloned.1.call-start
scs
__scs_entry_jumppad:
0x0: {  	(pc) =	sbr.rel $0x88, $3  }
0x1: {  	(tag) =	ssettag $0x0;
	lr =	simm.s32 $0x1  }
0x2: {  	[smem:$0x3F90] =	sst lr;
	_ =	strace $0xD0000000  }
0x3: {  	_ = 	snop  }
0x4: {  	_ = 	snop  }
0x5: {  	_ = 	snop  }
0x6: {  	_ = 	snop  }
0x7: {  	_ = 	snop  }
__scs_overlays_trampoline_lowered:
0x8: {  	[smem:$0x3F9F] =	sst s0  }
0x9: {  	[smem:$0x3FA0] =	sst s1  }
0xa: {  	[smem:$0x3FA1] =	sst s2  }
0xb: {  	[smem:$0x3FA2] =	sst s3  }
0xc: {  	[smem:$0x3FA3] =	sst s4  }
0xd: {  	[smem:$0x3FA4] =	sst s5  }
0xe: {  	[smem:$0x3FA5] =	sst s6  }
0xf: {  	[smem:$0x3FA6] =	sst s7  }
0x10: {  	[smem:$0x3FA7] =	sst s8  }
0x11: {  	[smem:$0x3FA8] =	sst s9;
	s0 =	simm.s32 @!p0 $0x0  }
0x12: {  	s1 =	sld [smem:$0x3F8E];
	s0 =	simm.s32 @p0 $0x1  }
0x13: {  	[smem:$0x3FA9] =	sst s0;
	s0 =	simm.s32 @!p1 $0x0  }
0x14: {  	s2 =	sld [smem:$0x3F8D];
	s0 =	simm.s32 @p1 $0x1  }
0x15: {  	[smem:$0x3FAA] =	sst s0;
	s0 =	simm.s32 @!p2 $0x0  }
0x16: {  	s3 =	sld [smem:$0x3FDB];
	s0 =	simm.s32 @p2 $0x1  }
0x17: {  	s4 =	simm.s32 $0x1BF5;
	[smem:$0x3FAC] =	sst s0  }
0x18: {  	s0 =	sld [smem:$0x3F8F];
	_ =	swait.ge [sflag:s4], $0x0  }
0x19: {  	s7 =	sld [smem:$0x3F90]  }
0x1a: {  	s8 =	sadd.s32 $0xFFFFE003, lr  }
0x1b: {  	s9 =	sadd.s32 $0xFFFFFEF7, lr;
	s5 =	simm.s32 $0xFFFFFFFF;
	p2 =	slt.u32 s8, $0xFFFFF086  }
0x1c: {  	p1 =	slt.u32 s9, $0xF7A;
	s5 =	simm.s32 @!p2 $0x0  }
0x1d: {  	s5 =	simm.s32 @p1 $0x1;
	p0 =	seq.s32 s7, s2  }
0x1e: {  	s7 =	smul.u32 @!p0 $0xF7A, s2;
	p2 =	seq.s32 @!p0 s5, $0x0  }
0x1f: {  	s9 =	smul.u32 $0xF7A, s1;
	s8 =	simm.s32 @!p0 $0x1BF5;
	p2 =	por !p2, p0  }
0x20: {  	[sflag:s8] =	ssyncset.s32 @!p0 $0xFFFFF086;
	s6 =	sadd.s32 @!p0 s3, s7;
	s7 =	simm.s32 @!p0 $0x108  }
0x21: {  	s3 =	sadd.s32 s3, s9;
	s6 =	sadd.s32 @!p0 $0x88, s6;
	s7 =	simm.s32 @p2 $0x1082  }
0x22: {  	[simem:s7], [sflag:s8] =	dma.local @!p0 [hbm:s6], $0xF7A  }
0x23: {  	s9 =	sor.u32 $0xD0000000, s2;
	s6 =	simm.s32 $0x108;
	_ =	swait.ge @!p0 [sflag:s8], $0x0  }
0x24: {  	s3 =	sadd.s32 $0x88, s3;
	s6 =	simm.s32 @!p1 $0x1082;
	[sflag:s4] =	ssyncset.s32 $0xFFFFF086  }
0x25: {  	[simem:s6], [sflag:s4] =	dma.local [hbm:s3], $0xF7A  }
0x26: {  	[smem:$0x3F90] =	sst s1;
	(tag) =	ssettag s2;
	_ =	strace s9  }
0x27: {  	s1 =	sld [smem:$0x3FA0]  }
0x28: {  	s2 =	sld [smem:$0x3FA1]  }
0x29: {  	s4 =	sld [smem:$0x3FA3]  }
0x2a: {  	p0 =	seq.s32 s5, $0x0;
	s5 =	sld [smem:$0x3FA4]  }
0x2b: {  	s6 =	sld [smem:$0x3FA5]  }
0x2c: {  	s7 =	sld [smem:$0x3FA6]  }
0x2d: {  	s3 =	simm.s32 $0x108;
	s8 =	sld [smem:$0x3FA7]  }
0x2e: {  	s3 =	simm.s32 @!p0 $0x1082;
	s9 =	sld [smem:$0x3FA8]  }
0x2f: {  	lr =	sadd.s32 s0, s3;
	s0 =	sld [smem:$0x3F9F]  }
0x30: {  	s3 =	sld [smem:$0x3FA2]  }
0x31: {  	[smem:$0x3FAB] =	sst s10  }
0x32: {  	s10 =	sld [smem:$0x3FA9];
	_ =	sdelay $0x3  }
0x33: {  	p0 =	seq.s32 s10, $0x1;
	s10 =	sld [smem:$0x3FAB];
	_ =	sdelay $0x3  }
0x34: {  	[smem:$0x3FAB] =	sst s10  }
0x35: {  	s10 =	sld [smem:$0x3FAA];
	_ =	sdelay $0x3  }
0x36: {  	p1 =	seq.s32 s10, $0x1;
	s10 =	sld [smem:$0x3FAB];
	_ =	sdelay $0x3  }
0x37: {  	[smem:$0x3FAB] =	sst s10  }
0x38: {  	s10 =	sld [smem:$0x3FAC]  }
0x39: {  	_ = 	snop;
	(pc) =	sbr.ind lr, $3  }
0x3a: {  	_ = 	snop  }
0x3b: {  	_ = 	snop  }
0x3c: {  	p2 =	seq.s32 s10, $0x1;
	s10 =	sld [smem:$0x3FAB]  }
0x3d: {  	_ =	shalt  }
0x3e: {  	_ =	shalt  }
0x3f: {  	_ =	shalt  }
0x40: {  	_ =	shalt  }
0x41: {  	_ =	shalt  }
0x42: {  	_ =	shalt  }
0x43: {  	_ =	shalt  }
0x44: {  	_ =	shalt  }
0x45: {  	_ =	shalt  }
0x46: {  	_ =	shalt  }
0x47: {  	_ =	shalt  }
0x48: {  	_ =	shalt  }
0x49: {  	_ =	shalt  }
0x4a: {  	_ =	shalt  }
0x4b: {  	_ =	shalt  }
0x4c: {  	_ =	shalt  }
0x4d: {  	_ =	shalt  }
0x4e: {  	_ =	shalt  }
0x4f: {  	_ =	shalt  }
0x50: {  	_ =	shalt  }
0x51: {  	_ =	shalt  }
0x52: {  	_ =	shalt  }
0x53: {  	_ =	shalt  }
0x54: {  	_ =	shalt  }
0x55: {  	_ =	shalt  }
0x56: {  	_ =	shalt  }
0x57: {  	_ =	shalt  }
0x58: {  	_ =	shalt  }
0x59: {  	_ =	shalt  }
0x5a: {  	_ =	shalt  }
0x5b: {  	_ =	shalt  }
0x5c: {  	_ =	shalt  }
0x5d: {  	_ =	shalt  }
0x5e: {  	_ =	shalt  }
0x5f: {  	_ =	shalt  }
0x60: {  	_ =	shalt  }
0x61: {  	_ =	shalt  }
0x62: {  	_ =	shalt  }
0x63: {  	_ =	shalt  }
0x64: {  	_ =	shalt  }
0x65: {  	_ =	shalt  }
0x66: {  	_ =	shalt  }
0x67: {  	_ =	shalt  }
0x68: {  	_ =	shalt  }
0x69: {  	_ =	shalt  }
0x6a: {  	_ =	shalt  }
0x6b: {  	_ =	shalt  }
0x6c: {  	_ =	shalt  }
0x6d: {  	_ =	shalt  }
0x6e: {  	_ =	shalt  }
0x6f: {  	_ =	shalt  }
0x70: {  	_ =	shalt  }
0x71: {  	_ =	shalt  }
0x72: {  	_ =	shalt  }
0x73: {  	_ =	shalt  }
0x74: {  	_ =	shalt  }
0x75: {  	_ =	shalt  }
0x76: {  	_ =	shalt  }
0x77: {  	_ =	shalt  }
0x78: {  	_ =	shalt  }
0x79: {  	_ =	shalt  }
0x7a: {  	_ =	shalt  }
0x7b: {  	_ =	shalt  }
0x7c: {  	_ =	shalt  }
0x7d: {  	_ =	shalt  }
0x7e: {  	_ =	shalt  }
0x7f: {  	_ =	shalt  }
0x80: {  	_ =	shalt  }
0x81: {  	_ =	shalt  }
0x82: {  	_ =	shalt  }
0x83: {  	_ =	shalt  }
0x84: {  	_ =	shalt  }
0x85: {  	_ =	shalt  }
0x86: {  	_ =	shalt  }
0x87: {  	_ =	shalt  }
.Lfunc_end0:
.L_simem_size_0:
called_computation_lowered:
.L_overlay_start_0:
0x88: {  	s2 =	sld [smem:$0x3FD9]  }
0x89: {  	s3 =	sld [smem:$0x3FFE];
	_ =	sdelay $0x1  }
0x8a: {  	s1 =	srdreg.scid  }
0x8b: {  	s0 =	sand.u32 $0x1, s1  }
0x8c: {  	s16 =	sshll.u32 s0, $0xA;
	s2 =	sadd.s32 s3, s2  }
0x8d: {  	s2 =	sadd.s32 s2, s16  }
0x8e: {  	[smem:$0x3FB7] =	sst s2  }
0x8f: {  	_ = 	snop  }
0x90: {  	(tm) =	ssettm $0x1  }
0x91: {  	s17 =	sld [smem:$0x3FFB];
	_ =	sdelay $0x3  }
0x92: {  	_ =	strace s17  }
0x93: {  	s2 =	sld [smem:$0x3FFC];
	_ =	sdelay $0x3  }
0x94: {  	_ =	strace s2  }
0x95: {  	s2 =	sld [smem:$0x3FFD];
	_ =	sdelay $0x3  }
0x96: {  	_ =	strace s2  }
0x97: {  	_ =	strace $0x8FFFFFFF  }
0x98: {  	s18 =	sld [smem:$0x3FDB];
	_ =	sdelay $0x1  }
0x99: {  	s19 =	simm.s32 $_scs_section_size  }
0x9a: {  	s4 =	simm.s32 $_size__tile_overlayer_lowered;
	s5 =	simm.s32 $_tile_overlayer_lowered  }
0x9b: {  	s22 =	simm.s32 $0x1BFF;
	s21 =	sshll.u32 s5, $0x1;
	s2 =	sadd.s32 s19, s18  }
0x9c: {  	s6 =	simm.s32 $0x0;
	s20 =	sshll.u32 s4, $0x1;
	s4 =	sadd.s32 s21, s2  }
0x9d: {  	[timem:s6], [sflag:s22] =	dma.local [hbm:s4], s20  }
0x9e: {  	_ =	swait.ge [sflag:s22], s20  }
0x9f: {  	s3 =	ssub.s32 $0x0, s20;
	[sflag:s22] =	ssyncset.done $0x0  }
0xa0: {  	[sflag:s22] =	ssyncadd.s32 s3;
	_ =	sdelay $0x1  }
0xa1: {  	s23 =	simm.s32 $0x1B8B  }
0xa2: {  	_ =	swait.ge [sflag:s23], $0x1  }
0xa3: {  	[sflag:s23] =	ssyncset.done $0x0  }
0xa4: {  	s25 =	simm.s32 $0x1B8E;
	s24 =	sld [smem:$0x3FFE];
	[sflag:s23] =	ssyncadd.s32 $0xFFFFFFFF  }
0xa5: {  	s26 =	simm.s32 $execute0_lowered;
	[smem:$0x3FD2] =	sst s25  }
0xa6: {  	s4 =	sshll.u32 s26, $0x1;
	_ =	strace $0x80000046;
	[dreg:$0x1] =	wrdreg $0xFFFFFFFF  }
0xa7: {  	s28 =	simm.s32 $_size_execute0_lowered;
	s2 =	sadd.s32 s2, s4;
	[dreg:$0x0] =	wrdreg $0x0  }
0xa8: {  	s4 =	sshll.u32 s28, $0x1;
	[dreg:$0x2] =	wrdreg s2  }
0xa9: {  	[dreg:$0x3] =	wrdreg s4  }
0xaa: {  	[dreg:$0x4] =	wrdreg $0xC0  }
0xab: {  	_ =	task [dreg:s6], $0x5FFFF  }
0xac: {  	[dreg:$0x1] =	wrdreg $0xFFFFFFFF  }
0xad: {  	[dreg:$0x0] =	wrdreg $0x60  }
0xae: {  	[dreg:$0x2] =	wrdreg s24  }
0xaf: {  	[dreg:$0x3] =	wrdreg $0x78000  }
0xb0: {  	[dreg:$0x4] =	wrdreg $0x7A780  }
0xb1: {  	[dreg:$0x5] =	wrdreg $0x9  }
0xb2: {  	_ =	task.clear_ibuf [dreg:s6], $0x6FFFF;
	_ =	strace $0x90000046  }
0xb3: {  	s29 =	simm.s32 $0x9;
	_ =	strace $0x80000048  }
0xb4: {  	_ =	swait.ge [sflag:s29], $0x1  }
0xb5: {  	[sflag:s29] =	ssyncadd.s32 $0xFFFFFFFF  }
0xb6: {  	_ =	strace $0x90000048  }
0xb7: {  	_ =	sfence  }
0xb8: {  	s30 =	sld [smem:$0x0];
	_ =	sdelay $0x2  }
0xb9: {  	s31 =	sshll.u32 s1, $0xD;
	s1 =	sshrl.u32 s1, $0x2  }
0xba: {  	s3 =	sand.u32 $0x4000, s31;
	s1 =	sadd.s32 s1, s30  }
0xbb: {  	s0 =	sor.u32 s3, s0;
	s1 =	sshll.u32 s1, $0x11  }
0xbc: {  	s0 =	sor.u32 s1, s0  }
0xbd: {  	s0 =	sadd.s32 $0x8F2B, s0  }
0xbe: {  	[sflag:s0] =	ssyncadd.remote.s32 $0x1  }
0xbf: {  	_ =	sfence.sel $0xFFFF  }
0xc0: {  	[dreg:$0x0] =	wrdreg $0xFFFFFFFF;
	(pc) =	sbr.abs _section_cstart, $3  }
0xc1: {  	[dreg:$0x1] =	wrdreg $0xFFFFFFFF  }
0xc2: {  	_ =	task.clear_ibuf [dreg:s6], $0x2FFFF;
	_ =	strace $0x9FFFFFFF  }
0xc3: {  	(tm) =	ssettm $0x7FFFFFFF  }
tec
execute0_lowered:
.L_overlay_start_1:
0x0: {  	(tag) =	ssettag $0x1  }
0x1: {  	s6 =	rddreg [dreg:$0x0]  }
0x2: {  	s0 =	srdreg.scid;
	s2 =	rddreg [dreg:$0x1]  }
0x3: {  	s3 =	rddreg [dreg:$0x2];
	s4 =	simm.s32 $0x0;
	s14 =	simm.s32 $0x1C42  }
0x4: {  	s15 =	simm.s32 $0x80;
	s16 =	simm.s32 $0x5000;
	s17 =	simm.s32 $0x2880  }
0x5: {  	s18 =	simm.s32 $0x100;
	s19 =	simm.s32 $0x2900;
	s20 =	simm.s32 $0x180  }
0x6: {  	s21 =	simm.s32 $0x2980;
	s22 =	simm.s32 $0x1;
	s24 =	simm.s32 $0x1C02  }
0x7: {  	s25 =	simm.s32 $0x0;
	s7 =	sand.u32 $0x1, s0;
	s0 =	stileid.u32  }
0x8: {  	[smem:$0x7FF] =	sst s4;
	s12 =	sadd.s32 $0x17800, s6;
	s13 =	sshrl.u32 s3, $0x3  }
0x9: {  	s23 =	sshrl.u32 s2, $0x3;
	s1 =	sshll.u32 s7, $0x4;
	s11 =	smul.u32 $0x4E40, s7  }
0xa: {  	s9 =	ssub.s32 $0x2, s7;
	s30 =	smul.u32 $0x9C8, s7;
	p0 =	sne.s32 s0, $0x0  }
0xb: {  	p1 =	seq.s32 s0, $0x1;
	s5 =	sor.u32 s0, s1;
	s1 =	rddreg [dreg:$0x3]  }
0xc: {  	s10 =	sshrl.u32 s9, $0x1;
	s5 =	smul.u32 $0x500, s5;
	s11 =	sshrl.u32 s11, $0x3  }
0xd: {  	_ =	strace $0x80000047;
	s10 =	ssub.s32 s9, s10;
	s31 =	sadd.s32 s12, s11  }
0xe: {  	s10 =	smax.u32 s10, $0x1;
	s11 =	simm.s32 $0x2;
	s8 =	sadd.s32 s5, s6  }
0xf: {  	s5 =	sadd.s32 $0x17200, s6;
	s9 =	sadd.s32 $0x4E4, s31;
	s6 =	sadd.s32 $0x3200, s8  }
0x10: {  	v0 =	vimm.f32 $1.000000000e+00;
	s7 =	sadd.s32 $0xD200, s8;
	s8 =	sadd.s32 s12, s30;
	s12 =	simm.s32 $0x2800  }
.LBB2_1:
0x11: {  	[tilespmem:s4], [sflag:$0x2] =	stream.linear.gather [hbm4b:s6+s4], $0x2780, $0x38;
	[tilespmem:$0x7CF0] =	vst v63  }
0x12: {  	_ =	swait.ge [sflag:s11], $0x2780  }
0x13: {  	[sflag:s11] =	ssyncset.done $0x0  }
0x14: {  	[sflag:s11] =	ssyncadd.s32 $0xFFFFD880  }
0x15: {  	[tilespmem:s12], [sflag:$0x2] =	stream.linear.gather [hbm4b:s7+s4], $0x2780, $0x38;
	[tilespmem:$0x7CF0] =	vst v63  }
0x16: {  	_ =	swait.ge [sflag:s11], $0x2780  }
0x17: {  	[sflag:s11] =	ssyncset.done $0x0  }
0x18: {  	[sflag:s11] =	ssyncadd.s32 $0xFFFFD880  }
0x19: {  	[tilespmem:$0x5000] =	vst v0  }
0x1a: {  	[tilespmem:$0x5010] =	vst v0  }
0x1b: {  	[tilespmem:$0x5020] =	vst v0  }
.Ltmp0:
0x1c: {  	[tilespmem:$0x5030] =	vst v0;
	(pc) =	sbr.rel @p1 .LBB2_4-.Ltmp0, $4  }
0x1d: {  	[tilespmem:$0x5040] =	vst v0  }
0x1e: {  	[tilespmem:$0x5050] =	vst v0  }
0x1f: {  	[tilespmem:$0x5060] =	vst v0  }
0x20: {  	[tilespmem:$0x5070] =	vst v0  }
.Ltmp1:
0x21: {  	(pc) =	sbr.rel @p0 .LBB2_6-.Ltmp1, $2  }
0x22: {  	_ =	sdelay $0x2  }
0x23: {  	p2 =	por $0x0, $0x0  }
.Ltmp2:
0x24: {  	(pc) =	sbr.rel .LBB2_5-.Ltmp2, $2  }
0x25: {  	_ =	sdelay $0x2  }
0x26: {  	[spmem:s23], [sflag:s24] =	dma.local [hbm:s5], $0x4F0  }
.LBB2_4:
0x27: {  	[spmem:s13], [sflag:s14] =	dma.local [hbm:s5], $0x4F0  }
.LBB2_5:
0x28: {  	_ =	swait.ge [sflag:s11], $0x4F0  }
0x29: {  	[sflag:s11] =	ssyncset.done $0x0  }
0x2a: {  	p2 =	por p0, p0;
	[sflag:s11] =	ssyncadd.s32 $0xFFFFFB10  }
.LBB2_6:
0x2b: {  	[bflag:$0x0] =	sbarrier.arrive $0xFFFF  }
0x2c: {  	[spmem:s2] =	stream.indirect.scatter.add.f32 [tilespmem:s16], [sflag:$0x1], $0x1, s4, s15, $0xb8;
	[tilespmem:$0x7CF0] =	vst v63  }
0x2d: {  	_ = 	snop  }
0x2e: {  	[spmem:s3] =	stream.indirect.scatter.add.f32 [tilespmem:s16], [sflag:$0x1], $0x1, s12, s15, $0xb8;
	[tilespmem:$0x7CF0] =	vst v63  }
0x2f: {  	_ = 	snop  }
0x30: {  	[spmem:s2] =	stream.indirect.scatter.add.f32 [tilespmem:s16], [sflag:$0x1], $0x1, s15, s15, $0xb8;
	[tilespmem:$0x7CF0] =	vst v63  }
0x31: {  	_ = 	snop  }
0x32: {  	[spmem:s3] =	stream.indirect.scatter.add.f32 [tilespmem:s16], [sflag:$0x1], $0x1, s17, s15, $0xb8;
	[tilespmem:$0x7CF0] =	vst v63  }
0x33: {  	_ = 	snop  }
0x34: {  	[spmem:s2] =	stream.indirect.scatter.add.f32 [tilespmem:s16], [sflag:$0x1], $0x1, s18, s15, $0xb8;
	[tilespmem:$0x7CF0] =	vst v63  }
0x35: {  	_ = 	snop  }
0x36: {  	[spmem:s3] =	stream.indirect.scatter.add.f32 [tilespmem:s16], [sflag:$0x1], $0x1, s19, s15, $0xb8;
	[tilespmem:$0x7CF0] =	vst v63  }
0x37: {  	_ = 	snop  }
0x38: {  	[spmem:s2] =	stream.indirect.scatter.add.f32 [tilespmem:s16], [sflag:$0x1], $0x1, s20, s15, $0xb8;
	[tilespmem:$0x7CF0] =	vst v63  }
0x39: {  	_ = 	snop  }
0x3a: {  	[spmem:s3] =	stream.indirect.scatter.add.f32 [tilespmem:s16], [sflag:$0x1], $0x1, s21, s15, $0xb8;
	[tilespmem:$0x7CF0] =	vst v63  }
0x3b: {  	_ =	swait.ge [sflag:s22], $0x80  }
0x3c: {  	[sflag:s22] =	ssyncset.done $0x0  }
0x3d: {  	[sflag:s22] =	ssyncadd.s32 $0xFFFFFF80  }
0x3e: {  	_ =	swait.ge [sflag:s22], $0x80  }
0x3f: {  	[sflag:s22] =	ssyncset.done $0x0  }
0x40: {  	s26 =	simm.s32 $0x200;
	[sflag:s22] =	ssyncadd.s32 $0xFFFFFF80  }
0x41: {  	[spmem:s2] =	stream.indirect.scatter.add.f32 [tilespmem:s16], [sflag:$0x1], $0x1, s26, s15, $0xb8;
	[tilespmem:$0x7CF0] =	vst v63  }
0x42: {  	s28 =	simm.s32 $0x2A00;
	s26 =	simm.s32 $0xA00  }
.LBB2_7:
0x43: {  	[spmem:s3] =	stream.indirect.scatter.add.f32 [tilespmem:s16], [sflag:$0x1], $0x1, s28, s15, $0xb8;
	[tilespmem:$0x7CF0] =	vst v63  }
0x44: {  	s28 =	smov.u32 s26  }
0x45: {  	p3 =	sne.s32 s26, $0x9C00;
	s26 =	sadd.s32 $0x200, s26;
	_ =	swait.ge [sflag:s22], $0x80  }
0x46: {  	[sflag:s22] =	ssyncset.done $0x0  }
0x47: {  	[sflag:s22] =	ssyncadd.s32 $0xFFFFFF80  }
.Ltmp3:
0x48: {  	_ =	swait.ge [sflag:s22], $0x80;
	(pc) =	sbr.rel @p3 .LBB2_7-.Ltmp3, $4  }
0x49: {  	[sflag:s22] =	ssyncset.done $0x0  }
0x4a: {  	s28 =	sshra.s32 s28, $0x2;
	[sflag:s22] =	ssyncadd.s32 $0xFFFFFF80  }
0x4b: {  	[spmem:s2] =	stream.indirect.scatter.add.f32 [tilespmem:s16], [sflag:$0x1], $0x1, s28, s15, $0xb8;
	[tilespmem:$0x7CF0] =	vst v63  }
0x4c: {  	s28 =	sadd.s32 $0x2800, s28  }
0x4d: {  	[spmem:s3] =	stream.indirect.scatter.add.f32 [tilespmem:s16], [sflag:$0x1], $0x1, s28, s15, $0xb8;
	[tilespmem:$0x7CF0] =	vst v63  }
0x4e: {  	_ =	swait.ge [sflag:s22], $0x80  }
0x4f: {  	[sflag:s22] =	ssyncset.done $0x0  }
0x50: {  	[sflag:s22] =	ssyncadd.s32 $0xFFFFFF80  }
0x51: {  	_ =	swait.ge [sflag:s22], $0x80  }
0x52: {  	[sflag:s22] =	ssyncset.done $0x0  }
0x53: {  	[sflag:s22] =	ssyncadd.s32 $0xFFFFFF80  }
0x54: {  	_ =	swait.ge [sflag:s22], $0x80  }
0x55: {  	[sflag:s22] =	ssyncset.done $0x0  }
0x56: {  	[sflag:s22] =	ssyncadd.s32 $0xFFFFFF80  }
0x57: {  	_ =	swait.ge [sflag:s22], $0x80  }
0x58: {  	[sflag:s22] =	ssyncset.done $0x0  }
0x59: {  	[sflag:s22] =	ssyncadd.s32 $0xFFFFFF80  }
0x5a: {  	_ =	swait.ge [sflag:s22], $0x80  }
0x5b: {  	[sflag:s22] =	ssyncset.done $0x0  }
0x5c: {  	[sflag:s22] =	ssyncadd.s32 $0xFFFFFF80  }
0x5d: {  	_ =	swait.ge [sflag:s22], $0x80  }
0x5e: {  	[sflag:s22] =	ssyncset.done $0x0  }
0x5f: {  	[sflag:s22] =	ssyncadd.s32 $0xFFFFFF80  }
0x60: {  	_ =	swait.ge [sflag:s22], $0x80  }
0x61: {  	[sflag:s22] =	ssyncset.done $0x0  }
0x62: {  	[sflag:s22] =	ssyncadd.s32 $0xFFFFFF80  }
0x63: {  	_ =	swait.ge [sflag:s22], $0x80  }
0x64: {  	[sflag:s22] =	ssyncset.done $0x0  }
0x65: {  	[sflag:s22] =	ssyncadd.s32 $0xFFFFFF80  }
0x66: {  	s26 =	simm.s32 @!p0 $0x5080;
	s28 =	simm.s32 @!p0 $0x2;
	[bflag:$0x0] =	sbarrier.arrive $0xFFFF  }
0x67: {  	[tilespmem:s26], [sflag:$0x2] =	stream.linear.gather @!p0 [spmem:s2], $0x2780, $0x38;
	[tilespmem:$0x7CF0] =	vst v63  }
0x68: {  	_ =	swait.ge @!p0 [sflag:s28], $0x2780  }
0x69: {  	[sflag:s28] =	ssyncset.done @!p0 $0x0  }
0x6a: {  	s29 =	simm.s32 @!p0 $0x0;
	[sflag:s28] =	ssyncadd.s32 @!p0 $0xFFFFD880  }
0x6b: {  	[hbm4b:s8+s29] =	stream.linear.scatter @!p0 [tilespmem:s26], [sflag:$0x2], $0x2720, $0x38;
	[tilespmem:$0x7CF0] =	vst v63  }
0x6c: {  	_ =	swait.ge @!p0 [sflag:s28], $0x2720  }
0x6d: {  	[sflag:s28] =	ssyncset.done @!p0 $0x0  }
0x6e: {  	s26 =	simm.s32 @p2 $0x5080;
	[sflag:s28] =	ssyncadd.s32 @!p0 $0xFFFFD8E0;
	s28 =	simm.s32 @p2 $0x2  }
0x6f: {  	[tilespmem:s26], [sflag:$0x2] =	stream.linear.gather @p2 [spmem:s3], $0x2780, $0x38;
	[tilespmem:$0x7CF0] =	vst v63  }
0x70: {  	s25 =	sadd.s32 $0x1, s25;
	_ =	swait.ge @p2 [sflag:s28], $0x2780  }
0x71: {  	p3 =	sne.s32 s25, s10;
	[sflag:s28] =	ssyncset.done @p2 $0x0  }
.Ltmp4:
0x72: {  	s29 =	simm.s32 @p2 $0x0;
	[sflag:s28] =	ssyncadd.s32 @p2 $0xFFFFD880;
	(pc) =	sbr.rel @p3 .LBB2_1-.Ltmp4, $4  }
0x73: {  	[hbm4b:s9+s29] =	stream.linear.scatter @p2 [tilespmem:s26], [sflag:$0x2], $0x2720, $0x38;
	[tilespmem:$0x7CF0] =	vst v63  }
0x74: {  	_ =	swait.ge @p2 [sflag:s28], $0x2720  }
0x75: {  	[sflag:s28] =	ssyncset.done @p2 $0x0  }
0x76: {  	[sflag:s28] =	ssyncadd.s32 @p2 $0xFFFFD8E0  }
0x77: {  	_ =	sfence.sel $0x180000  }
0x78: {  	[bflag:$0x0] =	sbarrier.arrive $0xFFFF  }
0x79: {  	p0 =	sne.s32 s0, $0x0;
	_ =	strace $0x90000047  }
0x7a: {  	s0 =	sadd.s32 @!p0 $0x100000, s1;
	[bflag:$0x2] =	sbarrier.arrive $0xFFFF  }
0x7b: {  	[sflag:s0] =	ssyncadd.tile.s32 @!p0 $0x1;
	_ =	shalt  }
.Lfunc_end2:
_tile_overlayer_lowered:
.L_overlay_start_2:
0x7c: {  	(tag) =	ssettag $0x2  }
0x7d: {  	s0 =	rddreg [dreg:$0x0];
	s2 =	stileid.u32  }
0x7e: {  	s1 =	rddreg [dreg:$0x1];
	p0 =	sne.s32 s2, $0x0  }
0x7f: {  	s3 =	rddreg [dreg:$0x2];
	[bflag:$0x3] =	sbarrier.arrive $0xFFFF;
	s2 =	simm.s32 @!p0 $0x1C02  }
0x80: {  	[timem:s3], [sflag:s2] =	dma.local @!p0 [hbm:s0], s1  }
0x81: {  	s0 =	simm.s32 @!p0 $0x2  }
0x82: {  	_ =	swait.ge @!p0 [sflag:s0], s1  }
0x83: {  	s1 =	ssub.s32 @!p0 $0x0, s1;
	[sflag:s0] =	ssyncset.done @!p0 $0x0  }
0x84: {  	[sflag:s0] =	ssyncadd.s32 @!p0 s1  }
0x85: {  	[bflag:$0x3] =	sbarrier.arrive $0xFFFF  }
0x86: {  	_ =	shalt  }

</sc_bundles>
